<compile_context>
chip_gen: v7x
topology: tpu7x:2x2x1
jax: 0.10.2.dev20260603
libtpu: 0.0.44.dev20260713+nightly
codegen_flags: <defaults>
</compile_context>

<pallas_src>
import functools

import jax
import jax.numpy as jnp
import numpy as np
from jax import lax
from jax.experimental import pallas as pl
from jax.experimental.pallas import tpu as pltpu
from jax.experimental.pallas import tpu_sc as plsc

L = 8
T = 1 << 16
P1 = np.int32(np.uint32(2654435761))
P2 = np.int32(805459861)
NWORKERS = 32
NCHUNKS = NWORKERS // L
STRIPE = 4096
LANES = 16


def _sc_encode(n):
    chunk = n // NCHUNKS
    nstripes = chunk // STRIPE
    groups = STRIPE // LANES
    mesh = plsc.VectorSubcoreMesh(core_axis_name="c", subcore_axis_name="s")

    @functools.partial(
        pl.kernel,
        out_type=jax.ShapeDtypeStruct((2 * L * n,), jnp.float32),
        mesh=mesh,
        scratch_types=[
            pltpu.VMEM((T,), jnp.int32),
            pltpu.VMEM((6 * STRIPE,), jnp.float32),
            pltpu.VMEM((2 * STRIPE,), jnp.float32),
            pltpu.VMEM((2 * STRIPE,), jnp.float32),
            pltpu.SemaphoreType.DMA,
            pltpu.SemaphoreType.DMA,
            pltpu.SemaphoreType.DMA,
            pltpu.SemaphoreType.DMA,
        ],
        compiler_params=pltpu.CompilerParams(use_tc_tiling_on_sc=False,
                                             needs_layout_passes=False),
    )
    def encode(uvi_f, ptab, out, tab_v, uv_v, e0_v, e1_v,
               sin_a, sin_b, sout_a, sout_b):
        wid = lax.axis_index("s") * 2 + lax.axis_index("c")
        level = wid % L
        chunk_id = wid // L
        res_i = lax.shift_left(np.int32(16), level)
        res_f = res_i.astype(jnp.float32)
        rp1 = res_i + 1
        is_dense = level < 2

        pltpu.sync_copy(ptab.at[pl.ds(level * T, T)], tab_v)

        def in_copies(s, uvoff, sem):
            base = chunk_id * chunk + jnp.minimum(s, nstripes - 1) * STRIPE
            for plane in range(3):
                yield (uvi_f.at[pl.ds(plane * n + base, STRIPE)],
                       uv_v.at[pl.ds(uvoff + plane * STRIPE, STRIPE)], sem)

        def out_copies(s, eoff, sem):
            base = chunk_id * chunk + s * STRIPE
            yield (e0_v.at[pl.ds(eoff, STRIPE)],
                   out.at[pl.ds(2 * level * n + base, STRIPE)], sem)
            yield (e1_v.at[pl.ds(eoff, STRIPE)],
                   out.at[pl.ds((2 * level + 1) * n + base, STRIPE)], sem)

        def start(copies):
            for src, dst, sem in copies:
                pltpu.async_copy(src, dst, sem)

        def wait(copies):
            for src, dst, sem in copies:
                pltpu.make_async_copy(src, dst, sem).wait()

        def make_pass(dense):
            def compute_stripe(uvoff, eoff):
                def group_body(g, _):
                    x = uv_v[pl.ds(uvoff + g * LANES, LANES)] * res_f
                    y = uv_v[pl.ds(uvoff + STRIPE + g * LANES, LANES)] * res_f
                    z = (uv_v[pl.ds(uvoff + 2 * STRIPE + g * LANES, LANES)]
                         * res_f)
                    ix = x.astype(jnp.int32)
                    iy = y.astype(jnp.int32)
                    iz = z.astype(jnp.int32)
                    wx = x - ix.astype(jnp.float32)
                    wy = y - iy.astype(jnp.float32)
                    wz = z - iz.astype(jnp.float32)
                    ixc = jnp.minimum(ix + 1, res_i)
                    iyc = jnp.minimum(iy + 1, res_i)
                    izc = jnp.minimum(iz + 1, res_i)
                    px = (ix, ixc)
                    if dense:
                        yz = tuple(rp1 * (py + rp1 * pz)
                                   for pz in (iz, izc) for py in (iy, iyc))
                    else:
                        hy = (iy * P1, iyc * P1)
                        hz = (iz * P2, izc * P2)
                        yz = tuple(hz[b] ^ hy[a]
                                   for b in range(2) for a in range(2))
                    sx = (1.0 - wx, wx)
                    sxy = tuple(sy * s for s in (1.0 - wy, wy) for sy in sx)
                    szw = (1.0 - wz, wz)
                    acc0 = jnp.zeros((LANES,), jnp.float32)
                    acc1 = jnp.zeros((LANES,), jnp.float32)
                    for corner in range(8):
                        ox = corner & 1
                        oy = (corner >> 1) & 1
                        oz = (corner >> 2) & 1
                        if dense:
                            idx = px[ox] + yz[oz * 2 + oy]
                        else:
                            idx = (px[ox] ^ yz[oz * 2 + oy]) & np.int32(T - 1)
                        word = plsc.load_gather(tab_v, [idx])
                        f0 = lax.bitcast_convert_type(word << 16, jnp.float32)
                        f1 = lax.bitcast_convert_type(word & np.int32(-65536),
                                                      jnp.float32)
                        wc = sxy[oy * 2 + ox] * szw[oz]
                        acc0 = acc0 + wc * f0
                        acc1 = acc1 + wc * f1
                    sl = pl.ds(eoff + g * LANES, LANES)
                    e0_v[sl] = acc0
                    e1_v[sl] = acc1
                    return ()

                lax.fori_loop(0, groups, group_body, (), unroll=False)

            def pair_body(k, _):
                s0 = 2 * k
                s1 = 2 * k + 1
                wait(in_copies(s0, 0, sin_a))
                compute_stripe(0, 0)
                start(in_copies(s0 + 2, 0, sin_a))
                start(out_copies(s0, 0, sout_a))
                wait(in_copies(s1, 3 * STRIPE, sin_b))
                compute_stripe(3 * STRIPE, STRIPE)
                start(in_copies(s1 + 2, 3 * STRIPE, sin_b))
                start(out_copies(s1, STRIPE, sout_b))
                wait(out_copies(s0, 0, sout_a))
                wait(out_copies(s1, STRIPE, sout_b))
                return ()

            def run():
                start(in_copies(np.int32(0), 0, sin_a))
                start(in_copies(np.int32(1), 3 * STRIPE, sin_b))
                lax.fori_loop(0, nstripes // 2, pair_body, (), unroll=False)
                wait(in_copies(np.int32(0), 0, sin_a))
                wait(in_copies(np.int32(0), 3 * STRIPE, sin_b))

            return run

        lax.cond(is_dense, make_pass(True), make_pass(False))

    return encode


def _mlp(enc_t, w1t, b1c, w2t, b2c, n, bn=32768):
    def body(e_ref, w1_ref, b1_ref, w2_ref, b2_ref, o_ref):
        e = e_ref[...]
        h = jnp.dot(w1_ref[...], e, preferred_element_type=jnp.float32)
        h = jnp.maximum(h + b1_ref[...], 0.0)
        zz = jnp.dot(w2_ref[...], h, preferred_element_type=jnp.float32)
        zz = zz + b2_ref[...]
        o_ref[...] = 1.0 / (1.0 + jnp.exp(-zz))

    return pl.pallas_call(
        body,
        grid=(n // bn,),
        in_specs=[
            pl.BlockSpec((2 * L, bn), lambda i: (0, i)),
            pl.BlockSpec((64, 2 * L), lambda i: (0, 0)),
            pl.BlockSpec((64, 1), lambda i: (0, 0)),
            pl.BlockSpec((1, 64), lambda i: (0, 0)),
            pl.BlockSpec((1, 1), lambda i: (0, 0)),
        ],
        out_specs=pl.BlockSpec((1, bn), lambda i: (0, i)),
        out_shape=jax.ShapeDtypeStruct((1, n), jnp.float32),
    )(enc_t, w1t, b1c, w2t, b2c)


def kernel(uvi, tables, W1, b1, W2, b2):
    n = uvi.shape[0]
    t16 = tables.astype(jnp.bfloat16)
    bits = lax.bitcast_convert_type(t16, jnp.uint16).astype(jnp.uint32)
    ptab = (bits[..., 0] | (bits[..., 1] << 16)).astype(jnp.int32)
    uvi_f = uvi.T.reshape(3 * n)
    ptab_f = ptab.reshape(L * T)
    w1t = W1.T
    b1c = b1.reshape(64, 1)
    w2t = W2.T
    b2c = b2.reshape(1, 1)

    enc_t = _sc_encode(n)(uvi_f, ptab_f).reshape(2 * L, n)
    mask_t = _mlp(enc_t, w1t, b1c, w2t, b2c, n)
    return mask_t.reshape(n, 1)

# --- scband reference (transcript-rebuilt; emitter-appended) ---
"""Pipeline reference for scband-implicit-mask-73778948211193 (READ-ONLY COPY).

The authoritative reference and input builder live on the scoring server;
editing this copy changes nothing except your own understanding.
"""

import jax, jax.numpy as jnp
import numpy as np

L = 8
F = 2
T = 1 << 16
N_MIN = 16
B_SCALE = float(np.exp(np.log(2048.0 / N_MIN) / (L - 1)))
RES = [int(np.round(N_MIN * (B_SCALE ** l))) for l in range(L)]
PRIMES = (1, 2654435761, 805459861)


def hash_grid_encode(uvi, tables):
    # Faithful instant-ngp / tcnn 'Grid/Hash' encoding with trilinear interpolation.
    n = uvi.shape[0]
    outs = []
    for l in range(L):
        res = RES[l]
        x = uvi * res
        x0f = jnp.floor(x)
        w = x - x0f                      # [n, 3] fractional weights
        x0 = x0f.astype(jnp.int32)
        level_feat = jnp.zeros((n, F), dtype=uvi.dtype)
        dense = (res + 1) ** 3 <= T      # tcnn uses dense indexing when grid fits
        for corner in range(8):
            ox = corner & 1
            oy = (corner >> 1) & 1
            oz = (corner >> 2) & 1
            pos = jnp.clip(x0 + jnp.array([ox, oy, oz], dtype=jnp.int32), 0, res)
            if dense:
                idx = pos[:, 0] + (res + 1) * (pos[:, 1] + (res + 1) * pos[:, 2])
            else:
                pu = pos.astype(jnp.uint32)
                h = (pu[:, 0] * jnp.uint32(PRIMES[0])) ^ \
                    (pu[:, 1] * jnp.uint32(PRIMES[1])) ^ \
                    (pu[:, 2] * jnp.uint32(PRIMES[2]))
                idx = (h % jnp.uint32(T)).astype(jnp.int32)
            wx = w[:, 0] if ox else (1.0 - w[:, 0])
            wy = w[:, 1] if oy else (1.0 - w[:, 1])
            wz = w[:, 2] if oz else (1.0 - w[:, 2])
            wc = (wx * wy * wz)[:, None]
            level_feat = level_feat + wc * jnp.take(tables[l], idx, axis=0)
        outs.append(level_feat)
    return jnp.concatenate(outs, axis=-1)   # [n, L*F] = [n, 16]


def setup_inputs(seed: int = 0) -> dict:
    key = jax.random.key(seed)
    k1, k2, k3, k4 = jax.random.split(key, 4)
    n = 262144
    uvi = jax.random.uniform(k1, (n, 3), dtype=jnp.float32)
    # Hash grid tables: [L, T, F], tcnn init uniform(-1e-4, 1e-4)
    tables = jax.random.uniform(k2, (L, T, F), dtype=jnp.float32,
                                minval=-1e-4, maxval=1e-4)
    d_enc = L * F  # 16
    W1 = jax.random.normal(k3, (d_enc, 64), dtype=jnp.float32) * (1.0 / np.sqrt(d_enc))
    b1 = jnp.zeros((64,), dtype=jnp.float32)
    W2 = jax.random.normal(k4, (64, 1), dtype=jnp.float32) * (1.0 / np.sqrt(64))
    b2 = jnp.zeros((1,), dtype=jnp.float32)
    return {"uvi": uvi, "tables": tables, "W1": W1, "b1": b1, "W2": W2, "b2": b2}


def reference(uvi, tables, W1, b1, W2, b2):
    enc = hash_grid_encode(uvi, tables)
    h = jax.nn.relu(enc @ W1 + b1)
    mask = jax.nn.sigmoid(h @ W2 + b2)
    return mask

if __name__ == "__main__":
    import jax
    _d = setup_inputs()
    print(jax.jit(kernel)(*tuple(_d.values())))

</pallas_src>

<mosaic_0001>
#map = affine_map<(d0, d1) -> (0)>
module attributes {stable_mosaic.version = 14 : i64} {
  func.func @encode(%arg0: i32, %arg1: i32, %arg2: memref<786432xf32, #tpu.memory_space<hbm>>, %arg3: memref<524288xi32, #tpu.memory_space<hbm>>, %arg4: memref<4194304xf32, #tpu.memory_space<hbm>>, %arg5: memref<65536xi32, #tpu.memory_space<vmem>>, %arg6: memref<24576xf32, #tpu.memory_space<vmem>>, %arg7: memref<8192xf32, #tpu.memory_space<vmem>>, %arg8: memref<8192xf32, #tpu.memory_space<vmem>>, %arg9: memref<!tpu.dma_semaphore, #tpu.memory_space<semaphore_mem>>, %arg10: memref<!tpu.dma_semaphore, #tpu.memory_space<semaphore_mem>>, %arg11: memref<!tpu.dma_semaphore, #tpu.memory_space<semaphore_mem>>, %arg12: memref<!tpu.dma_semaphore, #tpu.memory_space<semaphore_mem>>) attributes {dimension_semantics = [#tpu.dimension_semantics<core_parallel>, #tpu.dimension_semantics<subcore_parallel>], iteration_bounds = array<i64: 2, 16>, scalar_prefetch = 0 : i64, scratch_operands = 8 : i64, tpu.core_type = #tpu.core_type<sc_vector_subcore>, window_params = [{transform_indices = #map}, {transform_indices = #map}, {transform_indices = #map}]} {
    %mul3A = arith.constant 2 : i32
    %mul3A_0 = arith.muli %arg1, %mul3A : i32
    %add3A = arith.addi %mul3A_0, %arg0 : i32
    %jit3A = arith.constant 8 : i32
    %eq3A = arith.constant 0 : i32
    %eq3A_1 = arith.cmpi eq, %jit3A, %eq3A : i32
    %jit3A_2 = arith.constant 1 : i32
    %select_n3A = arith.select %eq3A_1, %jit3A_2, %jit3A : i32
    %rem3A = arith.remsi %add3A, %select_n3A : i32
    %ne3A = arith.constant 0 : i32
    %ne3A_3 = arith.cmpi ne, %rem3A, %ne3A : i32
    %lt3A = arith.constant 0 : i32
    %lt3A_4 = arith.cmpi slt, %rem3A, %lt3A : i32
    %lt3A_5 = arith.constant 0 : i32
    %lt3A_6 = arith.cmpi slt, %select_n3A, %lt3A_5 : i32
    %ne3A_7 = arith.xori %lt3A_4, %lt3A_6 : i1
    %and3A = arith.andi %ne3A_7, %ne3A_3 : i1
    %add3A_8 = arith.addi %rem3A, %select_n3A : i32
    %select_n3A_9 = arith.select %and3A, %add3A_8, %rem3A : i32
    %jit3A_10 = arith.constant 8 : i32
    %div3A = arith.divsi %add3A, %jit3A_10 : i32
    %sign3A = arith.constant 0 : i32
    %sign3A_11 = arith.cmpi sgt, %add3A, %sign3A : i32
    %sign3A_12 = arith.extui %sign3A_11 : i1 to i32
    %sign3A_13 = arith.constant 0 : i32
    %sign3A_14 = arith.cmpi slt, %add3A, %sign3A_13 : i32
    %sign3A_15 = arith.extui %sign3A_14 : i1 to i32
    %sign3A_16 = arith.subi %sign3A_12, %sign3A_15 : i32
    %sign3A_17 = arith.constant 0 : i32
    %sign3A_18 = arith.cmpi sgt, %jit3A_10, %sign3A_17 : i32
    %sign3A_19 = arith.extui %sign3A_18 : i1 to i32
    %sign3A_20 = arith.constant 0 : i32
    %sign3A_21 = arith.cmpi slt, %jit3A_10, %sign3A_20 : i32
    %sign3A_22 = arith.extui %sign3A_21 : i1 to i32
    %sign3A_23 = arith.subi %sign3A_19, %sign3A_22 : i32
    %ne3A_24 = arith.cmpi ne, %sign3A_16, %sign3A_23 : i32
    %rem3A_25 = arith.remsi %add3A, %jit3A_10 : i32
    %ne3A_26 = arith.constant 0 : i32
    %ne3A_27 = arith.cmpi ne, %rem3A_25, %ne3A_26 : i32
    %and3A_28 = arith.andi %ne3A_24, %ne3A_27 : i1
    %sub3A = arith.constant 1 : i32
    %sub3A_29 = arith.subi %div3A, %sub3A : i32
    %select_n3A_30 = arith.select %and3A_28, %sub3A_29, %div3A : i32
    %shift_left3A = arith.constant 16 : i32
    %shift_left3A_31 = arith.shli %shift_left3A, %select_n3A_9 : i32
    %convert_element_type3A = arith.sitofp %shift_left3A_31 : i32 to f32
    %add3A_32 = arith.constant 1 : i32
    %add3A_33 = arith.addi %shift_left3A_31, %add3A_32 : i32
    %lt3A_34 = arith.constant 2 : i32
    %lt3A_35 = arith.cmpi slt, %select_n3A_9, %lt3A_34 : i32
    %mul3A_36 = arith.constant 65536 : i32
    %mul3A_37 = arith.muli %select_n3A_9, %mul3A_36 : i32
    "tpu.region"() ({
      %run_scoped3A = tpu.sem_alloc : memref<!tpu.dma_semaphore, #tpu.memory_space<semaphore_mem>>
      %dma_start3A = tpu.memref_slice %arg3[%mul3A_37] : memref<524288xi32, #tpu.memory_space<hbm>> -> memref<65536xi32, #tpu.memory_space<hbm>>
      %dma_start3A_40 = tpu.memref_slice %arg3[%mul3A_37] : memref<524288xi32, #tpu.memory_space<hbm>> -> memref<65536xi32, #tpu.memory_space<hbm>>
      tpu.enqueue_dma source(%dma_start3A_40 : memref<65536xi32, #tpu.memory_space<hbm>>) target(%arg5 : memref<65536xi32, #tpu.memory_space<vmem>>) target_semaphore(%run_scoped3A : memref<!tpu.dma_semaphore, #tpu.memory_space<semaphore_mem>>)
      %dma_wait3A = tpu.memref_slice %arg3[%mul3A_37] : memref<524288xi32, #tpu.memory_space<hbm>> -> memref<65536xi32, #tpu.memory_space<hbm>>
      %dma_wait3A_41 = tpu.memref_slice %arg3[%mul3A_37] : memref<524288xi32, #tpu.memory_space<hbm>> -> memref<65536xi32, #tpu.memory_space<hbm>>
      tpu.wait_dma2 semaphore(%run_scoped3A : memref<!tpu.dma_semaphore, #tpu.memory_space<semaphore_mem>>) src(%dma_wait3A_41 : memref<65536xi32, #tpu.memory_space<hbm>>) dst(%arg5 : memref<65536xi32, #tpu.memory_space<vmem>>)
      tpu.yield
    }) : () -> ()
    %convert_element_type3A_38 = arith.extui %lt3A_35 : i1 to i32
    %cond3A = arith.constant 0 : i32
    %cond3A_39 = arith.cmpi ne, %convert_element_type3A_38, %cond3A : i32
    scf.if %cond3A_39 {
      %mul3A_40 = arith.constant 65536 : i32
      %mul3A_41 = arith.muli %select_n3A_30, %mul3A_40 : i32
      %min3A = arith.constant 0 : i32
      %min3A_42 = arith.constant 15 : i32
      %min3A_43 = arith.minsi %min3A, %min3A_42 : i32
      %mul3A_44 = arith.constant 4096 : i32
      %mul3A_45 = arith.muli %min3A_43, %mul3A_44 : i32
      %add3A_46 = arith.addi %mul3A_41, %mul3A_45 : i32
      %add3A_47 = arith.constant 0 : i32
      %add3A_48 = arith.addi %add3A_47, %add3A_46 : i32
      %dma_start3A = arith.constant 0 : i32
      %dma_start3A_49 = tpu.memref_slice %arg6[%dma_start3A] : memref<24576xf32, #tpu.memory_space<vmem>> -> memref<4096xf32, #tpu.memory_space<vmem>>
      %dma_start3A_50 = tpu.memref_slice %arg2[%add3A_48] : memref<786432xf32, #tpu.memory_space<hbm>> -> memref<4096xf32, #tpu.memory_space<hbm>>
      %dma_start3A_51 = arith.constant 0 : i32
      %dma_start3A_52 = tpu.memref_slice %arg6[%dma_start3A_51] : memref<24576xf32, #tpu.memory_space<vmem>> -> memref<4096xf32, #tpu.memory_space<vmem>>
      %dma_start3A_53 = tpu.memref_slice %arg2[%add3A_48] : memref<786432xf32, #tpu.memory_space<hbm>> -> memref<4096xf32, #tpu.memory_space<hbm>>
      tpu.enqueue_dma source(%dma_start3A_53 : memref<4096xf32, #tpu.memory_space<hbm>>) target(%dma_start3A_52 : memref<4096xf32, #tpu.memory_space<vmem>>) target_semaphore(%arg9 : memref<!tpu.dma_semaphore, #tpu.memory_space<semaphore_mem>>)
      %add3A_54 = arith.constant 262144 : i32
      %add3A_55 = arith.addi %add3A_54, %add3A_46 : i32
      %dma_start3A_56 = arith.constant 4096 : i32
      %dma_start3A_57 = tpu.memref_slice %arg6[%dma_start3A_56] : memref<24576xf32, #tpu.memory_space<vmem>> -> memref<4096xf32, #tpu.memory_space<vmem>>
      %dma_start3A_58 = tpu.memref_slice %arg2[%add3A_55] : memref<786432xf32, #tpu.memory_space<hbm>> -> memref<4096xf32, #tpu.memory_space<hbm>>
      %dma_start3A_59 = arith.constant 4096 : i32
      %dma_start3A_60 = tpu.memref_slice %arg6[%dma_start3A_59] : memref<24576xf32, #tpu.memory_space<vmem>> -> memref<4096xf32, #tpu.memory_space<vmem>>
      %dma_start3A_61 = tpu.memref_slice %arg2[%add3A_55] : memref<786432xf32, #tpu.memory_space<hbm>> -> memref<4096xf32, #tpu.memory_space<hbm>>
      tpu.enqueue_dma source(%dma_start3A_61 : memref<4096xf32, #tpu.memory_space<hbm>>) target(%dma_start3A_60 : memref<4096xf32, #tpu.memory_space<vmem>>) target_semaphore(%arg9 : memref<!tpu.dma_semaphore, #tpu.memory_space<semaphore_mem>>)
      %add3A_62 = arith.constant 524288 : i32
      %add3A_63 = arith.addi %add3A_62, %add3A_46 : i32
      %dma_start3A_64 = arith.constant 8192 : i32
      %dma_start3A_65 = tpu.memref_slice %arg6[%dma_start3A_64] : memref<24576xf32, #tpu.memory_space<vmem>> -> memref<4096xf32, #tpu.memory_space<vmem>>
      %dma_start3A_66 = tpu.memref_slice %arg2[%add3A_63] : memref<786432xf32, #tpu.memory_space<hbm>> -> memref<4096xf32, #tpu.memory_space<hbm>>
      %dma_start3A_67 = arith.constant 8192 : i32
      %dma_start3A_68 = tpu.memref_slice %arg6[%dma_start3A_67] : memref<24576xf32, #tpu.memory_space<vmem>> -> memref<4096xf32, #tpu.memory_space<vmem>>
      %dma_start3A_69 = tpu.memref_slice %arg2[%add3A_63] : memref<786432xf32, #tpu.memory_space<hbm>> -> memref<4096xf32, #tpu.memory_space<hbm>>
      tpu.enqueue_dma source(%dma_start3A_69 : memref<4096xf32, #tpu.memory_space<hbm>>) target(%dma_start3A_68 : memref<4096xf32, #tpu.memory_space<vmem>>) target_semaphore(%arg9 : memref<!tpu.dma_semaphore, #tpu.memory_space<semaphore_mem>>)
      %mul3A_70 = arith.constant 65536 : i32
      %mul3A_71 = arith.muli %select_n3A_30, %mul3A_70 : i32
      %min3A_72 = arith.constant 1 : i32
      %min3A_73 = arith.constant 15 : i32
      %min3A_74 = arith.minsi %min3A_72, %min3A_73 : i32
      %mul3A_75 = arith.constant 4096 : i32
      %mul3A_76 = arith.muli %min3A_74, %mul3A_75 : i32
      %add3A_77 = arith.addi %mul3A_71, %mul3A_76 : i32
      %add3A_78 = arith.constant 0 : i32
      %add3A_79 = arith.addi %add3A_78, %add3A_77 : i32
      %dma_start3A_80 = arith.constant 12288 : i32
      %dma_start3A_81 = tpu.memref_slice %arg6[%dma_start3A_80] : memref<24576xf32, #tpu.memory_space<vmem>> -> memref<4096xf32, #tpu.memory_space<vmem>>
      %dma_start3A_82 = tpu.memref_slice %arg2[%add3A_79] : memref<786432xf32, #tpu.memory_space<hbm>> -> memref<4096xf32, #tpu.memory_space<hbm>>
      %dma_start3A_83 = arith.constant 12288 : i32
      %dma_start3A_84 = tpu.memref_slice %arg6[%dma_start3A_83] : memref<24576xf32, #tpu.memory_space<vmem>> -> memref<4096xf32, #tpu.memory_space<vmem>>
      %dma_start3A_85 = tpu.memref_slice %arg2[%add3A_79] : memref<786432xf32, #tpu.memory_space<hbm>> -> memref<4096xf32, #tpu.memory_space<hbm>>
      tpu.enqueue_dma source(%dma_start3A_85 : memref<4096xf32, #tpu.memory_space<hbm>>) target(%dma_start3A_84 : memref<4096xf32, #tpu.memory_space<vmem>>) target_semaphore(%arg10 : memref<!tpu.dma_semaphore, #tpu.memory_space<semaphore_mem>>)
      %add3A_86 = arith.constant 262144 : i32
      %add3A_87 = arith.addi %add3A_86, %add3A_77 : i32
      %dma_start3A_88 = arith.constant 16384 : i32
      %dma_start3A_89 = tpu.memref_slice %arg6[%dma_start3A_88] : memref<24576xf32, #tpu.memory_space<vmem>> -> memref<4096xf32, #tpu.memory_space<vmem>>
      %dma_start3A_90 = tpu.memref_slice %arg2[%add3A_87] : memref<786432xf32, #tpu.memory_space<hbm>> -> memref<4096xf32, #tpu.memory_space<hbm>>
      %dma_start3A_91 = arith.constant 16384 : i32
      %dma_start3A_92 = tpu.memref_slice %arg6[%dma_start3A_91] : memref<24576xf32, #tpu.memory_space<vmem>> -> memref<4096xf32, #tpu.memory_space<vmem>>
      %dma_start3A_93 = tpu.memref_slice %arg2[%add3A_87] : memref<786432xf32, #tpu.memory_space<hbm>> -> memref<4096xf32, #tpu.memory_space<hbm>>
      tpu.enqueue_dma source(%dma_start3A_93 : memref<4096xf32, #tpu.memory_space<hbm>>) target(%dma_start3A_92 : memref<4096xf32, #tpu.memory_space<vmem>>) target_semaphore(%arg10 : memref<!tpu.dma_semaphore, #tpu.memory_space<semaphore_mem>>)
      %add3A_94 = arith.constant 524288 : i32
      %add3A_95 = arith.addi %add3A_94, %add3A_77 : i32
      %dma_start3A_96 = arith.constant 20480 : i32
      %dma_start3A_97 = tpu.memref_slice %arg6[%dma_start3A_96] : memref<24576xf32, #tpu.memory_space<vmem>> -> memref<4096xf32, #tpu.memory_space<vmem>>
      %dma_start3A_98 = tpu.memref_slice %arg2[%add3A_95] : memref<786432xf32, #tpu.memory_space<hbm>> -> memref<4096xf32, #tpu.memory_space<hbm>>
      %dma_start3A_99 = arith.constant 20480 : i32
      %dma_start3A_100 = tpu.memref_slice %arg6[%dma_start3A_99] : memref<24576xf32, #tpu.memory_space<vmem>> -> memref<4096xf32, #tpu.memory_space<vmem>>
      %dma_start3A_101 = tpu.memref_slice %arg2[%add3A_95] : memref<786432xf32, #tpu.memory_space<hbm>> -> memref<4096xf32, #tpu.memory_space<hbm>>
      tpu.enqueue_dma source(%dma_start3A_101 : memref<4096xf32, #tpu.memory_space<hbm>>) target(%dma_start3A_100 : memref<4096xf32, #tpu.memory_space<vmem>>) target_semaphore(%arg10 : memref<!tpu.dma_semaphore, #tpu.memory_space<semaphore_mem>>)
      %scan3A = arith.constant 0 : i32
      %scan3A_102 = arith.constant 8 : i32
      %scan3A_103 = arith.addi %scan3A, %scan3A_102 : i32
      %scan3A_104 = arith.constant 1 : i32
      scf.for %scan3A_169 = %scan3A to %scan3A_103 step %scan3A_104  : i32 {
        %mul3A_170 = arith.constant 2 : i32
        %mul3A_171 = arith.muli %mul3A_170, %scan3A_169 : i32
        %mul3A_172 = arith.constant 2 : i32
        %mul3A_173 = arith.muli %mul3A_172, %scan3A_169 : i32
        %add3A_174 = arith.constant 1 : i32
        %add3A_175 = arith.addi %mul3A_173, %add3A_174 : i32
        %mul3A_176 = arith.constant 65536 : i32
        %mul3A_177 = arith.muli %select_n3A_30, %mul3A_176 : i32
        %min3A_178 = arith.constant 15 : i32
        %min3A_179 = arith.minsi %mul3A_171, %min3A_178 : i32
        %mul3A_180 = arith.constant 4096 : i32
        %mul3A_181 = arith.muli %min3A_179, %mul3A_180 : i32
        %add3A_182 = arith.addi %mul3A_177, %mul3A_181 : i32
        %add3A_183 = arith.constant 0 : i32
        %add3A_184 = arith.addi %add3A_183, %add3A_182 : i32
        %dma_wait3A_185 = arith.constant 0 : i32
        %dma_wait3A_186 = tpu.memref_slice %arg6[%dma_wait3A_185] : memref<24576xf32, #tpu.memory_space<vmem>> -> memref<4096xf32, #tpu.memory_space<vmem>>
        %dma_wait3A_187 = tpu.memref_slice %arg2[%add3A_184] : memref<786432xf32, #tpu.memory_space<hbm>> -> memref<4096xf32, #tpu.memory_space<hbm>>
        %dma_wait3A_188 = arith.constant 0 : i32
        %dma_wait3A_189 = tpu.memref_slice %arg6[%dma_wait3A_188] : memref<24576xf32, #tpu.memory_space<vmem>> -> memref<4096xf32, #tpu.memory_space<vmem>>
        %dma_wait3A_190 = tpu.memref_slice %arg2[%add3A_184] : memref<786432xf32, #tpu.memory_space<hbm>> -> memref<4096xf32, #tpu.memory_space<hbm>>
        tpu.wait_dma2 semaphore(%arg9 : memref<!tpu.dma_semaphore, #tpu.memory_space<semaphore_mem>>) src(%dma_wait3A_190 : memref<4096xf32, #tpu.memory_space<hbm>>) dst(%dma_wait3A_189 : memref<4096xf32, #tpu.memory_space<vmem>>)
        %add3A_191 = arith.constant 262144 : i32
        %add3A_192 = arith.addi %add3A_191, %add3A_182 : i32
        %dma_wait3A_193 = arith.constant 4096 : i32
        %dma_wait3A_194 = tpu.memref_slice %arg6[%dma_wait3A_193] : memref<24576xf32, #tpu.memory_space<vmem>> -> memref<4096xf32, #tpu.memory_space<vmem>>
        %dma_wait3A_195 = tpu.memref_slice %arg2[%add3A_192] : memref<786432xf32, #tpu.memory_space<hbm>> -> memref<4096xf32, #tpu.memory_space<hbm>>
        %dma_wait3A_196 = arith.constant 4096 : i32
        %dma_wait3A_197 = tpu.memref_slice %arg6[%dma_wait3A_196] : memref<24576xf32, #tpu.memory_space<vmem>> -> memref<4096xf32, #tpu.memory_space<vmem>>
        %dma_wait3A_198 = tpu.memref_slice %arg2[%add3A_192] : memref<786432xf32, #tpu.memory_space<hbm>> -> memref<4096xf32, #tpu.memory_space<hbm>>
        tpu.wait_dma2 semaphore(%arg9 : memref<!tpu.dma_semaphore, #tpu.memory_space<semaphore_mem>>) src(%dma_wait3A_198 : memref<4096xf32, #tpu.memory_space<hbm>>) dst(%dma_wait3A_197 : memref<4096xf32, #tpu.memory_space<vmem>>)
        %add3A_199 = arith.constant 524288 : i32
        %add3A_200 = arith.addi %add3A_199, %add3A_182 : i32
        %dma_wait3A_201 = arith.constant 8192 : i32
        %dma_wait3A_202 = tpu.memref_slice %arg6[%dma_wait3A_201] : memref<24576xf32, #tpu.memory_space<vmem>> -> memref<4096xf32, #tpu.memory_space<vmem>>
        %dma_wait3A_203 = tpu.memref_slice %arg2[%add3A_200] : memref<786432xf32, #tpu.memory_space<hbm>> -> memref<4096xf32, #tpu.memory_space<hbm>>
        %dma_wait3A_204 = arith.constant 8192 : i32
        %dma_wait3A_205 = tpu.memref_slice %arg6[%dma_wait3A_204] : memref<24576xf32, #tpu.memory_space<vmem>> -> memref<4096xf32, #tpu.memory_space<vmem>>
        %dma_wait3A_206 = tpu.memref_slice %arg2[%add3A_200] : memref<786432xf32, #tpu.memory_space<hbm>> -> memref<4096xf32, #tpu.memory_space<hbm>>
        tpu.wait_dma2 semaphore(%arg9 : memref<!tpu.dma_semaphore, #tpu.memory_space<semaphore_mem>>) src(%dma_wait3A_206 : memref<4096xf32, #tpu.memory_space<hbm>>) dst(%dma_wait3A_205 : memref<4096xf32, #tpu.memory_space<vmem>>)
        %scan3A_207 = arith.constant 0 : i32
        %scan3A_208 = arith.constant 256 : i32
        %scan3A_209 = arith.addi %scan3A_207, %scan3A_208 : i32
        %scan3A_210 = arith.constant 1 : i32
        scf.for %scan3A_430 = %scan3A_207 to %scan3A_209 step %scan3A_210  : i32 {
          %mul3A_431 = arith.constant 16 : i32
          %mul3A_432 = arith.muli %scan3A_430, %mul3A_431 : i32
          %add3A_433 = arith.constant 0 : i32
          %add3A_434 = arith.addi %add3A_433, %mul3A_432 : i32
          %get3A = arith.index_cast %add3A_434 : i32 to index
          %get3A_435 = tpu.vector_load %arg6[%get3A] {strides = array<i32>} : memref<24576xf32, #tpu.memory_space<vmem>>, vector<16xf32>,
          %mul3A_436 = vector.broadcast %convert_element_type3A : f32 to vector<16xf32>
          %mul3A_437 = arith.mulf %get3A_435, %mul3A_436 : vector<16xf32>
          %mul3A_438 = arith.constant 16 : i32
          %mul3A_439 = arith.muli %scan3A_430, %mul3A_438 : i32
          %add3A_440 = arith.constant 4096 : i32
          %add3A_441 = arith.addi %add3A_440, %mul3A_439 : i32
          %get3A_442 = arith.index_cast %add3A_441 : i32 to index
          %get3A_443 = tpu.vector_load %arg6[%get3A_442] {strides = array<i32>} : memref<24576xf32, #tpu.memory_space<vmem>>, vector<16xf32>,
          %mul3A_444 = vector.broadcast %convert_element_type3A : f32 to vector<16xf32>
          %mul3A_445 = arith.mulf %get3A_443, %mul3A_444 : vector<16xf32>
          %mul3A_446 = arith.constant 16 : i32
          %mul3A_447 = arith.muli %scan3A_430, %mul3A_446 : i32
          %add3A_448 = arith.constant 8192 : i32
          %add3A_449 = arith.addi %add3A_448, %mul3A_447 : i32
          %get3A_450 = arith.index_cast %add3A_449 : i32 to index
          %get3A_451 = tpu.vector_load %arg6[%get3A_450] {strides = array<i32>} : memref<24576xf32, #tpu.memory_space<vmem>>, vector<16xf32>,
          %mul3A_452 = vector.broadcast %convert_element_type3A : f32 to vector<16xf32>
          %mul3A_453 = arith.mulf %get3A_451, %mul3A_452 : vector<16xf32>
          %convert_element_type3A_454 = arith.fptosi %mul3A_437 : vector<16xf32> to vector<16xi32>
          %convert_element_type3A_455 = arith.fptosi %mul3A_445 : vector<16xf32> to vector<16xi32>
          %convert_element_type3A_456 = arith.fptosi %mul3A_453 : vector<16xf32> to vector<16xi32>
          %convert_element_type3A_457 = arith.sitofp %convert_element_type3A_454 : vector<16xi32> to vector<16xf32>
          %sub3A_458 = arith.subf %mul3A_437, %convert_element_type3A_457 : vector<16xf32>
          %convert_element_type3A_459 = arith.sitofp %convert_element_type3A_455 : vector<16xi32> to vector<16xf32>
          %sub3A_460 = arith.subf %mul3A_445, %convert_element_type3A_459 : vector<16xf32>
          %convert_element_type3A_461 = arith.sitofp %convert_element_type3A_456 : vector<16xi32> to vector<16xf32>
          %sub3A_462 = arith.subf %mul3A_453, %convert_element_type3A_461 : vector<16xf32>
          %add3A_463 = arith.constant 1 : i32
          %add3A_464 = vector.broadcast %add3A_463 : i32 to vector<16xi32>
          %add3A_465 = arith.addi %convert_element_type3A_454, %add3A_464 : vector<16xi32>
          %min3A_466 = vector.broadcast %shift_left3A_31 : i32 to vector<16xi32>
          %min3A_467 = arith.minsi %add3A_465, %min3A_466 : vector<16xi32>
          %add3A_468 = arith.constant 1 : i32
          %add3A_469 = vector.broadcast %add3A_468 : i32 to vector<16xi32>
          %add3A_470 = arith.addi %convert_element_type3A_455, %add3A_469 : vector<16xi32>
          %min3A_471 = vector.broadcast %shift_left3A_31 : i32 to vector<16xi32>
          %min3A_472 = arith.minsi %add3A_470, %min3A_471 : vector<16xi32>
          %add3A_473 = arith.constant 1 : i32
          %add3A_474 = vector.broadcast %add3A_473 : i32 to vector<16xi32>
          %add3A_475 = arith.addi %convert_element_type3A_456, %add3A_474 : vector<16xi32>
          %min3A_476 = vector.broadcast %shift_left3A_31 : i32 to vector<16xi32>
          %min3A_477 = arith.minsi %add3A_475, %min3A_476 : vector<16xi32>
          %mul3A_478 = vector.broadcast %add3A_33 : i32 to vector<16xi32>
          %mul3A_479 = arith.muli %mul3A_478, %convert_element_type3A_456 : vector<16xi32>
          %add3A_480 = arith.addi %convert_element_type3A_455, %mul3A_479 : vector<16xi32>
          %mul3A_481 = vector.broadcast %add3A_33 : i32 to vector<16xi32>
          %mul3A_482 = arith.muli %mul3A_481, %add3A_480 : vector<16xi32>
          %mul3A_483 = vector.broadcast %add3A_33 : i32 to vector<16xi32>
          %mul3A_484 = arith.muli %mul3A_483, %convert_element_type3A_456 : vector<16xi32>
          %add3A_485 = arith.addi %min3A_472, %mul3A_484 : vector<16xi32>
          %mul3A_486 = vector.broadcast %add3A_33 : i32 to vector<16xi32>
          %mul3A_487 = arith.muli %mul3A_486, %add3A_485 : vector<16xi32>
          %mul3A_488 = vector.broadcast %add3A_33 : i32 to vector<16xi32>
          %mul3A_489 = arith.muli %mul3A_488, %min3A_477 : vector<16xi32>
          %add3A_490 = arith.addi %convert_element_type3A_455, %mul3A_489 : vector<16xi32>
          %mul3A_491 = vector.broadcast %add3A_33 : i32 to vector<16xi32>
          %mul3A_492 = arith.muli %mul3A_491, %add3A_490 : vector<16xi32>
          %mul3A_493 = vector.broadcast %add3A_33 : i32 to vector<16xi32>
          %mul3A_494 = arith.muli %mul3A_493, %min3A_477 : vector<16xi32>
          %add3A_495 = arith.addi %min3A_472, %mul3A_494 : vector<16xi32>
          %mul3A_496 = vector.broadcast %add3A_33 : i32 to vector<16xi32>
          %mul3A_497 = arith.muli %mul3A_496, %add3A_495 : vector<16xi32>
          %sub3A_498 = arith.constant 1.000000e+00 : f32
          %sub3A_499 = vector.broadcast %sub3A_498 : f32 to vector<16xf32>
          %sub3A_500 = arith.subf %sub3A_499, %sub3A_458 : vector<16xf32>
          %sub3A_501 = arith.constant 1.000000e+00 : f32
          %sub3A_502 = vector.broadcast %sub3A_501 : f32 to vector<16xf32>
          %sub3A_503 = arith.subf %sub3A_502, %sub3A_460 : vector<16xf32>
          %mul3A_504 = arith.mulf %sub3A_500, %sub3A_503 : vector<16xf32>
          %mul3A_505 = arith.mulf %sub3A_458, %sub3A_503 : vector<16xf32>
          %mul3A_506 = arith.mulf %sub3A_500, %sub3A_460 : vector<16xf32>
          %mul3A_507 = arith.mulf %sub3A_458, %sub3A_460 : vector<16xf32>
          %sub3A_508 = arith.constant 1.000000e+00 : f32
          %sub3A_509 = vector.broadcast %sub3A_508 : f32 to vector<16xf32>
          %sub3A_510 = arith.subf %sub3A_509, %sub3A_462 : vector<16xf32>
          %broadcast_in_dim3A = arith.constant 0.000000e+00 : f32
          %broadcast_in_dim3A_511 = vector.broadcast %broadcast_in_dim3A : f32 to vector<16xf32>
          %broadcast_in_dim3A_512 = arith.constant 0.000000e+00 : f32
          %broadcast_in_dim3A_513 = vector.broadcast %broadcast_in_dim3A_512 : f32 to vector<16xf32>
          %add3A_514 = arith.addi %convert_element_type3A_454, %mul3A_482 : vector<16xi32>
          %gather3A = tpu.vector_load_idx %arg5[%add3A_514] : memref<65536xi32, #tpu.memory_space<vmem>>[vector<16xi32>], vector<16xi32>,
          %shift_left3A_515 = arith.constant 16 : i32
          %shift_left3A_516 = vector.broadcast %shift_left3A_515 : i32 to vector<16xi32>
          %shift_left3A_517 = arith.shli %gather3A, %shift_left3A_516 : vector<16xi32>
          %bitcast_convert_type3A = tpu.bitcast %shift_left3A_517 : vector<16xi32> -> vector<16xf32>
          %and3A_518 = arith.constant -65536 : i32
          %and3A_519 = vector.broadcast %and3A_518 : i32 to vector<16xi32>
          %and3A_520 = arith.andi %gather3A, %and3A_519 : vector<16xi32>
          %bitcast_convert_type3A_521 = tpu.bitcast %and3A_520 : vector<16xi32> -> vector<16xf32>
          %mul3A_522 = arith.mulf %mul3A_504, %sub3A_510 : vector<16xf32>
          %mul3A_523 = arith.mulf %mul3A_522, %bitcast_convert_type3A : vector<16xf32>
          %add3A_524 = arith.addf %broadcast_in_dim3A_511, %mul3A_523 : vector<16xf32>
          %mul3A_525 = arith.mulf %mul3A_522, %bitcast_convert_type3A_521 : vector<16xf32>
          %add3A_526 = arith.addf %broadcast_in_dim3A_513, %mul3A_525 : vector<16xf32>
          %add3A_527 = arith.addi %min3A_467, %mul3A_482 : vector<16xi32>
          %gather3A_528 = tpu.vector_load_idx %arg5[%add3A_527] : memref<65536xi32, #tpu.memory_space<vmem>>[vector<16xi32>], vector<16xi32>,
          %shift_left3A_529 = arith.constant 16 : i32
          %shift_left3A_530 = vector.broadcast %shift_left3A_529 : i32 to vector<16xi32>
          %shift_left3A_531 = arith.shli %gather3A_528, %shift_left3A_530 : vector<16xi32>
          %bitcast_convert_type3A_532 = tpu.bitcast %shift_left3A_531 : vector<16xi32> -> vector<16xf32>
          %and3A_533 = arith.constant -65536 : i32
          %and3A_534 = vector.broadcast %and3A_533 : i32 to vector<16xi32>
          %and3A_535 = arith.andi %gather3A_528, %and3A_534 : vector<16xi32>
          %bitcast_convert_type3A_536 = tpu.bitcast %and3A_535 : vector<16xi32> -> vector<16xf32>
          %mul3A_537 = arith.mulf %mul3A_505, %sub3A_510 : vector<16xf32>
          %mul3A_538 = arith.mulf %mul3A_537, %bitcast_convert_type3A_532 : vector<16xf32>
          %add3A_539 = arith.addf %add3A_524, %mul3A_538 : vector<16xf32>
          %mul3A_540 = arith.mulf %mul3A_537, %bitcast_convert_type3A_536 : vector<16xf32>
          %add3A_541 = arith.addf %add3A_526, %mul3A_540 : vector<16xf32>
          %add3A_542 = arith.addi %convert_element_type3A_454, %mul3A_487 : vector<16xi32>
          %gather3A_543 = tpu.vector_load_idx %arg5[%add3A_542] : memref<65536xi32, #tpu.memory_space<vmem>>[vector<16xi32>], vector<16xi32>,
          %shift_left3A_544 = arith.constant 16 : i32
          %shift_left3A_545 = vector.broadcast %shift_left3A_544 : i32 to vector<16xi32>
          %shift_left3A_546 = arith.shli %gather3A_543, %shift_left3A_545 : vector<16xi32>
          %bitcast_convert_type3A_547 = tpu.bitcast %shift_left3A_546 : vector<16xi32> -> vector<16xf32>
          %and3A_548 = arith.constant -65536 : i32
          %and3A_549 = vector.broadcast %and3A_548 : i32 to vector<16xi32>
          %and3A_550 = arith.andi %gather3A_543, %and3A_549 : vector<16xi32>
          %bitcast_convert_type3A_551 = tpu.bitcast %and3A_550 : vector<16xi32> -> vector<16xf32>
          %mul3A_552 = arith.mulf %mul3A_506, %sub3A_510 : vector<16xf32>
          %mul3A_553 = arith.mulf %mul3A_552, %bitcast_convert_type3A_547 : vector<16xf32>
          %add3A_554 = arith.addf %add3A_539, %mul3A_553 : vector<16xf32>
          %mul3A_555 = arith.mulf %mul3A_552, %bitcast_convert_type3A_551 : vector<16xf32>
          %add3A_556 = arith.addf %add3A_541, %mul3A_555 : vector<16xf32>
          %add3A_557 = arith.addi %min3A_467, %mul3A_487 : vector<16xi32>
          %gather3A_558 = tpu.vector_load_idx %arg5[%add3A_557] : memref<65536xi32, #tpu.memory_space<vmem>>[vector<16xi32>], vector<16xi32>,
          %shift_left3A_559 = arith.constant 16 : i32
          %shift_left3A_560 = vector.broadcast %shift_left3A_559 : i32 to vector<16xi32>
          %shift_left3A_561 = arith.shli %gather3A_558, %shift_left3A_560 : vector<16xi32>
          %bitcast_convert_type3A_562 = tpu.bitcast %shift_left3A_561 : vector<16xi32> -> vector<16xf32>
          %and3A_563 = arith.constant -65536 : i32
          %and3A_564 = vector.broadcast %and3A_563 : i32 to vector<16xi32>
          %and3A_565 = arith.andi %gather3A_558, %and3A_564 : vector<16xi32>
          %bitcast_convert_type3A_566 = tpu.bitcast %and3A_565 : vector<16xi32> -> vector<16xf32>
          %mul3A_567 = arith.mulf %mul3A_507, %sub3A_510 : vector<16xf32>
          %mul3A_568 = arith.mulf %mul3A_567, %bitcast_convert_type3A_562 : vector<16xf32>
          %add3A_569 = arith.addf %add3A_554, %mul3A_568 : vector<16xf32>
          %mul3A_570 = arith.mulf %mul3A_567, %bitcast_convert_type3A_566 : vector<16xf32>
          %add3A_571 = arith.addf %add3A_556, %mul3A_570 : vector<16xf32>
          %add3A_572 = arith.addi %convert_element_type3A_454, %mul3A_492 : vector<16xi32>
          %gather3A_573 = tpu.vector_load_idx %arg5[%add3A_572] : memref<65536xi32, #tpu.memory_space<vmem>>[vector<16xi32>], vector<16xi32>,
          %shift_left3A_574 = arith.constant 16 : i32
          %shift_left3A_575 = vector.broadcast %shift_left3A_574 : i32 to vector<16xi32>
          %shift_left3A_576 = arith.shli %gather3A_573, %shift_left3A_575 : vector<16xi32>
          %bitcast_convert_type3A_577 = tpu.bitcast %shift_left3A_576 : vector<16xi32> -> vector<16xf32>
          %and3A_578 = arith.constant -65536 : i32
          %and3A_579 = vector.broadcast %and3A_578 : i32 to vector<16xi32>
          %and3A_580 = arith.andi %gather3A_573, %and3A_579 : vector<16xi32>
          %bitcast_convert_type3A_581 = tpu.bitcast %and3A_580 : vector<16xi32> -> vector<16xf32>
          %mul3A_582 = arith.mulf %mul3A_504, %sub3A_462 : vector<16xf32>
          %mul3A_583 = arith.mulf %mul3A_582, %bitcast_convert_type3A_577 : vector<16xf32>
          %add3A_584 = arith.addf %add3A_569, %mul3A_583 : vector<16xf32>
          %mul3A_585 = arith.mulf %mul3A_582, %bitcast_convert_type3A_581 : vector<16xf32>
          %add3A_586 = arith.addf %add3A_571, %mul3A_585 : vector<16xf32>
          %add3A_587 = arith.addi %min3A_467, %mul3A_492 : vector<16xi32>
          %gather3A_588 = tpu.vector_load_idx %arg5[%add3A_587] : memref<65536xi32, #tpu.memory_space<vmem>>[vector<16xi32>], vector<16xi32>,
          %shift_left3A_589 = arith.constant 16 : i32
          %shift_left3A_590 = vector.broadcast %shift_left3A_589 : i32 to vector<16xi32>
          %shift_left3A_591 = arith.shli %gather3A_588, %shift_left3A_590 : vector<16xi32>
          %bitcast_convert_type3A_592 = tpu.bitcast %shift_left3A_591 : vector<16xi32> -> vector<16xf32>
          %and3A_593 = arith.constant -65536 : i32
          %and3A_594 = vector.broadcast %and3A_593 : i32 to vector<16xi32>
          %and3A_595 = arith.andi %gather3A_588, %and3A_594 : vector<16xi32>
          %bitcast_convert_type3A_596 = tpu.bitcast %and3A_595 : vector<16xi32> -> vector<16xf32>
          %mul3A_597 = arith.mulf %mul3A_505, %sub3A_462 : vector<16xf32>
          %mul3A_598 = arith.mulf %mul3A_597, %bitcast_convert_type3A_592 : vector<16xf32>
          %add3A_599 = arith.addf %add3A_584, %mul3A_598 : vector<16xf32>
          %mul3A_600 = arith.mulf %mul3A_597, %bitcast_convert_type3A_596 : vector<16xf32>
          %add3A_601 = arith.addf %add3A_586, %mul3A_600 : vector<16xf32>
          %add3A_602 = arith.addi %convert_element_type3A_454, %mul3A_497 : vector<16xi32>
          %gather3A_603 = tpu.vector_load_idx %arg5[%add3A_602] : memref<65536xi32, #tpu.memory_space<vmem>>[vector<16xi32>], vector<16xi32>,
          %shift_left3A_604 = arith.constant 16 : i32
          %shift_left3A_605 = vector.broadcast %shift_left3A_604 : i32 to vector<16xi32>
          %shift_left3A_606 = arith.shli %gather3A_603, %shift_left3A_605 : vector<16xi32>
          %bitcast_convert_type3A_607 = tpu.bitcast %shift_left3A_606 : vector<16xi32> -> vector<16xf32>
          %and3A_608 = arith.constant -65536 : i32
          %and3A_609 = vector.broadcast %and3A_608 : i32 to vector<16xi32>
          %and3A_610 = arith.andi %gather3A_603, %and3A_609 : vector<16xi32>
          %bitcast_convert_type3A_611 = tpu.bitcast %and3A_610 : vector<16xi32> -> vector<16xf32>
          %mul3A_612 = arith.mulf %mul3A_506, %sub3A_462 : vector<16xf32>
          %mul3A_613 = arith.mulf %mul3A_612, %bitcast_convert_type3A_607 : vector<16xf32>
          %add3A_614 = arith.addf %add3A_599, %mul3A_613 : vector<16xf32>
          %mul3A_615 = arith.mulf %mul3A_612, %bitcast_convert_type3A_611 : vector<16xf32>
          %add3A_616 = arith.addf %add3A_601, %mul3A_615 : vector<16xf32>
          %add3A_617 = arith.addi %min3A_467, %mul3A_497 : vector<16xi32>
          %gather3A_618 = tpu.vector_load_idx %arg5[%add3A_617] : memref<65536xi32, #tpu.memory_space<vmem>>[vector<16xi32>], vector<16xi32>,
          %shift_left3A_619 = arith.constant 16 : i32
          %shift_left3A_620 = vector.broadcast %shift_left3A_619 : i32 to vector<16xi32>
          %shift_left3A_621 = arith.shli %gather3A_618, %shift_left3A_620 : vector<16xi32>
          %bitcast_convert_type3A_622 = tpu.bitcast %shift_left3A_621 : vector<16xi32> -> vector<16xf32>
          %and3A_623 = arith.constant -65536 : i32
          %and3A_624 = vector.broadcast %and3A_623 : i32 to vector<16xi32>
          %and3A_625 = arith.andi %gather3A_618, %and3A_624 : vector<16xi32>
          %bitcast_convert_type3A_626 = tpu.bitcast %and3A_625 : vector<16xi32> -> vector<16xf32>
          %mul3A_627 = arith.mulf %mul3A_507, %sub3A_462 : vector<16xf32>
          %mul3A_628 = arith.mulf %mul3A_627, %bitcast_convert_type3A_622 : vector<16xf32>
          %add3A_629 = arith.addf %add3A_614, %mul3A_628 : vector<16xf32>
          %mul3A_630 = arith.mulf %mul3A_627, %bitcast_convert_type3A_626 : vector<16xf32>
          %add3A_631 = arith.addf %add3A_616, %mul3A_630 : vector<16xf32>
          %mul3A_632 = arith.constant 16 : i32
          %mul3A_633 = arith.muli %scan3A_430, %mul3A_632 : i32
          %add3A_634 = arith.constant 0 : i32
          %add3A_635 = arith.addi %add3A_634, %mul3A_633 : i32
          %swap3A = arith.index_cast %add3A_635 : i32 to index
          %swap3A_636 = tpu.vector_load %arg7[%swap3A] {strides = array<i32>} : memref<8192xf32, #tpu.memory_space<vmem>>, vector<16xf32>,
          tpu.vector_store %arg7[%swap3A], %add3A_629 {strides = array<i32>} : memref<8192xf32, #tpu.memory_space<vmem>>, vector<16xf32>,
          %swap3A_637 = arith.index_cast %add3A_635 : i32 to index
          %swap3A_638 = tpu.vector_load %arg8[%swap3A_637] {strides = array<i32>} : memref<8192xf32, #tpu.memory_space<vmem>>, vector<16xf32>,
          tpu.vector_store %arg8[%swap3A_637], %add3A_631 {strides = array<i32>} : memref<8192xf32, #tpu.memory_space<vmem>>, vector<16xf32>,
        }
        %scan3A_211 = arith.constant 256 : i32
        %add3A_212 = arith.constant 2 : i32
        %add3A_213 = arith.addi %mul3A_171, %add3A_212 : i32
        %mul3A_214 = arith.constant 65536 : i32
        %mul3A_215 = arith.muli %select_n3A_30, %mul3A_214 : i32
        %min3A_216 = arith.constant 15 : i32
        %min3A_217 = arith.minsi %add3A_213, %min3A_216 : i32
        %mul3A_218 = arith.constant 4096 : i32
        %mul3A_219 = arith.muli %min3A_217, %mul3A_218 : i32
        %add3A_220 = arith.addi %mul3A_215, %mul3A_219 : i32
        %add3A_221 = arith.constant 0 : i32
        %add3A_222 = arith.addi %add3A_221, %add3A_220 : i32
        %dma_start3A_223 = arith.constant 0 : i32
        %dma_start3A_224 = tpu.memref_slice %arg6[%dma_start3A_223] : memref<24576xf32, #tpu.memory_space<vmem>> -> memref<4096xf32, #tpu.memory_space<vmem>>
        %dma_start3A_225 = tpu.memref_slice %arg2[%add3A_222] : memref<786432xf32, #tpu.memory_space<hbm>> -> memref<4096xf32, #tpu.memory_space<hbm>>
        %dma_start3A_226 = arith.constant 0 : i32
        %dma_start3A_227 = tpu.memref_slice %arg6[%dma_start3A_226] : memref<24576xf32, #tpu.memory_space<vmem>> -> memref<4096xf32, #tpu.memory_space<vmem>>
        %dma_start3A_228 = tpu.memref_slice %arg2[%add3A_222] : memref<786432xf32, #tpu.memory_space<hbm>> -> memref<4096xf32, #tpu.memory_space<hbm>>
        tpu.enqueue_dma source(%dma_start3A_228 : memref<4096xf32, #tpu.memory_space<hbm>>) target(%dma_start3A_227 : memref<4096xf32, #tpu.memory_space<vmem>>) target_semaphore(%arg9 : memref<!tpu.dma_semaphore, #tpu.memory_space<semaphore_mem>>)
        %add3A_229 = arith.constant 262144 : i32
        %add3A_230 = arith.addi %add3A_229, %add3A_220 : i32
        %dma_start3A_231 = arith.constant 4096 : i32
        %dma_start3A_232 = tpu.memref_slice %arg6[%dma_start3A_231] : memref<24576xf32, #tpu.memory_space<vmem>> -> memref<4096xf32, #tpu.memory_space<vmem>>
        %dma_start3A_233 = tpu.memref_slice %arg2[%add3A_230] : memref<786432xf32, #tpu.memory_space<hbm>> -> memref<4096xf32, #tpu.memory_space<hbm>>
        %dma_start3A_234 = arith.constant 4096 : i32
        %dma_start3A_235 = tpu.memref_slice %arg6[%dma_start3A_234] : memref<24576xf32, #tpu.memory_space<vmem>> -> memref<4096xf32, #tpu.memory_space<vmem>>
        %dma_start3A_236 = tpu.memref_slice %arg2[%add3A_230] : memref<786432xf32, #tpu.memory_space<hbm>> -> memref<4096xf32, #tpu.memory_space<hbm>>
        tpu.enqueue_dma source(%dma_start3A_236 : memref<4096xf32, #tpu.memory_space<hbm>>) target(%dma_start3A_235 : memref<4096xf32, #tpu.memory_space<vmem>>) target_semaphore(%arg9 : memref<!tpu.dma_semaphore, #tpu.memory_space<semaphore_mem>>)
        %add3A_237 = arith.constant 524288 : i32
        %add3A_238 = arith.addi %add3A_237, %add3A_220 : i32
        %dma_start3A_239 = arith.constant 8192 : i32
        %dma_start3A_240 = tpu.memref_slice %arg6[%dma_start3A_239] : memref<24576xf32, #tpu.memory_space<vmem>> -> memref<4096xf32, #tpu.memory_space<vmem>>
        %dma_start3A_241 = tpu.memref_slice %arg2[%add3A_238] : memref<786432xf32, #tpu.memory_space<hbm>> -> memref<4096xf32, #tpu.memory_space<hbm>>
        %dma_start3A_242 = arith.constant 8192 : i32
        %dma_start3A_243 = tpu.memref_slice %arg6[%dma_start3A_242] : memref<24576xf32, #tpu.memory_space<vmem>> -> memref<4096xf32, #tpu.memory_space<vmem>>
        %dma_start3A_244 = tpu.memref_slice %arg2[%add3A_238] : memref<786432xf32, #tpu.memory_space<hbm>> -> memref<4096xf32, #tpu.memory_space<hbm>>
        tpu.enqueue_dma source(%dma_start3A_244 : memref<4096xf32, #tpu.memory_space<hbm>>) target(%dma_start3A_243 : memref<4096xf32, #tpu.memory_space<vmem>>) target_semaphore(%arg9 : memref<!tpu.dma_semaphore, #tpu.memory_space<semaphore_mem>>)
        %mul3A_245 = arith.constant 65536 : i32
        %mul3A_246 = arith.muli %select_n3A_30, %mul3A_245 : i32
        %mul3A_247 = arith.constant 4096 : i32
        %mul3A_248 = arith.muli %mul3A_171, %mul3A_247 : i32
        %add3A_249 = arith.addi %mul3A_246, %mul3A_248 : i32
        %mul3A_250 = arith.constant 2 : i32
        %mul3A_251 = arith.muli %mul3A_250, %select_n3A_9 : i32
        %mul3A_252 = arith.constant 262144 : i32
        %mul3A_253 = arith.muli %mul3A_251, %mul3A_252 : i32
        %add3A_254 = arith.addi %mul3A_253, %add3A_249 : i32
        %dma_start3A_255 = arith.constant 0 : i32
        %dma_start3A_256 = tpu.memref_slice %arg7[%dma_start3A_255] : memref<8192xf32, #tpu.memory_space<vmem>> -> memref<4096xf32, #tpu.memory_space<vmem>>
        %dma_start3A_257 = tpu.memref_slice %arg4[%add3A_254] : memref<4194304xf32, #tpu.memory_space<hbm>> -> memref<4096xf32, #tpu.memory_space<hbm>>
        %dma_start3A_258 = tpu.memref_slice %arg4[%add3A_254] : memref<4194304xf32, #tpu.memory_space<hbm>> -> memref<4096xf32, #tpu.memory_space<hbm>>
        %dma_start3A_259 = arith.constant 0 : i32
        %dma_start3A_260 = tpu.memref_slice %arg7[%dma_start3A_259] : memref<8192xf32, #tpu.memory_space<vmem>> -> memref<4096xf32, #tpu.memory_space<vmem>>
        tpu.enqueue_dma source(%dma_start3A_260 : memref<4096xf32, #tpu.memory_space<vmem>>) target(%dma_start3A_258 : memref<4096xf32, #tpu.memory_space<hbm>>) target_semaphore(%arg11 : memref<!tpu.dma_semaphore, #tpu.memory_space<semaphore_mem>>)
        %mul3A_261 = arith.constant 2 : i32
        %mul3A_262 = arith.muli %mul3A_261, %select_n3A_9 : i32
        %add3A_263 = arith.constant 1 : i32
        %add3A_264 = arith.addi %mul3A_262, %add3A_263 : i32
        %mul3A_265 = arith.constant 262144 : i32
        %mul3A_266 = arith.muli %add3A_264, %mul3A_265 : i32
        %add3A_267 = arith.addi %mul3A_266, %add3A_249 : i32
        %dma_start3A_268 = arith.constant 0 : i32
        %dma_start3A_269 = tpu.memref_slice %arg8[%dma_start3A_268] : memref<8192xf32, #tpu.memory_space<vmem>> -> memref<4096xf32, #tpu.memory_space<vmem>>
        %dma_start3A_270 = tpu.memref_slice %arg4[%add3A_267] : memref<4194304xf32, #tpu.memory_space<hbm>> -> memref<4096xf32, #tpu.memory_space<hbm>>
        %dma_start3A_271 = tpu.memref_slice %arg4[%add3A_267] : memref<4194304xf32, #tpu.memory_space<hbm>> -> memref<4096xf32, #tpu.memory_space<hbm>>
        %dma_start3A_272 = arith.constant 0 : i32
        %dma_start3A_273 = tpu.memref_slice %arg8[%dma_start3A_272] : memref<8192xf32, #tpu.memory_space<vmem>> -> memref<4096xf32, #tpu.memory_space<vmem>>
        tpu.enqueue_dma source(%dma_start3A_273 : memref<4096xf32, #tpu.memory_space<vmem>>) target(%dma_start3A_271 : memref<4096xf32, #tpu.memory_space<hbm>>) target_semaphore(%arg11 : memref<!tpu.dma_semaphore, #tpu.memory_space<semaphore_mem>>)
        %mul3A_274 = arith.constant 65536 : i32
        %mul3A_275 = arith.muli %select_n3A_30, %mul3A_274 : i32
        %min3A_276 = arith.constant 15 : i32
        %min3A_277 = arith.minsi %add3A_175, %min3A_276 : i32
        %mul3A_278 = arith.constant 4096 : i32
        %mul3A_279 = arith.muli %min3A_277, %mul3A_278 : i32
        %add3A_280 = arith.addi %mul3A_275, %mul3A_279 : i32
        %add3A_281 = arith.constant 0 : i32
        %add3A_282 = arith.addi %add3A_281, %add3A_280 : i32
        %dma_wait3A_283 = arith.constant 12288 : i32
        %dma_wait3A_284 = tpu.memref_slice %arg6[%dma_wait3A_283] : memref<24576xf32, #tpu.memory_space<vmem>> -> memref<4096xf32, #tpu.memory_space<vmem>>
        %dma_wait3A_285 = tpu.memref_slice %arg2[%add3A_282] : memref<786432xf32, #tpu.memory_space<hbm>> -> memref<4096xf32, #tpu.memory_space<hbm>>
        %dma_wait3A_286 = arith.constant 12288 : i32
        %dma_wait3A_287 = tpu.memref_slice %arg6[%dma_wait3A_286] : memref<24576xf32, #tpu.memory_space<vmem>> -> memref<4096xf32, #tpu.memory_space<vmem>>
        %dma_wait3A_288 = tpu.memref_slice %arg2[%add3A_282] : memref<786432xf32, #tpu.memory_space<hbm>> -> memref<4096xf32, #tpu.memory_space<hbm>>
        tpu.wait_dma2 semaphore(%arg10 : memref<!tpu.dma_semaphore, #tpu.memory_space<semaphore_mem>>) src(%dma_wait3A_288 : memref<4096xf32, #tpu.memory_space<hbm>>) dst(%dma_wait3A_287 : memref<4096xf32, #tpu.memory_space<vmem>>)
        %add3A_289 = arith.constant 262144 : i32
        %add3A_290 = arith.addi %add3A_289, %add3A_280 : i32
        %dma_wait3A_291 = arith.constant 16384 : i32
        %dma_wait3A_292 = tpu.memref_slice %arg6[%dma_wait3A_291] : memref<24576xf32, #tpu.memory_space<vmem>> -> memref<4096xf32, #tpu.memory_space<vmem>>
        %dma_wait3A_293 = tpu.memref_slice %arg2[%add3A_290] : memref<786432xf32, #tpu.memory_space<hbm>> -> memref<4096xf32, #tpu.memory_space<hbm>>
        %dma_wait3A_294 = arith.constant 16384 : i32
        %dma_wait3A_295 = tpu.memref_slice %arg6[%dma_wait3A_294] : memref<24576xf32, #tpu.memory_space<vmem>> -> memref<4096xf32, #tpu.memory_space<vmem>>
        %dma_wait3A_296 = tpu.memref_slice %arg2[%add3A_290] : memref<786432xf32, #tpu.memory_space<hbm>> -> memref<4096xf32, #tpu.memory_space<hbm>>
        tpu.wait_dma2 semaphore(%arg10 : memref<!tpu.dma_semaphore, #tpu.memory_space<semaphore_mem>>) src(%dma_wait3A_296 : memref<4096xf32, #tpu.memory_space<hbm>>) dst(%dma_wait3A_295 : memref<4096xf32, #tpu.memory_space<vmem>>)
        %add3A_297 = arith.constant 524288 : i32
        %add3A_298 = arith.addi %add3A_297, %add3A_280 : i32
        %dma_wait3A_299 = arith.constant 20480 : i32
        %dma_wait3A_300 = tpu.memref_slice %arg6[%dma_wait3A_299] : memref<24576xf32, #tpu.memory_space<vmem>> -> memref<4096xf32, #tpu.memory_space<vmem>>
        %dma_wait3A_301 = tpu.memref_slice %arg2[%add3A_298] : memref<786432xf32, #tpu.memory_space<hbm>> -> memref<4096xf32, #tpu.memory_space<hbm>>
        %dma_wait3A_302 = arith.constant 20480 : i32
        %dma_wait3A_303 = tpu.memref_slice %arg6[%dma_wait3A_302] : memref<24576xf32, #tpu.memory_space<vmem>> -> memref<4096xf32, #tpu.memory_space<vmem>>
        %dma_wait3A_304 = tpu.memref_slice %arg2[%add3A_298] : memref<786432xf32, #tpu.memory_space<hbm>> -> memref<4096xf32, #tpu.memory_space<hbm>>
        tpu.wait_dma2 semaphore(%arg10 : memref<!tpu.dma_semaphore, #tpu.memory_space<semaphore_mem>>) src(%dma_wait3A_304 : memref<4096xf32, #tpu.memory_space<hbm>>) dst(%dma_wait3A_303 : memref<4096xf32, #tpu.memory_space<vmem>>)
        %scan3A_305 = arith.constant 0 : i32
        %scan3A_306 = arith.constant 256 : i32
        %scan3A_307 = arith.addi %scan3A_305, %scan3A_306 : i32
        %scan3A_308 = arith.constant 1 : i32
        scf.for %scan3A_430 = %scan3A_305 to %scan3A_307 step %scan3A_308  : i32 {
          %mul3A_431 = arith.constant 16 : i32
          %mul3A_432 = arith.muli %scan3A_430, %mul3A_431 : i32
          %add3A_433 = arith.constant 12288 : i32
          %add3A_434 = arith.addi %add3A_433, %mul3A_432 : i32
          %get3A = arith.index_cast %add3A_434 : i32 to index
          %get3A_435 = tpu.vector_load %arg6[%get3A] {strides = array<i32>} : memref<24576xf32, #tpu.memory_space<vmem>>, vector<16xf32>,
          %mul3A_436 = vector.broadcast %convert_element_type3A : f32 to vector<16xf32>
          %mul3A_437 = arith.mulf %get3A_435, %mul3A_436 : vector<16xf32>
          %mul3A_438 = arith.constant 16 : i32
          %mul3A_439 = arith.muli %scan3A_430, %mul3A_438 : i32
          %add3A_440 = arith.constant 16384 : i32
          %add3A_441 = arith.addi %add3A_440, %mul3A_439 : i32
          %get3A_442 = arith.index_cast %add3A_441 : i32 to index
          %get3A_443 = tpu.vector_load %arg6[%get3A_442] {strides = array<i32>} : memref<24576xf32, #tpu.memory_space<vmem>>, vector<16xf32>,
          %mul3A_444 = vector.broadcast %convert_element_type3A : f32 to vector<16xf32>
          %mul3A_445 = arith.mulf %get3A_443, %mul3A_444 : vector<16xf32>
          %mul3A_446 = arith.constant 16 : i32
          %mul3A_447 = arith.muli %scan3A_430, %mul3A_446 : i32
          %add3A_448 = arith.constant 20480 : i32
          %add3A_449 = arith.addi %add3A_448, %mul3A_447 : i32
          %get3A_450 = arith.index_cast %add3A_449 : i32 to index
          %get3A_451 = tpu.vector_load %arg6[%get3A_450] {strides = array<i32>} : memref<24576xf32, #tpu.memory_space<vmem>>, vector<16xf32>,
          %mul3A_452 = vector.broadcast %convert_element_type3A : f32 to vector<16xf32>
          %mul3A_453 = arith.mulf %get3A_451, %mul3A_452 : vector<16xf32>
          %convert_element_type3A_454 = arith.fptosi %mul3A_437 : vector<16xf32> to vector<16xi32>
          %convert_element_type3A_455 = arith.fptosi %mul3A_445 : vector<16xf32> to vector<16xi32>
          %convert_element_type3A_456 = arith.fptosi %mul3A_453 : vector<16xf32> to vector<16xi32>
          %convert_element_type3A_457 = arith.sitofp %convert_element_type3A_454 : vector<16xi32> to vector<16xf32>
          %sub3A_458 = arith.subf %mul3A_437, %convert_element_type3A_457 : vector<16xf32>
          %convert_element_type3A_459 = arith.sitofp %convert_element_type3A_455 : vector<16xi32> to vector<16xf32>
          %sub3A_460 = arith.subf %mul3A_445, %convert_element_type3A_459 : vector<16xf32>
          %convert_element_type3A_461 = arith.sitofp %convert_element_type3A_456 : vector<16xi32> to vector<16xf32>
          %sub3A_462 = arith.subf %mul3A_453, %convert_element_type3A_461 : vector<16xf32>
          %add3A_463 = arith.constant 1 : i32
          %add3A_464 = vector.broadcast %add3A_463 : i32 to vector<16xi32>
          %add3A_465 = arith.addi %convert_element_type3A_454, %add3A_464 : vector<16xi32>
          %min3A_466 = vector.broadcast %shift_left3A_31 : i32 to vector<16xi32>
          %min3A_467 = arith.minsi %add3A_465, %min3A_466 : vector<16xi32>
          %add3A_468 = arith.constant 1 : i32
          %add3A_469 = vector.broadcast %add3A_468 : i32 to vector<16xi32>
          %add3A_470 = arith.addi %convert_element_type3A_455, %add3A_469 : vector<16xi32>
          %min3A_471 = vector.broadcast %shift_left3A_31 : i32 to vector<16xi32>
          %min3A_472 = arith.minsi %add3A_470, %min3A_471 : vector<16xi32>
          %add3A_473 = arith.constant 1 : i32
          %add3A_474 = vector.broadcast %add3A_473 : i32 to vector<16xi32>
          %add3A_475 = arith.addi %convert_element_type3A_456, %add3A_474 : vector<16xi32>
          %min3A_476 = vector.broadcast %shift_left3A_31 : i32 to vector<16xi32>
          %min3A_477 = arith.minsi %add3A_475, %min3A_476 : vector<16xi32>
          %mul3A_478 = vector.broadcast %add3A_33 : i32 to vector<16xi32>
          %mul3A_479 = arith.muli %mul3A_478, %convert_element_type3A_456 : vector<16xi32>
          %add3A_480 = arith.addi %convert_element_type3A_455, %mul3A_479 : vector<16xi32>
          %mul3A_481 = vector.broadcast %add3A_33 : i32 to vector<16xi32>
          %mul3A_482 = arith.muli %mul3A_481, %add3A_480 : vector<16xi32>
          %mul3A_483 = vector.broadcast %add3A_33 : i32 to vector<16xi32>
          %mul3A_484 = arith.muli %mul3A_483, %convert_element_type3A_456 : vector<16xi32>
          %add3A_485 = arith.addi %min3A_472, %mul3A_484 : vector<16xi32>
          %mul3A_486 = vector.broadcast %add3A_33 : i32 to vector<16xi32>
          %mul3A_487 = arith.muli %mul3A_486, %add3A_485 : vector<16xi32>
          %mul3A_488 = vector.broadcast %add3A_33 : i32 to vector<16xi32>
          %mul3A_489 = arith.muli %mul3A_488, %min3A_477 : vector<16xi32>
          %add3A_490 = arith.addi %convert_element_type3A_455, %mul3A_489 : vector<16xi32>
          %mul3A_491 = vector.broadcast %add3A_33 : i32 to vector<16xi32>
          %mul3A_492 = arith.muli %mul3A_491, %add3A_490 : vector<16xi32>
          %mul3A_493 = vector.broadcast %add3A_33 : i32 to vector<16xi32>
          %mul3A_494 = arith.muli %mul3A_493, %min3A_477 : vector<16xi32>
          %add3A_495 = arith.addi %min3A_472, %mul3A_494 : vector<16xi32>
          %mul3A_496 = vector.broadcast %add3A_33 : i32 to vector<16xi32>
          %mul3A_497 = arith.muli %mul3A_496, %add3A_495 : vector<16xi32>
          %sub3A_498 = arith.constant 1.000000e+00 : f32
          %sub3A_499 = vector.broadcast %sub3A_498 : f32 to vector<16xf32>
          %sub3A_500 = arith.subf %sub3A_499, %sub3A_458 : vector<16xf32>
          %sub3A_501 = arith.constant 1.000000e+00 : f32
          %sub3A_502 = vector.broadcast %sub3A_501 : f32 to vector<16xf32>
          %sub3A_503 = arith.subf %sub3A_502, %sub3A_460 : vector<16xf32>
          %mul3A_504 = arith.mulf %sub3A_500, %sub3A_503 : vector<16xf32>
          %mul3A_505 = arith.mulf %sub3A_458, %sub3A_503 : vector<16xf32>
          %mul3A_506 = arith.mulf %sub3A_500, %sub3A_460 : vector<16xf32>
          %mul3A_507 = arith.mulf %sub3A_458, %sub3A_460 : vector<16xf32>
          %sub3A_508 = arith.constant 1.000000e+00 : f32
          %sub3A_509 = vector.broadcast %sub3A_508 : f32 to vector<16xf32>
          %sub3A_510 = arith.subf %sub3A_509, %sub3A_462 : vector<16xf32>
          %broadcast_in_dim3A = arith.constant 0.000000e+00 : f32
          %broadcast_in_dim3A_511 = vector.broadcast %broadcast_in_dim3A : f32 to vector<16xf32>
          %broadcast_in_dim3A_512 = arith.constant 0.000000e+00 : f32
          %broadcast_in_dim3A_513 = vector.broadcast %broadcast_in_dim3A_512 : f32 to vector<16xf32>
          %add3A_514 = arith.addi %convert_element_type3A_454, %mul3A_482 : vector<16xi32>
          %gather3A = tpu.vector_load_idx %arg5[%add3A_514] : memref<65536xi32, #tpu.memory_space<vmem>>[vector<16xi32>], vector<16xi32>,
          %shift_left3A_515 = arith.constant 16 : i32
          %shift_left3A_516 = vector.broadcast %shift_left3A_515 : i32 to vector<16xi32>
          %shift_left3A_517 = arith.shli %gather3A, %shift_left3A_516 : vector<16xi32>
          %bitcast_convert_type3A = tpu.bitcast %shift_left3A_517 : vector<16xi32> -> vector<16xf32>
          %and3A_518 = arith.constant -65536 : i32
          %and3A_519 = vector.broadcast %and3A_518 : i32 to vector<16xi32>
          %and3A_520 = arith.andi %gather3A, %and3A_519 : vector<16xi32>
          %bitcast_convert_type3A_521 = tpu.bitcast %and3A_520 : vector<16xi32> -> vector<16xf32>
          %mul3A_522 = arith.mulf %mul3A_504, %sub3A_510 : vector<16xf32>
          %mul3A_523 = arith.mulf %mul3A_522, %bitcast_convert_type3A : vector<16xf32>
          %add3A_524 = arith.addf %broadcast_in_dim3A_511, %mul3A_523 : vector<16xf32>
          %mul3A_525 = arith.mulf %mul3A_522, %bitcast_convert_type3A_521 : vector<16xf32>
          %add3A_526 = arith.addf %broadcast_in_dim3A_513, %mul3A_525 : vector<16xf32>
          %add3A_527 = arith.addi %min3A_467, %mul3A_482 : vector<16xi32>
          %gather3A_528 = tpu.vector_load_idx %arg5[%add3A_527] : memref<65536xi32, #tpu.memory_space<vmem>>[vector<16xi32>], vector<16xi32>,
          %shift_left3A_529 = arith.constant 16 : i32
          %shift_left3A_530 = vector.broadcast %shift_left3A_529 : i32 to vector<16xi32>
          %shift_left3A_531 = arith.shli %gather3A_528, %shift_left3A_530 : vector<16xi32>
          %bitcast_convert_type3A_532 = tpu.bitcast %shift_left3A_531 : vector<16xi32> -> vector<16xf32>
          %and3A_533 = arith.constant -65536 : i32
          %and3A_534 = vector.broadcast %and3A_533 : i32 to vector<16xi32>
          %and3A_535 = arith.andi %gather3A_528, %and3A_534 : vector<16xi32>
          %bitcast_convert_type3A_536 = tpu.bitcast %and3A_535 : vector<16xi32> -> vector<16xf32>
          %mul3A_537 = arith.mulf %mul3A_505, %sub3A_510 : vector<16xf32>
          %mul3A_538 = arith.mulf %mul3A_537, %bitcast_convert_type3A_532 : vector<16xf32>
          %add3A_539 = arith.addf %add3A_524, %mul3A_538 : vector<16xf32>
          %mul3A_540 = arith.mulf %mul3A_537, %bitcast_convert_type3A_536 : vector<16xf32>
          %add3A_541 = arith.addf %add3A_526, %mul3A_540 : vector<16xf32>
          %add3A_542 = arith.addi %convert_element_type3A_454, %mul3A_487 : vector<16xi32>
          %gather3A_543 = tpu.vector_load_idx %arg5[%add3A_542] : memref<65536xi32, #tpu.memory_space<vmem>>[vector<16xi32>], vector<16xi32>,
          %shift_left3A_544 = arith.constant 16 : i32
          %shift_left3A_545 = vector.broadcast %shift_left3A_544 : i32 to vector<16xi32>
          %shift_left3A_546 = arith.shli %gather3A_543, %shift_left3A_545 : vector<16xi32>
          %bitcast_convert_type3A_547 = tpu.bitcast %shift_left3A_546 : vector<16xi32> -> vector<16xf32>
          %and3A_548 = arith.constant -65536 : i32
          %and3A_549 = vector.broadcast %and3A_548 : i32 to vector<16xi32>
          %and3A_550 = arith.andi %gather3A_543, %and3A_549 : vector<16xi32>
          %bitcast_convert_type3A_551 = tpu.bitcast %and3A_550 : vector<16xi32> -> vector<16xf32>
          %mul3A_552 = arith.mulf %mul3A_506, %sub3A_510 : vector<16xf32>
          %mul3A_553 = arith.mulf %mul3A_552, %bitcast_convert_type3A_547 : vector<16xf32>
          %add3A_554 = arith.addf %add3A_539, %mul3A_553 : vector<16xf32>
          %mul3A_555 = arith.mulf %mul3A_552, %bitcast_convert_type3A_551 : vector<16xf32>
          %add3A_556 = arith.addf %add3A_541, %mul3A_555 : vector<16xf32>
          %add3A_557 = arith.addi %min3A_467, %mul3A_487 : vector<16xi32>
          %gather3A_558 = tpu.vector_load_idx %arg5[%add3A_557] : memref<65536xi32, #tpu.memory_space<vmem>>[vector<16xi32>], vector<16xi32>,
          %shift_left3A_559 = arith.constant 16 : i32
          %shift_left3A_560 = vector.broadcast %shift_left3A_559 : i32 to vector<16xi32>
          %shift_left3A_561 = arith.shli %gather3A_558, %shift_left3A_560 : vector<16xi32>
          %bitcast_convert_type3A_562 = tpu.bitcast %shift_left3A_561 : vector<16xi32> -> vector<16xf32>
          %and3A_563 = arith.constant -65536 : i32
          %and3A_564 = vector.broadcast %and3A_563 : i32 to vector<16xi32>
          %and3A_565 = arith.andi %gather3A_558, %and3A_564 : vector<16xi32>
          %bitcast_convert_type3A_566 = tpu.bitcast %and3A_565 : vector<16xi32> -> vector<16xf32>
          %mul3A_567 = arith.mulf %mul3A_507, %sub3A_510 : vector<16xf32>
          %mul3A_568 = arith.mulf %mul3A_567, %bitcast_convert_type3A_562 : vector<16xf32>
          %add3A_569 = arith.addf %add3A_554, %mul3A_568 : vector<16xf32>
          %mul3A_570 = arith.mulf %mul3A_567, %bitcast_convert_type3A_566 : vector<16xf32>
          %add3A_571 = arith.addf %add3A_556, %mul3A_570 : vector<16xf32>
          %add3A_572 = arith.addi %convert_element_type3A_454, %mul3A_492 : vector<16xi32>
          %gather3A_573 = tpu.vector_load_idx %arg5[%add3A_572] : memref<65536xi32, #tpu.memory_space<vmem>>[vector<16xi32>], vector<16xi32>,
          %shift_left3A_574 = arith.constant 16 : i32
          %shift_left3A_575 = vector.broadcast %shift_left3A_574 : i32 to vector<16xi32>
          %shift_left3A_576 = arith.shli %gather3A_573, %shift_left3A_575 : vector<16xi32>
          %bitcast_convert_type3A_577 = tpu.bitcast %shift_left3A_576 : vector<16xi32> -> vector<16xf32>
          %and3A_578 = arith.constant -65536 : i32
          %and3A_579 = vector.broadcast %and3A_578 : i32 to vector<16xi32>
          %and3A_580 = arith.andi %gather3A_573, %and3A_579 : vector<16xi32>
          %bitcast_convert_type3A_581 = tpu.bitcast %and3A_580 : vector<16xi32> -> vector<16xf32>
          %mul3A_582 = arith.mulf %mul3A_504, %sub3A_462 : vector<16xf32>
          %mul3A_583 = arith.mulf %mul3A_582, %bitcast_convert_type3A_577 : vector<16xf32>
          %add3A_584 = arith.addf %add3A_569, %mul3A_583 : vector<16xf32>
          %mul3A_585 = arith.mulf %mul3A_582, %bitcast_convert_type3A_581 : vector<16xf32>
          %add3A_586 = arith.addf %add3A_571, %mul3A_585 : vector<16xf32>
          %add3A_587 = arith.addi %min3A_467, %mul3A_492 : vector<16xi32>
          %gather3A_588 = tpu.vector_load_idx %arg5[%add3A_587] : memref<65536xi32, #tpu.memory_space<vmem>>[vector<16xi32>], vector<16xi32>,
          %shift_left3A_589 = arith.constant 16 : i32
          %shift_left3A_590 = vector.broadcast %shift_left3A_589 : i32 to vector<16xi32>
          %shift_left3A_591 = arith.shli %gather3A_588, %shift_left3A_590 : vector<16xi32>
          %bitcast_convert_type3A_592 = tpu.bitcast %shift_left3A_591 : vector<16xi32> -> vector<16xf32>
          %and3A_593 = arith.constant -65536 : i32
          %and3A_594 = vector.broadcast %and3A_593 : i32 to vector<16xi32>
          %and3A_595 = arith.andi %gather3A_588, %and3A_594 : vector<16xi32>
          %bitcast_convert_type3A_596 = tpu.bitcast %and3A_595 : vector<16xi32> -> vector<16xf32>
          %mul3A_597 = arith.mulf %mul3A_505, %sub3A_462 : vector<16xf32>
          %mul3A_598 = arith.mulf %mul3A_597, %bitcast_convert_type3A_592 : vector<16xf32>
          %add3A_599 = arith.addf %add3A_584, %mul3A_598 : vector<16xf32>
          %mul3A_600 = arith.mulf %mul3A_597, %bitcast_convert_type3A_596 : vector<16xf32>
          %add3A_601 = arith.addf %add3A_586, %mul3A_600 : vector<16xf32>
          %add3A_602 = arith.addi %convert_element_type3A_454, %mul3A_497 : vector<16xi32>
          %gather3A_603 = tpu.vector_load_idx %arg5[%add3A_602] : memref<65536xi32, #tpu.memory_space<vmem>>[vector<16xi32>], vector<16xi32>,
          %shift_left3A_604 = arith.constant 16 : i32
          %shift_left3A_605 = vector.broadcast %shift_left3A_604 : i32 to vector<16xi32>
          %shift_left3A_606 = arith.shli %gather3A_603, %shift_left3A_605 : vector<16xi32>
          %bitcast_convert_type3A_607 = tpu.bitcast %shift_left3A_606 : vector<16xi32> -> vector<16xf32>
          %and3A_608 = arith.constant -65536 : i32
          %and3A_609 = vector.broadcast %and3A_608 : i32 to vector<16xi32>
          %and3A_610 = arith.andi %gather3A_603, %and3A_609 : vector<16xi32>
          %bitcast_convert_type3A_611 = tpu.bitcast %and3A_610 : vector<16xi32> -> vector<16xf32>
          %mul3A_612 = arith.mulf %mul3A_506, %sub3A_462 : vector<16xf32>
          %mul3A_613 = arith.mulf %mul3A_612, %bitcast_convert_type3A_607 : vector<16xf32>
          %add3A_614 = arith.addf %add3A_599, %mul3A_613 : vector<16xf32>
          %mul3A_615 = arith.mulf %mul3A_612, %bitcast_convert_type3A_611 : vector<16xf32>
          %add3A_616 = arith.addf %add3A_601, %mul3A_615 : vector<16xf32>
          %add3A_617 = arith.addi %min3A_467, %mul3A_497 : vector<16xi32>
          %gather3A_618 = tpu.vector_load_idx %arg5[%add3A_617] : memref<65536xi32, #tpu.memory_space<vmem>>[vector<16xi32>], vector<16xi32>,
          %shift_left3A_619 = arith.constant 16 : i32
          %shift_left3A_620 = vector.broadcast %shift_left3A_619 : i32 to vector<16xi32>
          %shift_left3A_621 = arith.shli %gather3A_618, %shift_left3A_620 : vector<16xi32>
          %bitcast_convert_type3A_622 = tpu.bitcast %shift_left3A_621 : vector<16xi32> -> vector<16xf32>
          %and3A_623 = arith.constant -65536 : i32
          %and3A_624 = vector.broadcast %and3A_623 : i32 to vector<16xi32>
          %and3A_625 = arith.andi %gather3A_618, %and3A_624 : vector<16xi32>
          %bitcast_convert_type3A_626 = tpu.bitcast %and3A_625 : vector<16xi32> -> vector<16xf32>
          %mul3A_627 = arith.mulf %mul3A_507, %sub3A_462 : vector<16xf32>
          %mul3A_628 = arith.mulf %mul3A_627, %bitcast_convert_type3A_622 : vector<16xf32>
          %add3A_629 = arith.addf %add3A_614, %mul3A_628 : vector<16xf32>
          %mul3A_630 = arith.mulf %mul3A_627, %bitcast_convert_type3A_626 : vector<16xf32>
          %add3A_631 = arith.addf %add3A_616, %mul3A_630 : vector<16xf32>
          %mul3A_632 = arith.constant 16 : i32
          %mul3A_633 = arith.muli %scan3A_430, %mul3A_632 : i32
          %add3A_634 = arith.constant 4096 : i32
          %add3A_635 = arith.addi %add3A_634, %mul3A_633 : i32
          %swap3A = arith.index_cast %add3A_635 : i32 to index
          %swap3A_636 = tpu.vector_load %arg7[%swap3A] {strides = array<i32>} : memref<8192xf32, #tpu.memory_space<vmem>>, vector<16xf32>,
          tpu.vector_store %arg7[%swap3A], %add3A_629 {strides = array<i32>} : memref<8192xf32, #tpu.memory_space<vmem>>, vector<16xf32>,
          %swap3A_637 = arith.index_cast %add3A_635 : i32 to index
          %swap3A_638 = tpu.vector_load %arg8[%swap3A_637] {strides = array<i32>} : memref<8192xf32, #tpu.memory_space<vmem>>, vector<16xf32>,
          tpu.vector_store %arg8[%swap3A_637], %add3A_631 {strides = array<i32>} : memref<8192xf32, #tpu.memory_space<vmem>>, vector<16xf32>,
        }
        %scan3A_309 = arith.constant 256 : i32
        %add3A_310 = arith.constant 2 : i32
        %add3A_311 = arith.addi %add3A_175, %add3A_310 : i32
        %mul3A_312 = arith.constant 65536 : i32
        %mul3A_313 = arith.muli %select_n3A_30, %mul3A_312 : i32
        %min3A_314 = arith.constant 15 : i32
        %min3A_315 = arith.minsi %add3A_311, %min3A_314 : i32
        %mul3A_316 = arith.constant 4096 : i32
        %mul3A_317 = arith.muli %min3A_315, %mul3A_316 : i32
        %add3A_318 = arith.addi %mul3A_313, %mul3A_317 : i32
        %add3A_319 = arith.constant 0 : i32
        %add3A_320 = arith.addi %add3A_319, %add3A_318 : i32
        %dma_start3A_321 = arith.constant 12288 : i32
        %dma_start3A_322 = tpu.memref_slice %arg6[%dma_start3A_321] : memref<24576xf32, #tpu.memory_space<vmem>> -> memref<4096xf32, #tpu.memory_space<vmem>>
        %dma_start3A_323 = tpu.memref_slice %arg2[%add3A_320] : memref<786432xf32, #tpu.memory_space<hbm>> -> memref<4096xf32, #tpu.memory_space<hbm>>
        %dma_start3A_324 = arith.constant 12288 : i32
        %dma_start3A_325 = tpu.memref_slice %arg6[%dma_start3A_324] : memref<24576xf32, #tpu.memory_space<vmem>> -> memref<4096xf32, #tpu.memory_space<vmem>>
        %dma_start3A_326 = tpu.memref_slice %arg2[%add3A_320] : memref<786432xf32, #tpu.memory_space<hbm>> -> memref<4096xf32, #tpu.memory_space<hbm>>
        tpu.enqueue_dma source(%dma_start3A_326 : memref<4096xf32, #tpu.memory_space<hbm>>) target(%dma_start3A_325 : memref<4096xf32, #tpu.memory_space<vmem>>) target_semaphore(%arg10 : memref<!tpu.dma_semaphore, #tpu.memory_space<semaphore_mem>>)
        %add3A_327 = arith.constant 262144 : i32
        %add3A_328 = arith.addi %add3A_327, %add3A_318 : i32
        %dma_start3A_329 = arith.constant 16384 : i32
        %dma_start3A_330 = tpu.memref_slice %arg6[%dma_start3A_329] : memref<24576xf32, #tpu.memory_space<vmem>> -> memref<4096xf32, #tpu.memory_space<vmem>>
        %dma_start3A_331 = tpu.memref_slice %arg2[%add3A_328] : memref<786432xf32, #tpu.memory_space<hbm>> -> memref<4096xf32, #tpu.memory_space<hbm>>
        %dma_start3A_332 = arith.constant 16384 : i32
        %dma_start3A_333 = tpu.memref_slice %arg6[%dma_start3A_332] : memref<24576xf32, #tpu.memory_space<vmem>> -> memref<4096xf32, #tpu.memory_space<vmem>>
        %dma_start3A_334 = tpu.memref_slice %arg2[%add3A_328] : memref<786432xf32, #tpu.memory_space<hbm>> -> memref<4096xf32, #tpu.memory_space<hbm>>
        tpu.enqueue_dma source(%dma_start3A_334 : memref<4096xf32, #tpu.memory_space<hbm>>) target(%dma_start3A_333 : memref<4096xf32, #tpu.memory_space<vmem>>) target_semaphore(%arg10 : memref<!tpu.dma_semaphore, #tpu.memory_space<semaphore_mem>>)
        %add3A_335 = arith.constant 524288 : i32
        %add3A_336 = arith.addi %add3A_335, %add3A_318 : i32
        %dma_start3A_337 = arith.constant 20480 : i32
        %dma_start3A_338 = tpu.memref_slice %arg6[%dma_start3A_337] : memref<24576xf32, #tpu.memory_space<vmem>> -> memref<4096xf32, #tpu.memory_space<vmem>>
        %dma_start3A_339 = tpu.memref_slice %arg2[%add3A_336] : memref<786432xf32, #tpu.memory_space<hbm>> -> memref<4096xf32, #tpu.memory_space<hbm>>
        %dma_start3A_340 = arith.constant 20480 : i32
        %dma_start3A_341 = tpu.memref_slice %arg6[%dma_start3A_340] : memref<24576xf32, #tpu.memory_space<vmem>> -> memref<4096xf32, #tpu.memory_space<vmem>>
        %dma_start3A_342 = tpu.memref_slice %arg2[%add3A_336] : memref<786432xf32, #tpu.memory_space<hbm>> -> memref<4096xf32, #tpu.memory_space<hbm>>
        tpu.enqueue_dma source(%dma_start3A_342 : memref<4096xf32, #tpu.memory_space<hbm>>) target(%dma_start3A_341 : memref<4096xf32, #tpu.memory_space<vmem>>) target_semaphore(%arg10 : memref<!tpu.dma_semaphore, #tpu.memory_space<semaphore_mem>>)
        %mul3A_343 = arith.constant 65536 : i32
        %mul3A_344 = arith.muli %select_n3A_30, %mul3A_343 : i32
        %mul3A_345 = arith.constant 4096 : i32
        %mul3A_346 = arith.muli %add3A_175, %mul3A_345 : i32
        %add3A_347 = arith.addi %mul3A_344, %mul3A_346 : i32
        %mul3A_348 = arith.constant 2 : i32
        %mul3A_349 = arith.muli %mul3A_348, %select_n3A_9 : i32
        %mul3A_350 = arith.constant 262144 : i32
        %mul3A_351 = arith.muli %mul3A_349, %mul3A_350 : i32
        %add3A_352 = arith.addi %mul3A_351, %add3A_347 : i32
        %dma_start3A_353 = arith.constant 4096 : i32
        %dma_start3A_354 = tpu.memref_slice %arg7[%dma_start3A_353] : memref<8192xf32, #tpu.memory_space<vmem>> -> memref<4096xf32, #tpu.memory_space<vmem>>
        %dma_start3A_355 = tpu.memref_slice %arg4[%add3A_352] : memref<4194304xf32, #tpu.memory_space<hbm>> -> memref<4096xf32, #tpu.memory_space<hbm>>
        %dma_start3A_356 = tpu.memref_slice %arg4[%add3A_352] : memref<4194304xf32, #tpu.memory_space<hbm>> -> memref<4096xf32, #tpu.memory_space<hbm>>
        %dma_start3A_357 = arith.constant 4096 : i32
        %dma_start3A_358 = tpu.memref_slice %arg7[%dma_start3A_357] : memref<8192xf32, #tpu.memory_space<vmem>> -> memref<4096xf32, #tpu.memory_space<vmem>>
        tpu.enqueue_dma source(%dma_start3A_358 : memref<4096xf32, #tpu.memory_space<vmem>>) target(%dma_start3A_356 : memref<4096xf32, #tpu.memory_space<hbm>>) target_semaphore(%arg12 : memref<!tpu.dma_semaphore, #tpu.memory_space<semaphore_mem>>)
        %mul3A_359 = arith.constant 2 : i32
        %mul3A_360 = arith.muli %mul3A_359, %select_n3A_9 : i32
        %add3A_361 = arith.constant 1 : i32
        %add3A_362 = arith.addi %mul3A_360, %add3A_361 : i32
        %mul3A_363 = arith.constant 262144 : i32
        %mul3A_364 = arith.muli %add3A_362, %mul3A_363 : i32
        %add3A_365 = arith.addi %mul3A_364, %add3A_347 : i32
        %dma_start3A_366 = arith.constant 4096 : i32
        %dma_start3A_367 = tpu.memref_slice %arg8[%dma_start3A_366] : memref<8192xf32, #tpu.memory_space<vmem>> -> memref<4096xf32, #tpu.memory_space<vmem>>
        %dma_start3A_368 = tpu.memref_slice %arg4[%add3A_365] : memref<4194304xf32, #tpu.memory_space<hbm>> -> memref<4096xf32, #tpu.memory_space<hbm>>
        %dma_start3A_369 = tpu.memref_slice %arg4[%add3A_365] : memref<4194304xf32, #tpu.memory_space<hbm>> -> memref<4096xf32, #tpu.memory_space<hbm>>
        %dma_start3A_370 = arith.constant 4096 : i32
        %dma_start3A_371 = tpu.memref_slice %arg8[%dma_start3A_370] : memref<8192xf32, #tpu.memory_space<vmem>> -> memref<4096xf32, #tpu.memory_space<vmem>>
        tpu.enqueue_dma source(%dma_start3A_371 : memref<4096xf32, #tpu.memory_space<vmem>>) target(%dma_start3A_369 : memref<4096xf32, #tpu.memory_space<hbm>>) target_semaphore(%arg12 : memref<!tpu.dma_semaphore, #tpu.memory_space<semaphore_mem>>)
        %mul3A_372 = arith.constant 65536 : i32
        %mul3A_373 = arith.muli %select_n3A_30, %mul3A_372 : i32
        %mul3A_374 = arith.constant 4096 : i32
        %mul3A_375 = arith.muli %mul3A_171, %mul3A_374 : i32
        %add3A_376 = arith.addi %mul3A_373, %mul3A_375 : i32
        %mul3A_377 = arith.constant 2 : i32
        %mul3A_378 = arith.muli %mul3A_377, %select_n3A_9 : i32
        %mul3A_379 = arith.constant 262144 : i32
        %mul3A_380 = arith.muli %mul3A_378, %mul3A_379 : i32
        %add3A_381 = arith.addi %mul3A_380, %add3A_376 : i32
        %dma_wait3A_382 = arith.constant 0 : i32
        %dma_wait3A_383 = tpu.memref_slice %arg7[%dma_wait3A_382] : memref<8192xf32, #tpu.memory_space<vmem>> -> memref<4096xf32, #tpu.memory_space<vmem>>
        %dma_wait3A_384 = tpu.memref_slice %arg4[%add3A_381] : memref<4194304xf32, #tpu.memory_space<hbm>> -> memref<4096xf32, #tpu.memory_space<hbm>>
        %dma_wait3A_385 = tpu.memref_slice %arg4[%add3A_381] : memref<4194304xf32, #tpu.memory_space<hbm>> -> memref<4096xf32, #tpu.memory_space<hbm>>
        %dma_wait3A_386 = arith.constant 0 : i32
        %dma_wait3A_387 = tpu.memref_slice %arg7[%dma_wait3A_386] : memref<8192xf32, #tpu.memory_space<vmem>> -> memref<4096xf32, #tpu.memory_space<vmem>>
        tpu.wait_dma2 semaphore(%arg11 : memref<!tpu.dma_semaphore, #tpu.memory_space<semaphore_mem>>) src(%dma_wait3A_387 : memref<4096xf32, #tpu.memory_space<vmem>>) dst(%dma_wait3A_385 : memref<4096xf32, #tpu.memory_space<hbm>>)
        %mul3A_388 = arith.constant 2 : i32
        %mul3A_389 = arith.muli %mul3A_388, %select_n3A_9 : i32
        %add3A_390 = arith.constant 1 : i32
        %add3A_391 = arith.addi %mul3A_389, %add3A_390 : i32
        %mul3A_392 = arith.constant 262144 : i32
        %mul3A_393 = arith.muli %add3A_391, %mul3A_392 : i32
        %add3A_394 = arith.addi %mul3A_393, %add3A_376 : i32
        %dma_wait3A_395 = arith.constant 0 : i32
        %dma_wait3A_396 = tpu.memref_slice %arg8[%dma_wait3A_395] : memref<8192xf32, #tpu.memory_space<vmem>> -> memref<4096xf32, #tpu.memory_space<vmem>>
        %dma_wait3A_397 = tpu.memref_slice %arg4[%add3A_394] : memref<4194304xf32, #tpu.memory_space<hbm>> -> memref<4096xf32, #tpu.memory_space<hbm>>
        %dma_wait3A_398 = tpu.memref_slice %arg4[%add3A_394] : memref<4194304xf32, #tpu.memory_space<hbm>> -> memref<4096xf32, #tpu.memory_space<hbm>>
        %dma_wait3A_399 = arith.constant 0 : i32
        %dma_wait3A_400 = tpu.memref_slice %arg8[%dma_wait3A_399] : memref<8192xf32, #tpu.memory_space<vmem>> -> memref<4096xf32, #tpu.memory_space<vmem>>
        tpu.wait_dma2 semaphore(%arg11 : memref<!tpu.dma_semaphore, #tpu.memory_space<semaphore_mem>>) src(%dma_wait3A_400 : memref<4096xf32, #tpu.memory_space<vmem>>) dst(%dma_wait3A_398 : memref<4096xf32, #tpu.memory_space<hbm>>)
        %mul3A_401 = arith.constant 65536 : i32
        %mul3A_402 = arith.muli %select_n3A_30, %mul3A_401 : i32
        %mul3A_403 = arith.constant 4096 : i32
        %mul3A_404 = arith.muli %add3A_175, %mul3A_403 : i32
        %add3A_405 = arith.addi %mul3A_402, %mul3A_404 : i32
        %mul3A_406 = arith.constant 2 : i32
        %mul3A_407 = arith.muli %mul3A_406, %select_n3A_9 : i32
        %mul3A_408 = arith.constant 262144 : i32
        %mul3A_409 = arith.muli %mul3A_407, %mul3A_408 : i32
        %add3A_410 = arith.addi %mul3A_409, %add3A_405 : i32
        %dma_wait3A_411 = arith.constant 4096 : i32
        %dma_wait3A_412 = tpu.memref_slice %arg7[%dma_wait3A_411] : memref<8192xf32, #tpu.memory_space<vmem>> -> memref<4096xf32, #tpu.memory_space<vmem>>
        %dma_wait3A_413 = tpu.memref_slice %arg4[%add3A_410] : memref<4194304xf32, #tpu.memory_space<hbm>> -> memref<4096xf32, #tpu.memory_space<hbm>>
        %dma_wait3A_414 = tpu.memref_slice %arg4[%add3A_410] : memref<4194304xf32, #tpu.memory_space<hbm>> -> memref<4096xf32, #tpu.memory_space<hbm>>
        %dma_wait3A_415 = arith.constant 4096 : i32
        %dma_wait3A_416 = tpu.memref_slice %arg7[%dma_wait3A_415] : memref<8192xf32, #tpu.memory_space<vmem>> -> memref<4096xf32, #tpu.memory_space<vmem>>
        tpu.wait_dma2 semaphore(%arg12 : memref<!tpu.dma_semaphore, #tpu.memory_space<semaphore_mem>>) src(%dma_wait3A_416 : memref<4096xf32, #tpu.memory_space<vmem>>) dst(%dma_wait3A_414 : memref<4096xf32, #tpu.memory_space<hbm>>)
        %mul3A_417 = arith.constant 2 : i32
        %mul3A_418 = arith.muli %mul3A_417, %select_n3A_9 : i32
        %add3A_419 = arith.constant 1 : i32
        %add3A_420 = arith.addi %mul3A_418, %add3A_419 : i32
        %mul3A_421 = arith.constant 262144 : i32
        %mul3A_422 = arith.muli %add3A_420, %mul3A_421 : i32
        %add3A_423 = arith.addi %mul3A_422, %add3A_405 : i32
        %dma_wait3A_424 = arith.constant 4096 : i32
        %dma_wait3A_425 = tpu.memref_slice %arg8[%dma_wait3A_424] : memref<8192xf32, #tpu.memory_space<vmem>> -> memref<4096xf32, #tpu.memory_space<vmem>>
        %dma_wait3A_426 = tpu.memref_slice %arg4[%add3A_423] : memref<4194304xf32, #tpu.memory_space<hbm>> -> memref<4096xf32, #tpu.memory_space<hbm>>
        %dma_wait3A_427 = tpu.memref_slice %arg4[%add3A_423] : memref<4194304xf32, #tpu.memory_space<hbm>> -> memref<4096xf32, #tpu.memory_space<hbm>>
        %dma_wait3A_428 = arith.constant 4096 : i32
        %dma_wait3A_429 = tpu.memref_slice %arg8[%dma_wait3A_428] : memref<8192xf32, #tpu.memory_space<vmem>> -> memref<4096xf32, #tpu.memory_space<vmem>>
        tpu.wait_dma2 semaphore(%arg12 : memref<!tpu.dma_semaphore, #tpu.memory_space<semaphore_mem>>) src(%dma_wait3A_429 : memref<4096xf32, #tpu.memory_space<vmem>>) dst(%dma_wait3A_427 : memref<4096xf32, #tpu.memory_space<hbm>>)
      }
      %scan3A_105 = arith.constant 8 : i32
      %mul3A_106 = arith.constant 65536 : i32
      %mul3A_107 = arith.muli %select_n3A_30, %mul3A_106 : i32
      %min3A_108 = arith.constant 0 : i32
      %min3A_109 = arith.constant 15 : i32
      %min3A_110 = arith.minsi %min3A_108, %min3A_109 : i32
      %mul3A_111 = arith.constant 4096 : i32
      %mul3A_112 = arith.muli %min3A_110, %mul3A_111 : i32
      %add3A_113 = arith.addi %mul3A_107, %mul3A_112 : i32
      %add3A_114 = arith.constant 0 : i32
      %add3A_115 = arith.addi %add3A_114, %add3A_113 : i32
      %dma_wait3A = arith.constant 0 : i32
      %dma_wait3A_116 = tpu.memref_slice %arg6[%dma_wait3A] : memref<24576xf32, #tpu.memory_space<vmem>> -> memref<4096xf32, #tpu.memory_space<vmem>>
      %dma_wait3A_117 = tpu.memref_slice %arg2[%add3A_115] : memref<786432xf32, #tpu.memory_space<hbm>> -> memref<4096xf32, #tpu.memory_space<hbm>>
      %dma_wait3A_118 = arith.constant 0 : i32
      %dma_wait3A_119 = tpu.memref_slice %arg6[%dma_wait3A_118] : memref<24576xf32, #tpu.memory_space<vmem>> -> memref<4096xf32, #tpu.memory_space<vmem>>
      %dma_wait3A_120 = tpu.memref_slice %arg2[%add3A_115] : memref<786432xf32, #tpu.memory_space<hbm>> -> memref<4096xf32, #tpu.memory_space<hbm>>
      tpu.wait_dma2 semaphore(%arg9 : memref<!tpu.dma_semaphore, #tpu.memory_space<semaphore_mem>>) src(%dma_wait3A_120 : memref<4096xf32, #tpu.memory_space<hbm>>) dst(%dma_wait3A_119 : memref<4096xf32, #tpu.memory_space<vmem>>)
      %add3A_121 = arith.constant 262144 : i32
      %add3A_122 = arith.addi %add3A_121, %add3A_113 : i32
      %dma_wait3A_123 = arith.constant 4096 : i32
      %dma_wait3A_124 = tpu.memref_slice %arg6[%dma_wait3A_123] : memref<24576xf32, #tpu.memory_space<vmem>> -> memref<4096xf32, #tpu.memory_space<vmem>>
      %dma_wait3A_125 = tpu.memref_slice %arg2[%add3A_122] : memref<786432xf32, #tpu.memory_space<hbm>> -> memref<4096xf32, #tpu.memory_space<hbm>>
      %dma_wait3A_126 = arith.constant 4096 : i32
      %dma_wait3A_127 = tpu.memref_slice %arg6[%dma_wait3A_126] : memref<24576xf32, #tpu.memory_space<vmem>> -> memref<4096xf32, #tpu.memory_space<vmem>>
      %dma_wait3A_128 = tpu.memref_slice %arg2[%add3A_122] : memref<786432xf32, #tpu.memory_space<hbm>> -> memref<4096xf32, #tpu.memory_space<hbm>>
      tpu.wait_dma2 semaphore(%arg9 : memref<!tpu.dma_semaphore, #tpu.memory_space<semaphore_mem>>) src(%dma_wait3A_128 : memref<4096xf32, #tpu.memory_space<hbm>>) dst(%dma_wait3A_127 : memref<4096xf32, #tpu.memory_space<vmem>>)
      %add3A_129 = arith.constant 524288 : i32
      %add3A_130 = arith.addi %add3A_129, %add3A_113 : i32
      %dma_wait3A_131 = arith.constant 8192 : i32
      %dma_wait3A_132 = tpu.memref_slice %arg6[%dma_wait3A_131] : memref<24576xf32, #tpu.memory_space<vmem>> -> memref<4096xf32, #tpu.memory_space<vmem>>
      %dma_wait3A_133 = tpu.memref_slice %arg2[%add3A_130] : memref<786432xf32, #tpu.memory_space<hbm>> -> memref<4096xf32, #tpu.memory_space<hbm>>
      %dma_wait3A_134 = arith.constant 8192 : i32
      %dma_wait3A_135 = tpu.memref_slice %arg6[%dma_wait3A_134] : memref<24576xf32, #tpu.memory_space<vmem>> -> memref<4096xf32, #tpu.memory_space<vmem>>
      %dma_wait3A_136 = tpu.memref_slice %arg2[%add3A_130] : memref<786432xf32, #tpu.memory_space<hbm>> -> memref<4096xf32, #tpu.memory_space<hbm>>
      tpu.wait_dma2 semaphore(%arg9 : memref<!tpu.dma_semaphore, #tpu.memory_space<semaphore_mem>>) src(%dma_wait3A_136 : memref<4096xf32, #tpu.memory_space<hbm>>) dst(%dma_wait3A_135 : memref<4096xf32, #tpu.memory_space<vmem>>)
      %mul3A_137 = arith.constant 65536 : i32
      %mul3A_138 = arith.muli %select_n3A_30, %mul3A_137 : i32
      %min3A_139 = arith.constant 0 : i32
      %min3A_140 = arith.constant 15 : i32
      %min3A_141 = arith.minsi %min3A_139, %min3A_140 : i32
      %mul3A_142 = arith.constant 4096 : i32
      %mul3A_143 = arith.muli %min3A_141, %mul3A_142 : i32
      %add3A_144 = arith.addi %mul3A_138, %mul3A_143 : i32
      %add3A_145 = arith.constant 0 : i32
      %add3A_146 = arith.addi %add3A_145, %add3A_144 : i32
      %dma_wait3A_147 = arith.constant 12288 : i32
      %dma_wait3A_148 = tpu.memref_slice %arg6[%dma_wait3A_147] : memref<24576xf32, #tpu.memory_space<vmem>> -> memref<4096xf32, #tpu.memory_space<vmem>>
      %dma_wait3A_149 = tpu.memref_slice %arg2[%add3A_146] : memref<786432xf32, #tpu.memory_space<hbm>> -> memref<4096xf32, #tpu.memory_space<hbm>>
      %dma_wait3A_150 = arith.constant 12288 : i32
      %dma_wait3A_151 = tpu.memref_slice %arg6[%dma_wait3A_150] : memref<24576xf32, #tpu.memory_space<vmem>> -> memref<4096xf32, #tpu.memory_space<vmem>>
      %dma_wait3A_152 = tpu.memref_slice %arg2[%add3A_146] : memref<786432xf32, #tpu.memory_space<hbm>> -> memref<4096xf32, #tpu.memory_space<hbm>>
      tpu.wait_dma2 semaphore(%arg10 : memref<!tpu.dma_semaphore, #tpu.memory_space<semaphore_mem>>) src(%dma_wait3A_152 : memref<4096xf32, #tpu.memory_space<hbm>>) dst(%dma_wait3A_151 : memref<4096xf32, #tpu.memory_space<vmem>>)
      %add3A_153 = arith.constant 262144 : i32
      %add3A_154 = arith.addi %add3A_153, %add3A_144 : i32
      %dma_wait3A_155 = arith.constant 16384 : i32
      %dma_wait3A_156 = tpu.memref_slice %arg6[%dma_wait3A_155] : memref<24576xf32, #tpu.memory_space<vmem>> -> memref<4096xf32, #tpu.memory_space<vmem>>
      %dma_wait3A_157 = tpu.memref_slice %arg2[%add3A_154] : memref<786432xf32, #tpu.memory_space<hbm>> -> memref<4096xf32, #tpu.memory_space<hbm>>
      %dma_wait3A_158 = arith.constant 16384 : i32
      %dma_wait3A_159 = tpu.memref_slice %arg6[%dma_wait3A_158] : memref<24576xf32, #tpu.memory_space<vmem>> -> memref<4096xf32, #tpu.memory_space<vmem>>
      %dma_wait3A_160 = tpu.memref_slice %arg2[%add3A_154] : memref<786432xf32, #tpu.memory_space<hbm>> -> memref<4096xf32, #tpu.memory_space<hbm>>
      tpu.wait_dma2 semaphore(%arg10 : memref<!tpu.dma_semaphore, #tpu.memory_space<semaphore_mem>>) src(%dma_wait3A_160 : memref<4096xf32, #tpu.memory_space<hbm>>) dst(%dma_wait3A_159 : memref<4096xf32, #tpu.memory_space<vmem>>)
      %add3A_161 = arith.constant 524288 : i32
      %add3A_162 = arith.addi %add3A_161, %add3A_144 : i32
      %dma_wait3A_163 = arith.constant 20480 : i32
      %dma_wait3A_164 = tpu.memref_slice %arg6[%dma_wait3A_163] : memref<24576xf32, #tpu.memory_space<vmem>> -> memref<4096xf32, #tpu.memory_space<vmem>>
      %dma_wait3A_165 = tpu.memref_slice %arg2[%add3A_162] : memref<786432xf32, #tpu.memory_space<hbm>> -> memref<4096xf32, #tpu.memory_space<hbm>>
      %dma_wait3A_166 = arith.constant 20480 : i32
      %dma_wait3A_167 = tpu.memref_slice %arg6[%dma_wait3A_166] : memref<24576xf32, #tpu.memory_space<vmem>> -> memref<4096xf32, #tpu.memory_space<vmem>>
      %dma_wait3A_168 = tpu.memref_slice %arg2[%add3A_162] : memref<786432xf32, #tpu.memory_space<hbm>> -> memref<4096xf32, #tpu.memory_space<hbm>>
      tpu.wait_dma2 semaphore(%arg10 : memref<!tpu.dma_semaphore, #tpu.memory_space<semaphore_mem>>) src(%dma_wait3A_168 : memref<4096xf32, #tpu.memory_space<hbm>>) dst(%dma_wait3A_167 : memref<4096xf32, #tpu.memory_space<vmem>>)
    } else {
      %mul3A_40 = arith.constant 65536 : i32
      %mul3A_41 = arith.muli %select_n3A_30, %mul3A_40 : i32
      %min3A = arith.constant 0 : i32
      %min3A_42 = arith.constant 15 : i32
      %min3A_43 = arith.minsi %min3A, %min3A_42 : i32
      %mul3A_44 = arith.constant 4096 : i32
      %mul3A_45 = arith.muli %min3A_43, %mul3A_44 : i32
      %add3A_46 = arith.addi %mul3A_41, %mul3A_45 : i32
      %add3A_47 = arith.constant 0 : i32
      %add3A_48 = arith.addi %add3A_47, %add3A_46 : i32
      %dma_start3A = arith.constant 0 : i32
      %dma_start3A_49 = tpu.memref_slice %arg6[%dma_start3A] : memref<24576xf32, #tpu.memory_space<vmem>> -> memref<4096xf32, #tpu.memory_space<vmem>>
      %dma_start3A_50 = tpu.memref_slice %arg2[%add3A_48] : memref<786432xf32, #tpu.memory_space<hbm>> -> memref<4096xf32, #tpu.memory_space<hbm>>
      %dma_start3A_51 = arith.constant 0 : i32
      %dma_start3A_52 = tpu.memref_slice %arg6[%dma_start3A_51] : memref<24576xf32, #tpu.memory_space<vmem>> -> memref<4096xf32, #tpu.memory_space<vmem>>
      %dma_start3A_53 = tpu.memref_slice %arg2[%add3A_48] : memref<786432xf32, #tpu.memory_space<hbm>> -> memref<4096xf32, #tpu.memory_space<hbm>>
      tpu.enqueue_dma source(%dma_start3A_53 : memref<4096xf32, #tpu.memory_space<hbm>>) target(%dma_start3A_52 : memref<4096xf32, #tpu.memory_space<vmem>>) target_semaphore(%arg9 : memref<!tpu.dma_semaphore, #tpu.memory_space<semaphore_mem>>)
      %add3A_54 = arith.constant 262144 : i32
      %add3A_55 = arith.addi %add3A_54, %add3A_46 : i32
      %dma_start3A_56 = arith.constant 4096 : i32
      %dma_start3A_57 = tpu.memref_slice %arg6[%dma_start3A_56] : memref<24576xf32, #tpu.memory_space<vmem>> -> memref<4096xf32, #tpu.memory_space<vmem>>
      %dma_start3A_58 = tpu.memref_slice %arg2[%add3A_55] : memref<786432xf32, #tpu.memory_space<hbm>> -> memref<4096xf32, #tpu.memory_space<hbm>>
      %dma_start3A_59 = arith.constant 4096 : i32
      %dma_start3A_60 = tpu.memref_slice %arg6[%dma_start3A_59] : memref<24576xf32, #tpu.memory_space<vmem>> -> memref<4096xf32, #tpu.memory_space<vmem>>
      %dma_start3A_61 = tpu.memref_slice %arg2[%add3A_55] : memref<786432xf32, #tpu.memory_space<hbm>> -> memref<4096xf32, #tpu.memory_space<hbm>>
      tpu.enqueue_dma source(%dma_start3A_61 : memref<4096xf32, #tpu.memory_space<hbm>>) target(%dma_start3A_60 : memref<4096xf32, #tpu.memory_space<vmem>>) target_semaphore(%arg9 : memref<!tpu.dma_semaphore, #tpu.memory_space<semaphore_mem>>)
      %add3A_62 = arith.constant 524288 : i32
      %add3A_63 = arith.addi %add3A_62, %add3A_46 : i32
      %dma_start3A_64 = arith.constant 8192 : i32
      %dma_start3A_65 = tpu.memref_slice %arg6[%dma_start3A_64] : memref<24576xf32, #tpu.memory_space<vmem>> -> memref<4096xf32, #tpu.memory_space<vmem>>
      %dma_start3A_66 = tpu.memref_slice %arg2[%add3A_63] : memref<786432xf32, #tpu.memory_space<hbm>> -> memref<4096xf32, #tpu.memory_space<hbm>>
      %dma_start3A_67 = arith.constant 8192 : i32
      %dma_start3A_68 = tpu.memref_slice %arg6[%dma_start3A_67] : memref<24576xf32, #tpu.memory_space<vmem>> -> memref<4096xf32, #tpu.memory_space<vmem>>
      %dma_start3A_69 = tpu.memref_slice %arg2[%add3A_63] : memref<786432xf32, #tpu.memory_space<hbm>> -> memref<4096xf32, #tpu.memory_space<hbm>>
      tpu.enqueue_dma source(%dma_start3A_69 : memref<4096xf32, #tpu.memory_space<hbm>>) target(%dma_start3A_68 : memref<4096xf32, #tpu.memory_space<vmem>>) target_semaphore(%arg9 : memref<!tpu.dma_semaphore, #tpu.memory_space<semaphore_mem>>)
      %mul3A_70 = arith.constant 65536 : i32
      %mul3A_71 = arith.muli %select_n3A_30, %mul3A_70 : i32
      %min3A_72 = arith.constant 1 : i32
      %min3A_73 = arith.constant 15 : i32
      %min3A_74 = arith.minsi %min3A_72, %min3A_73 : i32
      %mul3A_75 = arith.constant 4096 : i32
      %mul3A_76 = arith.muli %min3A_74, %mul3A_75 : i32
      %add3A_77 = arith.addi %mul3A_71, %mul3A_76 : i32
      %add3A_78 = arith.constant 0 : i32
      %add3A_79 = arith.addi %add3A_78, %add3A_77 : i32
      %dma_start3A_80 = arith.constant 12288 : i32
      %dma_start3A_81 = tpu.memref_slice %arg6[%dma_start3A_80] : memref<24576xf32, #tpu.memory_space<vmem>> -> memref<4096xf32, #tpu.memory_space<vmem>>
      %dma_start3A_82 = tpu.memref_slice %arg2[%add3A_79] : memref<786432xf32, #tpu.memory_space<hbm>> -> memref<4096xf32, #tpu.memory_space<hbm>>
      %dma_start3A_83 = arith.constant 12288 : i32
      %dma_start3A_84 = tpu.memref_slice %arg6[%dma_start3A_83] : memref<24576xf32, #tpu.memory_space<vmem>> -> memref<4096xf32, #tpu.memory_space<vmem>>
      %dma_start3A_85 = tpu.memref_slice %arg2[%add3A_79] : memref<786432xf32, #tpu.memory_space<hbm>> -> memref<4096xf32, #tpu.memory_space<hbm>>
      tpu.enqueue_dma source(%dma_start3A_85 : memref<4096xf32, #tpu.memory_space<hbm>>) target(%dma_start3A_84 : memref<4096xf32, #tpu.memory_space<vmem>>) target_semaphore(%arg10 : memref<!tpu.dma_semaphore, #tpu.memory_space<semaphore_mem>>)
      %add3A_86 = arith.constant 262144 : i32
      %add3A_87 = arith.addi %add3A_86, %add3A_77 : i32
      %dma_start3A_88 = arith.constant 16384 : i32
      %dma_start3A_89 = tpu.memref_slice %arg6[%dma_start3A_88] : memref<24576xf32, #tpu.memory_space<vmem>> -> memref<4096xf32, #tpu.memory_space<vmem>>
      %dma_start3A_90 = tpu.memref_slice %arg2[%add3A_87] : memref<786432xf32, #tpu.memory_space<hbm>> -> memref<4096xf32, #tpu.memory_space<hbm>>
      %dma_start3A_91 = arith.constant 16384 : i32
      %dma_start3A_92 = tpu.memref_slice %arg6[%dma_start3A_91] : memref<24576xf32, #tpu.memory_space<vmem>> -> memref<4096xf32, #tpu.memory_space<vmem>>
      %dma_start3A_93 = tpu.memref_slice %arg2[%add3A_87] : memref<786432xf32, #tpu.memory_space<hbm>> -> memref<4096xf32, #tpu.memory_space<hbm>>
      tpu.enqueue_dma source(%dma_start3A_93 : memref<4096xf32, #tpu.memory_space<hbm>>) target(%dma_start3A_92 : memref<4096xf32, #tpu.memory_space<vmem>>) target_semaphore(%arg10 : memref<!tpu.dma_semaphore, #tpu.memory_space<semaphore_mem>>)
      %add3A_94 = arith.constant 524288 : i32
      %add3A_95 = arith.addi %add3A_94, %add3A_77 : i32
      %dma_start3A_96 = arith.constant 20480 : i32
      %dma_start3A_97 = tpu.memref_slice %arg6[%dma_start3A_96] : memref<24576xf32, #tpu.memory_space<vmem>> -> memref<4096xf32, #tpu.memory_space<vmem>>
      %dma_start3A_98 = tpu.memref_slice %arg2[%add3A_95] : memref<786432xf32, #tpu.memory_space<hbm>> -> memref<4096xf32, #tpu.memory_space<hbm>>
      %dma_start3A_99 = arith.constant 20480 : i32
      %dma_start3A_100 = tpu.memref_slice %arg6[%dma_start3A_99] : memref<24576xf32, #tpu.memory_space<vmem>> -> memref<4096xf32, #tpu.memory_space<vmem>>
      %dma_start3A_101 = tpu.memref_slice %arg2[%add3A_95] : memref<786432xf32, #tpu.memory_space<hbm>> -> memref<4096xf32, #tpu.memory_space<hbm>>
      tpu.enqueue_dma source(%dma_start3A_101 : memref<4096xf32, #tpu.memory_space<hbm>>) target(%dma_start3A_100 : memref<4096xf32, #tpu.memory_space<vmem>>) target_semaphore(%arg10 : memref<!tpu.dma_semaphore, #tpu.memory_space<semaphore_mem>>)
      %scan3A = arith.constant 0 : i32
      %scan3A_102 = arith.constant 8 : i32
      %scan3A_103 = arith.addi %scan3A, %scan3A_102 : i32
      %scan3A_104 = arith.constant 1 : i32
      scf.for %scan3A_169 = %scan3A to %scan3A_103 step %scan3A_104  : i32 {
        %mul3A_170 = arith.constant 2 : i32
        %mul3A_171 = arith.muli %mul3A_170, %scan3A_169 : i32
        %mul3A_172 = arith.constant 2 : i32
        %mul3A_173 = arith.muli %mul3A_172, %scan3A_169 : i32
        %add3A_174 = arith.constant 1 : i32
        %add3A_175 = arith.addi %mul3A_173, %add3A_174 : i32
        %mul3A_176 = arith.constant 65536 : i32
        %mul3A_177 = arith.muli %select_n3A_30, %mul3A_176 : i32
        %min3A_178 = arith.constant 15 : i32
        %min3A_179 = arith.minsi %mul3A_171, %min3A_178 : i32
        %mul3A_180 = arith.constant 4096 : i32
        %mul3A_181 = arith.muli %min3A_179, %mul3A_180 : i32
        %add3A_182 = arith.addi %mul3A_177, %mul3A_181 : i32
        %add3A_183 = arith.constant 0 : i32
        %add3A_184 = arith.addi %add3A_183, %add3A_182 : i32
        %dma_wait3A_185 = arith.constant 0 : i32
        %dma_wait3A_186 = tpu.memref_slice %arg6[%dma_wait3A_185] : memref<24576xf32, #tpu.memory_space<vmem>> -> memref<4096xf32, #tpu.memory_space<vmem>>
        %dma_wait3A_187 = tpu.memref_slice %arg2[%add3A_184] : memref<786432xf32, #tpu.memory_space<hbm>> -> memref<4096xf32, #tpu.memory_space<hbm>>
        %dma_wait3A_188 = arith.constant 0 : i32
        %dma_wait3A_189 = tpu.memref_slice %arg6[%dma_wait3A_188] : memref<24576xf32, #tpu.memory_space<vmem>> -> memref<4096xf32, #tpu.memory_space<vmem>>
        %dma_wait3A_190 = tpu.memref_slice %arg2[%add3A_184] : memref<786432xf32, #tpu.memory_space<hbm>> -> memref<4096xf32, #tpu.memory_space<hbm>>
        tpu.wait_dma2 semaphore(%arg9 : memref<!tpu.dma_semaphore, #tpu.memory_space<semaphore_mem>>) src(%dma_wait3A_190 : memref<4096xf32, #tpu.memory_space<hbm>>) dst(%dma_wait3A_189 : memref<4096xf32, #tpu.memory_space<vmem>>)
        %add3A_191 = arith.constant 262144 : i32
        %add3A_192 = arith.addi %add3A_191, %add3A_182 : i32
        %dma_wait3A_193 = arith.constant 4096 : i32
        %dma_wait3A_194 = tpu.memref_slice %arg6[%dma_wait3A_193] : memref<24576xf32, #tpu.memory_space<vmem>> -> memref<4096xf32, #tpu.memory_space<vmem>>
        %dma_wait3A_195 = tpu.memref_slice %arg2[%add3A_192] : memref<786432xf32, #tpu.memory_space<hbm>> -> memref<4096xf32, #tpu.memory_space<hbm>>
        %dma_wait3A_196 = arith.constant 4096 : i32
        %dma_wait3A_197 = tpu.memref_slice %arg6[%dma_wait3A_196] : memref<24576xf32, #tpu.memory_space<vmem>> -> memref<4096xf32, #tpu.memory_space<vmem>>
        %dma_wait3A_198 = tpu.memref_slice %arg2[%add3A_192] : memref<786432xf32, #tpu.memory_space<hbm>> -> memref<4096xf32, #tpu.memory_space<hbm>>
        tpu.wait_dma2 semaphore(%arg9 : memref<!tpu.dma_semaphore, #tpu.memory_space<semaphore_mem>>) src(%dma_wait3A_198 : memref<4096xf32, #tpu.memory_space<hbm>>) dst(%dma_wait3A_197 : memref<4096xf32, #tpu.memory_space<vmem>>)
        %add3A_199 = arith.constant 524288 : i32
        %add3A_200 = arith.addi %add3A_199, %add3A_182 : i32
        %dma_wait3A_201 = arith.constant 8192 : i32
        %dma_wait3A_202 = tpu.memref_slice %arg6[%dma_wait3A_201] : memref<24576xf32, #tpu.memory_space<vmem>> -> memref<4096xf32, #tpu.memory_space<vmem>>
        %dma_wait3A_203 = tpu.memref_slice %arg2[%add3A_200] : memref<786432xf32, #tpu.memory_space<hbm>> -> memref<4096xf32, #tpu.memory_space<hbm>>
        %dma_wait3A_204 = arith.constant 8192 : i32
        %dma_wait3A_205 = tpu.memref_slice %arg6[%dma_wait3A_204] : memref<24576xf32, #tpu.memory_space<vmem>> -> memref<4096xf32, #tpu.memory_space<vmem>>
        %dma_wait3A_206 = tpu.memref_slice %arg2[%add3A_200] : memref<786432xf32, #tpu.memory_space<hbm>> -> memref<4096xf32, #tpu.memory_space<hbm>>
        tpu.wait_dma2 semaphore(%arg9 : memref<!tpu.dma_semaphore, #tpu.memory_space<semaphore_mem>>) src(%dma_wait3A_206 : memref<4096xf32, #tpu.memory_space<hbm>>) dst(%dma_wait3A_205 : memref<4096xf32, #tpu.memory_space<vmem>>)
        %scan3A_207 = arith.constant 0 : i32
        %scan3A_208 = arith.constant 256 : i32
        %scan3A_209 = arith.addi %scan3A_207, %scan3A_208 : i32
        %scan3A_210 = arith.constant 1 : i32
        scf.for %scan3A_430 = %scan3A_207 to %scan3A_209 step %scan3A_210  : i32 {
          %mul3A_431 = arith.constant 16 : i32
          %mul3A_432 = arith.muli %scan3A_430, %mul3A_431 : i32
          %add3A_433 = arith.constant 0 : i32
          %add3A_434 = arith.addi %add3A_433, %mul3A_432 : i32
          %get3A = arith.index_cast %add3A_434 : i32 to index
          %get3A_435 = tpu.vector_load %arg6[%get3A] {strides = array<i32>} : memref<24576xf32, #tpu.memory_space<vmem>>, vector<16xf32>,
          %mul3A_436 = vector.broadcast %convert_element_type3A : f32 to vector<16xf32>
          %mul3A_437 = arith.mulf %get3A_435, %mul3A_436 : vector<16xf32>
          %mul3A_438 = arith.constant 16 : i32
          %mul3A_439 = arith.muli %scan3A_430, %mul3A_438 : i32
          %add3A_440 = arith.constant 4096 : i32
          %add3A_441 = arith.addi %add3A_440, %mul3A_439 : i32
          %get3A_442 = arith.index_cast %add3A_441 : i32 to index
          %get3A_443 = tpu.vector_load %arg6[%get3A_442] {strides = array<i32>} : memref<24576xf32, #tpu.memory_space<vmem>>, vector<16xf32>,
          %mul3A_444 = vector.broadcast %convert_element_type3A : f32 to vector<16xf32>
          %mul3A_445 = arith.mulf %get3A_443, %mul3A_444 : vector<16xf32>
          %mul3A_446 = arith.constant 16 : i32
          %mul3A_447 = arith.muli %scan3A_430, %mul3A_446 : i32
          %add3A_448 = arith.constant 8192 : i32
          %add3A_449 = arith.addi %add3A_448, %mul3A_447 : i32
          %get3A_450 = arith.index_cast %add3A_449 : i32 to index
          %get3A_451 = tpu.vector_load %arg6[%get3A_450] {strides = array<i32>} : memref<24576xf32, #tpu.memory_space<vmem>>, vector<16xf32>,
          %mul3A_452 = vector.broadcast %convert_element_type3A : f32 to vector<16xf32>
          %mul3A_453 = arith.mulf %get3A_451, %mul3A_452 : vector<16xf32>
          %convert_element_type3A_454 = arith.fptosi %mul3A_437 : vector<16xf32> to vector<16xi32>
          %convert_element_type3A_455 = arith.fptosi %mul3A_445 : vector<16xf32> to vector<16xi32>
          %convert_element_type3A_456 = arith.fptosi %mul3A_453 : vector<16xf32> to vector<16xi32>
          %convert_element_type3A_457 = arith.sitofp %convert_element_type3A_454 : vector<16xi32> to vector<16xf32>
          %sub3A_458 = arith.subf %mul3A_437, %convert_element_type3A_457 : vector<16xf32>
          %convert_element_type3A_459 = arith.sitofp %convert_element_type3A_455 : vector<16xi32> to vector<16xf32>
          %sub3A_460 = arith.subf %mul3A_445, %convert_element_type3A_459 : vector<16xf32>
          %convert_element_type3A_461 = arith.sitofp %convert_element_type3A_456 : vector<16xi32> to vector<16xf32>
          %sub3A_462 = arith.subf %mul3A_453, %convert_element_type3A_461 : vector<16xf32>
          %add3A_463 = arith.constant 1 : i32
          %add3A_464 = vector.broadcast %add3A_463 : i32 to vector<16xi32>
          %add3A_465 = arith.addi %convert_element_type3A_454, %add3A_464 : vector<16xi32>
          %min3A_466 = vector.broadcast %shift_left3A_31 : i32 to vector<16xi32>
          %min3A_467 = arith.minsi %add3A_465, %min3A_466 : vector<16xi32>
          %add3A_468 = arith.constant 1 : i32
          %add3A_469 = vector.broadcast %add3A_468 : i32 to vector<16xi32>
          %add3A_470 = arith.addi %convert_element_type3A_455, %add3A_469 : vector<16xi32>
          %min3A_471 = vector.broadcast %shift_left3A_31 : i32 to vector<16xi32>
          %min3A_472 = arith.minsi %add3A_470, %min3A_471 : vector<16xi32>
          %add3A_473 = arith.constant 1 : i32
          %add3A_474 = vector.broadcast %add3A_473 : i32 to vector<16xi32>
          %add3A_475 = arith.addi %convert_element_type3A_456, %add3A_474 : vector<16xi32>
          %min3A_476 = vector.broadcast %shift_left3A_31 : i32 to vector<16xi32>
          %min3A_477 = arith.minsi %add3A_475, %min3A_476 : vector<16xi32>
          %mul3A_478 = arith.constant -1640531535 : i32
          %mul3A_479 = vector.broadcast %mul3A_478 : i32 to vector<16xi32>
          %mul3A_480 = arith.muli %convert_element_type3A_455, %mul3A_479 : vector<16xi32>
          %mul3A_481 = arith.constant -1640531535 : i32
          %mul3A_482 = vector.broadcast %mul3A_481 : i32 to vector<16xi32>
          %mul3A_483 = arith.muli %min3A_472, %mul3A_482 : vector<16xi32>
          %mul3A_484 = arith.constant 805459861 : i32
          %mul3A_485 = vector.broadcast %mul3A_484 : i32 to vector<16xi32>
          %mul3A_486 = arith.muli %convert_element_type3A_456, %mul3A_485 : vector<16xi32>
          %mul3A_487 = arith.constant 805459861 : i32
          %mul3A_488 = vector.broadcast %mul3A_487 : i32 to vector<16xi32>
          %mul3A_489 = arith.muli %min3A_477, %mul3A_488 : vector<16xi32>
          %xor3A = arith.xori %mul3A_486, %mul3A_480 : vector<16xi32>
          %xor3A_490 = arith.xori %mul3A_486, %mul3A_483 : vector<16xi32>
          %xor3A_491 = arith.xori %mul3A_489, %mul3A_480 : vector<16xi32>
          %xor3A_492 = arith.xori %mul3A_489, %mul3A_483 : vector<16xi32>
          %sub3A_493 = arith.constant 1.000000e+00 : f32
          %sub3A_494 = vector.broadcast %sub3A_493 : f32 to vector<16xf32>
          %sub3A_495 = arith.subf %sub3A_494, %sub3A_458 : vector<16xf32>
          %sub3A_496 = arith.constant 1.000000e+00 : f32
          %sub3A_497 = vector.broadcast %sub3A_496 : f32 to vector<16xf32>
          %sub3A_498 = arith.subf %sub3A_497, %sub3A_460 : vector<16xf32>
          %mul3A_499 = arith.mulf %sub3A_495, %sub3A_498 : vector<16xf32>
          %mul3A_500 = arith.mulf %sub3A_458, %sub3A_498 : vector<16xf32>
          %mul3A_501 = arith.mulf %sub3A_495, %sub3A_460 : vector<16xf32>
          %mul3A_502 = arith.mulf %sub3A_458, %sub3A_460 : vector<16xf32>
          %sub3A_503 = arith.constant 1.000000e+00 : f32
          %sub3A_504 = vector.broadcast %sub3A_503 : f32 to vector<16xf32>
          %sub3A_505 = arith.subf %sub3A_504, %sub3A_462 : vector<16xf32>
          %broadcast_in_dim3A = arith.constant 0.000000e+00 : f32
          %broadcast_in_dim3A_506 = vector.broadcast %broadcast_in_dim3A : f32 to vector<16xf32>
          %broadcast_in_dim3A_507 = arith.constant 0.000000e+00 : f32
          %broadcast_in_dim3A_508 = vector.broadcast %broadcast_in_dim3A_507 : f32 to vector<16xf32>
          %xor3A_509 = arith.xori %convert_element_type3A_454, %xor3A : vector<16xi32>
          %and3A_510 = arith.constant 65535 : i32
          %and3A_511 = vector.broadcast %and3A_510 : i32 to vector<16xi32>
          %and3A_512 = arith.andi %xor3A_509, %and3A_511 : vector<16xi32>
          %gather3A = tpu.vector_load_idx %arg5[%and3A_512] : memref<65536xi32, #tpu.memory_space<vmem>>[vector<16xi32>], vector<16xi32>,
          %shift_left3A_513 = arith.constant 16 : i32
          %shift_left3A_514 = vector.broadcast %shift_left3A_513 : i32 to vector<16xi32>
          %shift_left3A_515 = arith.shli %gather3A, %shift_left3A_514 : vector<16xi32>
          %bitcast_convert_type3A = tpu.bitcast %shift_left3A_515 : vector<16xi32> -> vector<16xf32>
          %and3A_516 = arith.constant -65536 : i32
          %and3A_517 = vector.broadcast %and3A_516 : i32 to vector<16xi32>
          %and3A_518 = arith.andi %gather3A, %and3A_517 : vector<16xi32>
          %bitcast_convert_type3A_519 = tpu.bitcast %and3A_518 : vector<16xi32> -> vector<16xf32>
          %mul3A_520 = arith.mulf %mul3A_499, %sub3A_505 : vector<16xf32>
          %mul3A_521 = arith.mulf %mul3A_520, %bitcast_convert_type3A : vector<16xf32>
          %add3A_522 = arith.addf %broadcast_in_dim3A_506, %mul3A_521 : vector<16xf32>
          %mul3A_523 = arith.mulf %mul3A_520, %bitcast_convert_type3A_519 : vector<16xf32>
          %add3A_524 = arith.addf %broadcast_in_dim3A_508, %mul3A_523 : vector<16xf32>
          %xor3A_525 = arith.xori %min3A_467, %xor3A : vector<16xi32>
          %and3A_526 = arith.constant 65535 : i32
          %and3A_527 = vector.broadcast %and3A_526 : i32 to vector<16xi32>
          %and3A_528 = arith.andi %xor3A_525, %and3A_527 : vector<16xi32>
          %gather3A_529 = tpu.vector_load_idx %arg5[%and3A_528] : memref<65536xi32, #tpu.memory_space<vmem>>[vector<16xi32>], vector<16xi32>,
          %shift_left3A_530 = arith.constant 16 : i32
          %shift_left3A_531 = vector.broadcast %shift_left3A_530 : i32 to vector<16xi32>
          %shift_left3A_532 = arith.shli %gather3A_529, %shift_left3A_531 : vector<16xi32>
          %bitcast_convert_type3A_533 = tpu.bitcast %shift_left3A_532 : vector<16xi32> -> vector<16xf32>
          %and3A_534 = arith.constant -65536 : i32
          %and3A_535 = vector.broadcast %and3A_534 : i32 to vector<16xi32>
          %and3A_536 = arith.andi %gather3A_529, %and3A_535 : vector<16xi32>
          %bitcast_convert_type3A_537 = tpu.bitcast %and3A_536 : vector<16xi32> -> vector<16xf32>
          %mul3A_538 = arith.mulf %mul3A_500, %sub3A_505 : vector<16xf32>
          %mul3A_539 = arith.mulf %mul3A_538, %bitcast_convert_type3A_533 : vector<16xf32>
          %add3A_540 = arith.addf %add3A_522, %mul3A_539 : vector<16xf32>
          %mul3A_541 = arith.mulf %mul3A_538, %bitcast_convert_type3A_537 : vector<16xf32>
          %add3A_542 = arith.addf %add3A_524, %mul3A_541 : vector<16xf32>
          %xor3A_543 = arith.xori %convert_element_type3A_454, %xor3A_490 : vector<16xi32>
          %and3A_544 = arith.constant 65535 : i32
          %and3A_545 = vector.broadcast %and3A_544 : i32 to vector<16xi32>
          %and3A_546 = arith.andi %xor3A_543, %and3A_545 : vector<16xi32>
          %gather3A_547 = tpu.vector_load_idx %arg5[%and3A_546] : memref<65536xi32, #tpu.memory_space<vmem>>[vector<16xi32>], vector<16xi32>,
          %shift_left3A_548 = arith.constant 16 : i32
          %shift_left3A_549 = vector.broadcast %shift_left3A_548 : i32 to vector<16xi32>
          %shift_left3A_550 = arith.shli %gather3A_547, %shift_left3A_549 : vector<16xi32>
          %bitcast_convert_type3A_551 = tpu.bitcast %shift_left3A_550 : vector<16xi32> -> vector<16xf32>
          %and3A_552 = arith.constant -65536 : i32
          %and3A_553 = vector.broadcast %and3A_552 : i32 to vector<16xi32>
          %and3A_554 = arith.andi %gather3A_547, %and3A_553 : vector<16xi32>
          %bitcast_convert_type3A_555 = tpu.bitcast %and3A_554 : vector<16xi32> -> vector<16xf32>
          %mul3A_556 = arith.mulf %mul3A_501, %sub3A_505 : vector<16xf32>
          %mul3A_557 = arith.mulf %mul3A_556, %bitcast_convert_type3A_551 : vector<16xf32>
          %add3A_558 = arith.addf %add3A_540, %mul3A_557 : vector<16xf32>
          %mul3A_559 = arith.mulf %mul3A_556, %bitcast_convert_type3A_555 : vector<16xf32>
          %add3A_560 = arith.addf %add3A_542, %mul3A_559 : vector<16xf32>
          %xor3A_561 = arith.xori %min3A_467, %xor3A_490 : vector<16xi32>
          %and3A_562 = arith.constant 65535 : i32
          %and3A_563 = vector.broadcast %and3A_562 : i32 to vector<16xi32>
          %and3A_564 = arith.andi %xor3A_561, %and3A_563 : vector<16xi32>
          %gather3A_565 = tpu.vector_load_idx %arg5[%and3A_564] : memref<65536xi32, #tpu.memory_space<vmem>>[vector<16xi32>], vector<16xi32>,
          %shift_left3A_566 = arith.constant 16 : i32
          %shift_left3A_567 = vector.broadcast %shift_left3A_566 : i32 to vector<16xi32>
          %shift_left3A_568 = arith.shli %gather3A_565, %shift_left3A_567 : vector<16xi32>
          %bitcast_convert_type3A_569 = tpu.bitcast %shift_left3A_568 : vector<16xi32> -> vector<16xf32>
          %and3A_570 = arith.constant -65536 : i32
          %and3A_571 = vector.broadcast %and3A_570 : i32 to vector<16xi32>
          %and3A_572 = arith.andi %gather3A_565, %and3A_571 : vector<16xi32>
          %bitcast_convert_type3A_573 = tpu.bitcast %and3A_572 : vector<16xi32> -> vector<16xf32>
          %mul3A_574 = arith.mulf %mul3A_502, %sub3A_505 : vector<16xf32>
          %mul3A_575 = arith.mulf %mul3A_574, %bitcast_convert_type3A_569 : vector<16xf32>
          %add3A_576 = arith.addf %add3A_558, %mul3A_575 : vector<16xf32>
          %mul3A_577 = arith.mulf %mul3A_574, %bitcast_convert_type3A_573 : vector<16xf32>
          %add3A_578 = arith.addf %add3A_560, %mul3A_577 : vector<16xf32>
          %xor3A_579 = arith.xori %convert_element_type3A_454, %xor3A_491 : vector<16xi32>
          %and3A_580 = arith.constant 65535 : i32
          %and3A_581 = vector.broadcast %and3A_580 : i32 to vector<16xi32>
          %and3A_582 = arith.andi %xor3A_579, %and3A_581 : vector<16xi32>
          %gather3A_583 = tpu.vector_load_idx %arg5[%and3A_582] : memref<65536xi32, #tpu.memory_space<vmem>>[vector<16xi32>], vector<16xi32>,
          %shift_left3A_584 = arith.constant 16 : i32
          %shift_left3A_585 = vector.broadcast %shift_left3A_584 : i32 to vector<16xi32>
          %shift_left3A_586 = arith.shli %gather3A_583, %shift_left3A_585 : vector<16xi32>
          %bitcast_convert_type3A_587 = tpu.bitcast %shift_left3A_586 : vector<16xi32> -> vector<16xf32>
          %and3A_588 = arith.constant -65536 : i32
          %and3A_589 = vector.broadcast %and3A_588 : i32 to vector<16xi32>
          %and3A_590 = arith.andi %gather3A_583, %and3A_589 : vector<16xi32>
          %bitcast_convert_type3A_591 = tpu.bitcast %and3A_590 : vector<16xi32> -> vector<16xf32>
          %mul3A_592 = arith.mulf %mul3A_499, %sub3A_462 : vector<16xf32>
          %mul3A_593 = arith.mulf %mul3A_592, %bitcast_convert_type3A_587 : vector<16xf32>
          %add3A_594 = arith.addf %add3A_576, %mul3A_593 : vector<16xf32>
          %mul3A_595 = arith.mulf %mul3A_592, %bitcast_convert_type3A_591 : vector<16xf32>
          %add3A_596 = arith.addf %add3A_578, %mul3A_595 : vector<16xf32>
          %xor3A_597 = arith.xori %min3A_467, %xor3A_491 : vector<16xi32>
          %and3A_598 = arith.constant 65535 : i32
          %and3A_599 = vector.broadcast %and3A_598 : i32 to vector<16xi32>
          %and3A_600 = arith.andi %xor3A_597, %and3A_599 : vector<16xi32>
          %gather3A_601 = tpu.vector_load_idx %arg5[%and3A_600] : memref<65536xi32, #tpu.memory_space<vmem>>[vector<16xi32>], vector<16xi32>,
          %shift_left3A_602 = arith.constant 16 : i32
          %shift_left3A_603 = vector.broadcast %shift_left3A_602 : i32 to vector<16xi32>
          %shift_left3A_604 = arith.shli %gather3A_601, %shift_left3A_603 : vector<16xi32>
          %bitcast_convert_type3A_605 = tpu.bitcast %shift_left3A_604 : vector<16xi32> -> vector<16xf32>
          %and3A_606 = arith.constant -65536 : i32
          %and3A_607 = vector.broadcast %and3A_606 : i32 to vector<16xi32>
          %and3A_608 = arith.andi %gather3A_601, %and3A_607 : vector<16xi32>
          %bitcast_convert_type3A_609 = tpu.bitcast %and3A_608 : vector<16xi32> -> vector<16xf32>
          %mul3A_610 = arith.mulf %mul3A_500, %sub3A_462 : vector<16xf32>
          %mul3A_611 = arith.mulf %mul3A_610, %bitcast_convert_type3A_605 : vector<16xf32>
          %add3A_612 = arith.addf %add3A_594, %mul3A_611 : vector<16xf32>
          %mul3A_613 = arith.mulf %mul3A_610, %bitcast_convert_type3A_609 : vector<16xf32>
          %add3A_614 = arith.addf %add3A_596, %mul3A_613 : vector<16xf32>
          %xor3A_615 = arith.xori %convert_element_type3A_454, %xor3A_492 : vector<16xi32>
          %and3A_616 = arith.constant 65535 : i32
          %and3A_617 = vector.broadcast %and3A_616 : i32 to vector<16xi32>
          %and3A_618 = arith.andi %xor3A_615, %and3A_617 : vector<16xi32>
          %gather3A_619 = tpu.vector_load_idx %arg5[%and3A_618] : memref<65536xi32, #tpu.memory_space<vmem>>[vector<16xi32>], vector<16xi32>,
          %shift_left3A_620 = arith.constant 16 : i32
          %shift_left3A_621 = vector.broadcast %shift_left3A_620 : i32 to vector<16xi32>
          %shift_left3A_622 = arith.shli %gather3A_619, %shift_left3A_621 : vector<16xi32>
          %bitcast_convert_type3A_623 = tpu.bitcast %shift_left3A_622 : vector<16xi32> -> vector<16xf32>
          %and3A_624 = arith.constant -65536 : i32
          %and3A_625 = vector.broadcast %and3A_624 : i32 to vector<16xi32>
          %and3A_626 = arith.andi %gather3A_619, %and3A_625 : vector<16xi32>
          %bitcast_convert_type3A_627 = tpu.bitcast %and3A_626 : vector<16xi32> -> vector<16xf32>
          %mul3A_628 = arith.mulf %mul3A_501, %sub3A_462 : vector<16xf32>
          %mul3A_629 = arith.mulf %mul3A_628, %bitcast_convert_type3A_623 : vector<16xf32>
          %add3A_630 = arith.addf %add3A_612, %mul3A_629 : vector<16xf32>
          %mul3A_631 = arith.mulf %mul3A_628, %bitcast_convert_type3A_627 : vector<16xf32>
          %add3A_632 = arith.addf %add3A_614, %mul3A_631 : vector<16xf32>
          %xor3A_633 = arith.xori %min3A_467, %xor3A_492 : vector<16xi32>
          %and3A_634 = arith.constant 65535 : i32
          %and3A_635 = vector.broadcast %and3A_634 : i32 to vector<16xi32>
          %and3A_636 = arith.andi %xor3A_633, %and3A_635 : vector<16xi32>
          %gather3A_637 = tpu.vector_load_idx %arg5[%and3A_636] : memref<65536xi32, #tpu.memory_space<vmem>>[vector<16xi32>], vector<16xi32>,
          %shift_left3A_638 = arith.constant 16 : i32
          %shift_left3A_639 = vector.broadcast %shift_left3A_638 : i32 to vector<16xi32>
          %shift_left3A_640 = arith.shli %gather3A_637, %shift_left3A_639 : vector<16xi32>
          %bitcast_convert_type3A_641 = tpu.bitcast %shift_left3A_640 : vector<16xi32> -> vector<16xf32>
          %and3A_642 = arith.constant -65536 : i32
          %and3A_643 = vector.broadcast %and3A_642 : i32 to vector<16xi32>
          %and3A_644 = arith.andi %gather3A_637, %and3A_643 : vector<16xi32>
          %bitcast_convert_type3A_645 = tpu.bitcast %and3A_644 : vector<16xi32> -> vector<16xf32>
          %mul3A_646 = arith.mulf %mul3A_502, %sub3A_462 : vector<16xf32>
          %mul3A_647 = arith.mulf %mul3A_646, %bitcast_convert_type3A_641 : vector<16xf32>
          %add3A_648 = arith.addf %add3A_630, %mul3A_647 : vector<16xf32>
          %mul3A_649 = arith.mulf %mul3A_646, %bitcast_convert_type3A_645 : vector<16xf32>
          %add3A_650 = arith.addf %add3A_632, %mul3A_649 : vector<16xf32>
          %mul3A_651 = arith.constant 16 : i32
          %mul3A_652 = arith.muli %scan3A_430, %mul3A_651 : i32
          %add3A_653 = arith.constant 0 : i32
          %add3A_654 = arith.addi %add3A_653, %mul3A_652 : i32
          %swap3A = arith.index_cast %add3A_654 : i32 to index
          %swap3A_655 = tpu.vector_load %arg7[%swap3A] {strides = array<i32>} : memref<8192xf32, #tpu.memory_space<vmem>>, vector<16xf32>,
          tpu.vector_store %arg7[%swap3A], %add3A_648 {strides = array<i32>} : memref<8192xf32, #tpu.memory_space<vmem>>, vector<16xf32>,
          %swap3A_656 = arith.index_cast %add3A_654 : i32 to index
          %swap3A_657 = tpu.vector_load %arg8[%swap3A_656] {strides = array<i32>} : memref<8192xf32, #tpu.memory_space<vmem>>, vector<16xf32>,
          tpu.vector_store %arg8[%swap3A_656], %add3A_650 {strides = array<i32>} : memref<8192xf32, #tpu.memory_space<vmem>>, vector<16xf32>,
        }
        %scan3A_211 = arith.constant 256 : i32
        %add3A_212 = arith.constant 2 : i32
        %add3A_213 = arith.addi %mul3A_171, %add3A_212 : i32
        %mul3A_214 = arith.constant 65536 : i32
        %mul3A_215 = arith.muli %select_n3A_30, %mul3A_214 : i32
        %min3A_216 = arith.constant 15 : i32
        %min3A_217 = arith.minsi %add3A_213, %min3A_216 : i32
        %mul3A_218 = arith.constant 4096 : i32
        %mul3A_219 = arith.muli %min3A_217, %mul3A_218 : i32
        %add3A_220 = arith.addi %mul3A_215, %mul3A_219 : i32
        %add3A_221 = arith.constant 0 : i32
        %add3A_222 = arith.addi %add3A_221, %add3A_220 : i32
        %dma_start3A_223 = arith.constant 0 : i32
        %dma_start3A_224 = tpu.memref_slice %arg6[%dma_start3A_223] : memref<24576xf32, #tpu.memory_space<vmem>> -> memref<4096xf32, #tpu.memory_space<vmem>>
        %dma_start3A_225 = tpu.memref_slice %arg2[%add3A_222] : memref<786432xf32, #tpu.memory_space<hbm>> -> memref<4096xf32, #tpu.memory_space<hbm>>
        %dma_start3A_226 = arith.constant 0 : i32
        %dma_start3A_227 = tpu.memref_slice %arg6[%dma_start3A_226] : memref<24576xf32, #tpu.memory_space<vmem>> -> memref<4096xf32, #tpu.memory_space<vmem>>
        %dma_start3A_228 = tpu.memref_slice %arg2[%add3A_222] : memref<786432xf32, #tpu.memory_space<hbm>> -> memref<4096xf32, #tpu.memory_space<hbm>>
        tpu.enqueue_dma source(%dma_start3A_228 : memref<4096xf32, #tpu.memory_space<hbm>>) target(%dma_start3A_227 : memref<4096xf32, #tpu.memory_space<vmem>>) target_semaphore(%arg9 : memref<!tpu.dma_semaphore, #tpu.memory_space<semaphore_mem>>)
        %add3A_229 = arith.constant 262144 : i32
        %add3A_230 = arith.addi %add3A_229, %add3A_220 : i32
        %dma_start3A_231 = arith.constant 4096 : i32
        %dma_start3A_232 = tpu.memref_slice %arg6[%dma_start3A_231] : memref<24576xf32, #tpu.memory_space<vmem>> -> memref<4096xf32, #tpu.memory_space<vmem>>
        %dma_start3A_233 = tpu.memref_slice %arg2[%add3A_230] : memref<786432xf32, #tpu.memory_space<hbm>> -> memref<4096xf32, #tpu.memory_space<hbm>>
        %dma_start3A_234 = arith.constant 4096 : i32
        %dma_start3A_235 = tpu.memref_slice %arg6[%dma_start3A_234] : memref<24576xf32, #tpu.memory_space<vmem>> -> memref<4096xf32, #tpu.memory_space<vmem>>
        %dma_start3A_236 = tpu.memref_slice %arg2[%add3A_230] : memref<786432xf32, #tpu.memory_space<hbm>> -> memref<4096xf32, #tpu.memory_space<hbm>>
        tpu.enqueue_dma source(%dma_start3A_236 : memref<4096xf32, #tpu.memory_space<hbm>>) target(%dma_start3A_235 : memref<4096xf32, #tpu.memory_space<vmem>>) target_semaphore(%arg9 : memref<!tpu.dma_semaphore, #tpu.memory_space<semaphore_mem>>)
        %add3A_237 = arith.constant 524288 : i32
        %add3A_238 = arith.addi %add3A_237, %add3A_220 : i32
        %dma_start3A_239 = arith.constant 8192 : i32
        %dma_start3A_240 = tpu.memref_slice %arg6[%dma_start3A_239] : memref<24576xf32, #tpu.memory_space<vmem>> -> memref<4096xf32, #tpu.memory_space<vmem>>
        %dma_start3A_241 = tpu.memref_slice %arg2[%add3A_238] : memref<786432xf32, #tpu.memory_space<hbm>> -> memref<4096xf32, #tpu.memory_space<hbm>>
        %dma_start3A_242 = arith.constant 8192 : i32
        %dma_start3A_243 = tpu.memref_slice %arg6[%dma_start3A_242] : memref<24576xf32, #tpu.memory_space<vmem>> -> memref<4096xf32, #tpu.memory_space<vmem>>
        %dma_start3A_244 = tpu.memref_slice %arg2[%add3A_238] : memref<786432xf32, #tpu.memory_space<hbm>> -> memref<4096xf32, #tpu.memory_space<hbm>>
        tpu.enqueue_dma source(%dma_start3A_244 : memref<4096xf32, #tpu.memory_space<hbm>>) target(%dma_start3A_243 : memref<4096xf32, #tpu.memory_space<vmem>>) target_semaphore(%arg9 : memref<!tpu.dma_semaphore, #tpu.memory_space<semaphore_mem>>)
        %mul3A_245 = arith.constant 65536 : i32
        %mul3A_246 = arith.muli %select_n3A_30, %mul3A_245 : i32
        %mul3A_247 = arith.constant 4096 : i32
        %mul3A_248 = arith.muli %mul3A_171, %mul3A_247 : i32
        %add3A_249 = arith.addi %mul3A_246, %mul3A_248 : i32
        %mul3A_250 = arith.constant 2 : i32
        %mul3A_251 = arith.muli %mul3A_250, %select_n3A_9 : i32
        %mul3A_252 = arith.constant 262144 : i32
        %mul3A_253 = arith.muli %mul3A_251, %mul3A_252 : i32
        %add3A_254 = arith.addi %mul3A_253, %add3A_249 : i32
        %dma_start3A_255 = arith.constant 0 : i32
        %dma_start3A_256 = tpu.memref_slice %arg7[%dma_start3A_255] : memref<8192xf32, #tpu.memory_space<vmem>> -> memref<4096xf32, #tpu.memory_space<vmem>>
        %dma_start3A_257 = tpu.memref_slice %arg4[%add3A_254] : memref<4194304xf32, #tpu.memory_space<hbm>> -> memref<4096xf32, #tpu.memory_space<hbm>>
        %dma_start3A_258 = tpu.memref_slice %arg4[%add3A_254] : memref<4194304xf32, #tpu.memory_space<hbm>> -> memref<4096xf32, #tpu.memory_space<hbm>>
        %dma_start3A_259 = arith.constant 0 : i32
        %dma_start3A_260 = tpu.memref_slice %arg7[%dma_start3A_259] : memref<8192xf32, #tpu.memory_space<vmem>> -> memref<4096xf32, #tpu.memory_space<vmem>>
        tpu.enqueue_dma source(%dma_start3A_260 : memref<4096xf32, #tpu.memory_space<vmem>>) target(%dma_start3A_258 : memref<4096xf32, #tpu.memory_space<hbm>>) target_semaphore(%arg11 : memref<!tpu.dma_semaphore, #tpu.memory_space<semaphore_mem>>)
        %mul3A_261 = arith.constant 2 : i32
        %mul3A_262 = arith.muli %mul3A_261, %select_n3A_9 : i32
        %add3A_263 = arith.constant 1 : i32
        %add3A_264 = arith.addi %mul3A_262, %add3A_263 : i32
        %mul3A_265 = arith.constant 262144 : i32
        %mul3A_266 = arith.muli %add3A_264, %mul3A_265 : i32
        %add3A_267 = arith.addi %mul3A_266, %add3A_249 : i32
        %dma_start3A_268 = arith.constant 0 : i32
        %dma_start3A_269 = tpu.memref_slice %arg8[%dma_start3A_268] : memref<8192xf32, #tpu.memory_space<vmem>> -> memref<4096xf32, #tpu.memory_space<vmem>>
        %dma_start3A_270 = tpu.memref_slice %arg4[%add3A_267] : memref<4194304xf32, #tpu.memory_space<hbm>> -> memref<4096xf32, #tpu.memory_space<hbm>>
        %dma_start3A_271 = tpu.memref_slice %arg4[%add3A_267] : memref<4194304xf32, #tpu.memory_space<hbm>> -> memref<4096xf32, #tpu.memory_space<hbm>>
        %dma_start3A_272 = arith.constant 0 : i32
        %dma_start3A_273 = tpu.memref_slice %arg8[%dma_start3A_272] : memref<8192xf32, #tpu.memory_space<vmem>> -> memref<4096xf32, #tpu.memory_space<vmem>>
        tpu.enqueue_dma source(%dma_start3A_273 : memref<4096xf32, #tpu.memory_space<vmem>>) target(%dma_start3A_271 : memref<4096xf32, #tpu.memory_space<hbm>>) target_semaphore(%arg11 : memref<!tpu.dma_semaphore, #tpu.memory_space<semaphore_mem>>)
        %mul3A_274 = arith.constant 65536 : i32
        %mul3A_275 = arith.muli %select_n3A_30, %mul3A_274 : i32
        %min3A_276 = arith.constant 15 : i32
        %min3A_277 = arith.minsi %add3A_175, %min3A_276 : i32
        %mul3A_278 = arith.constant 4096 : i32
        %mul3A_279 = arith.muli %min3A_277, %mul3A_278 : i32
        %add3A_280 = arith.addi %mul3A_275, %mul3A_279 : i32
        %add3A_281 = arith.constant 0 : i32
        %add3A_282 = arith.addi %add3A_281, %add3A_280 : i32
        %dma_wait3A_283 = arith.constant 12288 : i32
        %dma_wait3A_284 = tpu.memref_slice %arg6[%dma_wait3A_283] : memref<24576xf32, #tpu.memory_space<vmem>> -> memref<4096xf32, #tpu.memory_space<vmem>>
        %dma_wait3A_285 = tpu.memref_slice %arg2[%add3A_282] : memref<786432xf32, #tpu.memory_space<hbm>> -> memref<4096xf32, #tpu.memory_space<hbm>>
        %dma_wait3A_286 = arith.constant 12288 : i32
        %dma_wait3A_287 = tpu.memref_slice %arg6[%dma_wait3A_286] : memref<24576xf32, #tpu.memory_space<vmem>> -> memref<4096xf32, #tpu.memory_space<vmem>>
        %dma_wait3A_288 = tpu.memref_slice %arg2[%add3A_282] : memref<786432xf32, #tpu.memory_space<hbm>> -> memref<4096xf32, #tpu.memory_space<hbm>>
        tpu.wait_dma2 semaphore(%arg10 : memref<!tpu.dma_semaphore, #tpu.memory_space<semaphore_mem>>) src(%dma_wait3A_288 : memref<4096xf32, #tpu.memory_space<hbm>>) dst(%dma_wait3A_287 : memref<4096xf32, #tpu.memory_space<vmem>>)
        %add3A_289 = arith.constant 262144 : i32
        %add3A_290 = arith.addi %add3A_289, %add3A_280 : i32
        %dma_wait3A_291 = arith.constant 16384 : i32
        %dma_wait3A_292 = tpu.memref_slice %arg6[%dma_wait3A_291] : memref<24576xf32, #tpu.memory_space<vmem>> -> memref<4096xf32, #tpu.memory_space<vmem>>
        %dma_wait3A_293 = tpu.memref_slice %arg2[%add3A_290] : memref<786432xf32, #tpu.memory_space<hbm>> -> memref<4096xf32, #tpu.memory_space<hbm>>
        %dma_wait3A_294 = arith.constant 16384 : i32
        %dma_wait3A_295 = tpu.memref_slice %arg6[%dma_wait3A_294] : memref<24576xf32, #tpu.memory_space<vmem>> -> memref<4096xf32, #tpu.memory_space<vmem>>
        %dma_wait3A_296 = tpu.memref_slice %arg2[%add3A_290] : memref<786432xf32, #tpu.memory_space<hbm>> -> memref<4096xf32, #tpu.memory_space<hbm>>
        tpu.wait_dma2 semaphore(%arg10 : memref<!tpu.dma_semaphore, #tpu.memory_space<semaphore_mem>>) src(%dma_wait3A_296 : memref<4096xf32, #tpu.memory_space<hbm>>) dst(%dma_wait3A_295 : memref<4096xf32, #tpu.memory_space<vmem>>)
        %add3A_297 = arith.constant 524288 : i32
        %add3A_298 = arith.addi %add3A_297, %add3A_280 : i32
        %dma_wait3A_299 = arith.constant 20480 : i32
        %dma_wait3A_300 = tpu.memref_slice %arg6[%dma_wait3A_299] : memref<24576xf32, #tpu.memory_space<vmem>> -> memref<4096xf32, #tpu.memory_space<vmem>>
        %dma_wait3A_301 = tpu.memref_slice %arg2[%add3A_298] : memref<786432xf32, #tpu.memory_space<hbm>> -> memref<4096xf32, #tpu.memory_space<hbm>>
        %dma_wait3A_302 = arith.constant 20480 : i32
        %dma_wait3A_303 = tpu.memref_slice %arg6[%dma_wait3A_302] : memref<24576xf32, #tpu.memory_space<vmem>> -> memref<4096xf32, #tpu.memory_space<vmem>>
        %dma_wait3A_304 = tpu.memref_slice %arg2[%add3A_298] : memref<786432xf32, #tpu.memory_space<hbm>> -> memref<4096xf32, #tpu.memory_space<hbm>>
        tpu.wait_dma2 semaphore(%arg10 : memref<!tpu.dma_semaphore, #tpu.memory_space<semaphore_mem>>) src(%dma_wait3A_304 : memref<4096xf32, #tpu.memory_space<hbm>>) dst(%dma_wait3A_303 : memref<4096xf32, #tpu.memory_space<vmem>>)
        %scan3A_305 = arith.constant 0 : i32
        %scan3A_306 = arith.constant 256 : i32
        %scan3A_307 = arith.addi %scan3A_305, %scan3A_306 : i32
        %scan3A_308 = arith.constant 1 : i32
        scf.for %scan3A_430 = %scan3A_305 to %scan3A_307 step %scan3A_308  : i32 {
          %mul3A_431 = arith.constant 16 : i32
          %mul3A_432 = arith.muli %scan3A_430, %mul3A_431 : i32
          %add3A_433 = arith.constant 12288 : i32
          %add3A_434 = arith.addi %add3A_433, %mul3A_432 : i32
          %get3A = arith.index_cast %add3A_434 : i32 to index
          %get3A_435 = tpu.vector_load %arg6[%get3A] {strides = array<i32>} : memref<24576xf32, #tpu.memory_space<vmem>>, vector<16xf32>,
          %mul3A_436 = vector.broadcast %convert_element_type3A : f32 to vector<16xf32>
          %mul3A_437 = arith.mulf %get3A_435, %mul3A_436 : vector<16xf32>
          %mul3A_438 = arith.constant 16 : i32
          %mul3A_439 = arith.muli %scan3A_430, %mul3A_438 : i32
          %add3A_440 = arith.constant 16384 : i32
          %add3A_441 = arith.addi %add3A_440, %mul3A_439 : i32
          %get3A_442 = arith.index_cast %add3A_441 : i32 to index
          %get3A_443 = tpu.vector_load %arg6[%get3A_442] {strides = array<i32>} : memref<24576xf32, #tpu.memory_space<vmem>>, vector<16xf32>,
          %mul3A_444 = vector.broadcast %convert_element_type3A : f32 to vector<16xf32>
          %mul3A_445 = arith.mulf %get3A_443, %mul3A_444 : vector<16xf32>
          %mul3A_446 = arith.constant 16 : i32
          %mul3A_447 = arith.muli %scan3A_430, %mul3A_446 : i32
          %add3A_448 = arith.constant 20480 : i32
          %add3A_449 = arith.addi %add3A_448, %mul3A_447 : i32
          %get3A_450 = arith.index_cast %add3A_449 : i32 to index
          %get3A_451 = tpu.vector_load %arg6[%get3A_450] {strides = array<i32>} : memref<24576xf32, #tpu.memory_space<vmem>>, vector<16xf32>,
          %mul3A_452 = vector.broadcast %convert_element_type3A : f32 to vector<16xf32>
          %mul3A_453 = arith.mulf %get3A_451, %mul3A_452 : vector<16xf32>
          %convert_element_type3A_454 = arith.fptosi %mul3A_437 : vector<16xf32> to vector<16xi32>
          %convert_element_type3A_455 = arith.fptosi %mul3A_445 : vector<16xf32> to vector<16xi32>
          %convert_element_type3A_456 = arith.fptosi %mul3A_453 : vector<16xf32> to vector<16xi32>
          %convert_element_type3A_457 = arith.sitofp %convert_element_type3A_454 : vector<16xi32> to vector<16xf32>
          %sub3A_458 = arith.subf %mul3A_437, %convert_element_type3A_457 : vector<16xf32>
          %convert_element_type3A_459 = arith.sitofp %convert_element_type3A_455 : vector<16xi32> to vector<16xf32>
          %sub3A_460 = arith.subf %mul3A_445, %convert_element_type3A_459 : vector<16xf32>
          %convert_element_type3A_461 = arith.sitofp %convert_element_type3A_456 : vector<16xi32> to vector<16xf32>
          %sub3A_462 = arith.subf %mul3A_453, %convert_element_type3A_461 : vector<16xf32>
          %add3A_463 = arith.constant 1 : i32
          %add3A_464 = vector.broadcast %add3A_463 : i32 to vector<16xi32>
          %add3A_465 = arith.addi %convert_element_type3A_454, %add3A_464 : vector<16xi32>
          %min3A_466 = vector.broadcast %shift_left3A_31 : i32 to vector<16xi32>
          %min3A_467 = arith.minsi %add3A_465, %min3A_466 : vector<16xi32>
          %add3A_468 = arith.constant 1 : i32
          %add3A_469 = vector.broadcast %add3A_468 : i32 to vector<16xi32>
          %add3A_470 = arith.addi %convert_element_type3A_455, %add3A_469 : vector<16xi32>
          %min3A_471 = vector.broadcast %shift_left3A_31 : i32 to vector<16xi32>
          %min3A_472 = arith.minsi %add3A_470, %min3A_471 : vector<16xi32>
          %add3A_473 = arith.constant 1 : i32
          %add3A_474 = vector.broadcast %add3A_473 : i32 to vector<16xi32>
          %add3A_475 = arith.addi %convert_element_type3A_456, %add3A_474 : vector<16xi32>
          %min3A_476 = vector.broadcast %shift_left3A_31 : i32 to vector<16xi32>
          %min3A_477 = arith.minsi %add3A_475, %min3A_476 : vector<16xi32>
          %mul3A_478 = arith.constant -1640531535 : i32
          %mul3A_479 = vector.broadcast %mul3A_478 : i32 to vector<16xi32>
          %mul3A_480 = arith.muli %convert_element_type3A_455, %mul3A_479 : vector<16xi32>
          %mul3A_481 = arith.constant -1640531535 : i32
          %mul3A_482 = vector.broadcast %mul3A_481 : i32 to vector<16xi32>
          %mul3A_483 = arith.muli %min3A_472, %mul3A_482 : vector<16xi32>
          %mul3A_484 = arith.constant 805459861 : i32
          %mul3A_485 = vector.broadcast %mul3A_484 : i32 to vector<16xi32>
          %mul3A_486 = arith.muli %convert_element_type3A_456, %mul3A_485 : vector<16xi32>
          %mul3A_487 = arith.constant 805459861 : i32
          %mul3A_488 = vector.broadcast %mul3A_487 : i32 to vector<16xi32>
          %mul3A_489 = arith.muli %min3A_477, %mul3A_488 : vector<16xi32>
          %xor3A = arith.xori %mul3A_486, %mul3A_480 : vector<16xi32>
          %xor3A_490 = arith.xori %mul3A_486, %mul3A_483 : vector<16xi32>
          %xor3A_491 = arith.xori %mul3A_489, %mul3A_480 : vector<16xi32>
          %xor3A_492 = arith.xori %mul3A_489, %mul3A_483 : vector<16xi32>
          %sub3A_493 = arith.constant 1.000000e+00 : f32
          %sub3A_494 = vector.broadcast %sub3A_493 : f32 to vector<16xf32>
          %sub3A_495 = arith.subf %sub3A_494, %sub3A_458 : vector<16xf32>
          %sub3A_496 = arith.constant 1.000000e+00 : f32
          %sub3A_497 = vector.broadcast %sub3A_496 : f32 to vector<16xf32>
          %sub3A_498 = arith.subf %sub3A_497, %sub3A_460 : vector<16xf32>
          %mul3A_499 = arith.mulf %sub3A_495, %sub3A_498 : vector<16xf32>
          %mul3A_500 = arith.mulf %sub3A_458, %sub3A_498 : vector<16xf32>
          %mul3A_501 = arith.mulf %sub3A_495, %sub3A_460 : vector<16xf32>
          %mul3A_502 = arith.mulf %sub3A_458, %sub3A_460 : vector<16xf32>
          %sub3A_503 = arith.constant 1.000000e+00 : f32
          %sub3A_504 = vector.broadcast %sub3A_503 : f32 to vector<16xf32>
          %sub3A_505 = arith.subf %sub3A_504, %sub3A_462 : vector<16xf32>
          %broadcast_in_dim3A = arith.constant 0.000000e+00 : f32
          %broadcast_in_dim3A_506 = vector.broadcast %broadcast_in_dim3A : f32 to vector<16xf32>
          %broadcast_in_dim3A_507 = arith.constant 0.000000e+00 : f32
          %broadcast_in_dim3A_508 = vector.broadcast %broadcast_in_dim3A_507 : f32 to vector<16xf32>
          %xor3A_509 = arith.xori %convert_element_type3A_454, %xor3A : vector<16xi32>
          %and3A_510 = arith.constant 65535 : i32
          %and3A_511 = vector.broadcast %and3A_510 : i32 to vector<16xi32>
          %and3A_512 = arith.andi %xor3A_509, %and3A_511 : vector<16xi32>
          %gather3A = tpu.vector_load_idx %arg5[%and3A_512] : memref<65536xi32, #tpu.memory_space<vmem>>[vector<16xi32>], vector<16xi32>,
          %shift_left3A_513 = arith.constant 16 : i32
          %shift_left3A_514 = vector.broadcast %shift_left3A_513 : i32 to vector<16xi32>
          %shift_left3A_515 = arith.shli %gather3A, %shift_left3A_514 : vector<16xi32>
          %bitcast_convert_type3A = tpu.bitcast %shift_left3A_515 : vector<16xi32> -> vector<16xf32>
          %and3A_516 = arith.constant -65536 : i32
          %and3A_517 = vector.broadcast %and3A_516 : i32 to vector<16xi32>
          %and3A_518 = arith.andi %gather3A, %and3A_517 : vector<16xi32>
          %bitcast_convert_type3A_519 = tpu.bitcast %and3A_518 : vector<16xi32> -> vector<16xf32>
          %mul3A_520 = arith.mulf %mul3A_499, %sub3A_505 : vector<16xf32>
          %mul3A_521 = arith.mulf %mul3A_520, %bitcast_convert_type3A : vector<16xf32>
          %add3A_522 = arith.addf %broadcast_in_dim3A_506, %mul3A_521 : vector<16xf32>
          %mul3A_523 = arith.mulf %mul3A_520, %bitcast_convert_type3A_519 : vector<16xf32>
          %add3A_524 = arith.addf %broadcast_in_dim3A_508, %mul3A_523 : vector<16xf32>
          %xor3A_525 = arith.xori %min3A_467, %xor3A : vector<16xi32>
          %and3A_526 = arith.constant 65535 : i32
          %and3A_527 = vector.broadcast %and3A_526 : i32 to vector<16xi32>
          %and3A_528 = arith.andi %xor3A_525, %and3A_527 : vector<16xi32>
          %gather3A_529 = tpu.vector_load_idx %arg5[%and3A_528] : memref<65536xi32, #tpu.memory_space<vmem>>[vector<16xi32>], vector<16xi32>,
          %shift_left3A_530 = arith.constant 16 : i32
          %shift_left3A_531 = vector.broadcast %shift_left3A_530 : i32 to vector<16xi32>
          %shift_left3A_532 = arith.shli %gather3A_529, %shift_left3A_531 : vector<16xi32>
          %bitcast_convert_type3A_533 = tpu.bitcast %shift_left3A_532 : vector<16xi32> -> vector<16xf32>
          %and3A_534 = arith.constant -65536 : i32
          %and3A_535 = vector.broadcast %and3A_534 : i32 to vector<16xi32>
          %and3A_536 = arith.andi %gather3A_529, %and3A_535 : vector<16xi32>
          %bitcast_convert_type3A_537 = tpu.bitcast %and3A_536 : vector<16xi32> -> vector<16xf32>
          %mul3A_538 = arith.mulf %mul3A_500, %sub3A_505 : vector<16xf32>
          %mul3A_539 = arith.mulf %mul3A_538, %bitcast_convert_type3A_533 : vector<16xf32>
          %add3A_540 = arith.addf %add3A_522, %mul3A_539 : vector<16xf32>
          %mul3A_541 = arith.mulf %mul3A_538, %bitcast_convert_type3A_537 : vector<16xf32>
          %add3A_542 = arith.addf %add3A_524, %mul3A_541 : vector<16xf32>
          %xor3A_543 = arith.xori %convert_element_type3A_454, %xor3A_490 : vector<16xi32>
          %and3A_544 = arith.constant 65535 : i32
          %and3A_545 = vector.broadcast %and3A_544 : i32 to vector<16xi32>
          %and3A_546 = arith.andi %xor3A_543, %and3A_545 : vector<16xi32>
          %gather3A_547 = tpu.vector_load_idx %arg5[%and3A_546] : memref<65536xi32, #tpu.memory_space<vmem>>[vector<16xi32>], vector<16xi32>,
          %shift_left3A_548 = arith.constant 16 : i32
          %shift_left3A_549 = vector.broadcast %shift_left3A_548 : i32 to vector<16xi32>
          %shift_left3A_550 = arith.shli %gather3A_547, %shift_left3A_549 : vector<16xi32>
          %bitcast_convert_type3A_551 = tpu.bitcast %shift_left3A_550 : vector<16xi32> -> vector<16xf32>
          %and3A_552 = arith.constant -65536 : i32
          %and3A_553 = vector.broadcast %and3A_552 : i32 to vector<16xi32>
          %and3A_554 = arith.andi %gather3A_547, %and3A_553 : vector<16xi32>
          %bitcast_convert_type3A_555 = tpu.bitcast %and3A_554 : vector<16xi32> -> vector<16xf32>
          %mul3A_556 = arith.mulf %mul3A_501, %sub3A_505 : vector<16xf32>
          %mul3A_557 = arith.mulf %mul3A_556, %bitcast_convert_type3A_551 : vector<16xf32>
          %add3A_558 = arith.addf %add3A_540, %mul3A_557 : vector<16xf32>
          %mul3A_559 = arith.mulf %mul3A_556, %bitcast_convert_type3A_555 : vector<16xf32>
          %add3A_560 = arith.addf %add3A_542, %mul3A_559 : vector<16xf32>
          %xor3A_561 = arith.xori %min3A_467, %xor3A_490 : vector<16xi32>
          %and3A_562 = arith.constant 65535 : i32
          %and3A_563 = vector.broadcast %and3A_562 : i32 to vector<16xi32>
          %and3A_564 = arith.andi %xor3A_561, %and3A_563 : vector<16xi32>
          %gather3A_565 = tpu.vector_load_idx %arg5[%and3A_564] : memref<65536xi32, #tpu.memory_space<vmem>>[vector<16xi32>], vector<16xi32>,
          %shift_left3A_566 = arith.constant 16 : i32
          %shift_left3A_567 = vector.broadcast %shift_left3A_566 : i32 to vector<16xi32>
          %shift_left3A_568 = arith.shli %gather3A_565, %shift_left3A_567 : vector<16xi32>
          %bitcast_convert_type3A_569 = tpu.bitcast %shift_left3A_568 : vector<16xi32> -> vector<16xf32>
          %and3A_570 = arith.constant -65536 : i32
          %and3A_571 = vector.broadcast %and3A_570 : i32 to vector<16xi32>
          %and3A_572 = arith.andi %gather3A_565, %and3A_571 : vector<16xi32>
          %bitcast_convert_type3A_573 = tpu.bitcast %and3A_572 : vector<16xi32> -> vector<16xf32>
          %mul3A_574 = arith.mulf %mul3A_502, %sub3A_505 : vector<16xf32>
          %mul3A_575 = arith.mulf %mul3A_574, %bitcast_convert_type3A_569 : vector<16xf32>
          %add3A_576 = arith.addf %add3A_558, %mul3A_575 : vector<16xf32>
          %mul3A_577 = arith.mulf %mul3A_574, %bitcast_convert_type3A_573 : vector<16xf32>
          %add3A_578 = arith.addf %add3A_560, %mul3A_577 : vector<16xf32>
          %xor3A_579 = arith.xori %convert_element_type3A_454, %xor3A_491 : vector<16xi32>
          %and3A_580 = arith.constant 65535 : i32
          %and3A_581 = vector.broadcast %and3A_580 : i32 to vector<16xi32>
          %and3A_582 = arith.andi %xor3A_579, %and3A_581 : vector<16xi32>
          %gather3A_583 = tpu.vector_load_idx %arg5[%and3A_582] : memref<65536xi32, #tpu.memory_space<vmem>>[vector<16xi32>], vector<16xi32>,
          %shift_left3A_584 = arith.constant 16 : i32
          %shift_left3A_585 = vector.broadcast %shift_left3A_584 : i32 to vector<16xi32>
          %shift_left3A_586 = arith.shli %gather3A_583, %shift_left3A_585 : vector<16xi32>
          %bitcast_convert_type3A_587 = tpu.bitcast %shift_left3A_586 : vector<16xi32> -> vector<16xf32>
          %and3A_588 = arith.constant -65536 : i32
          %and3A_589 = vector.broadcast %and3A_588 : i32 to vector<16xi32>
          %and3A_590 = arith.andi %gather3A_583, %and3A_589 : vector<16xi32>
          %bitcast_convert_type3A_591 = tpu.bitcast %and3A_590 : vector<16xi32> -> vector<16xf32>
          %mul3A_592 = arith.mulf %mul3A_499, %sub3A_462 : vector<16xf32>
          %mul3A_593 = arith.mulf %mul3A_592, %bitcast_convert_type3A_587 : vector<16xf32>
          %add3A_594 = arith.addf %add3A_576, %mul3A_593 : vector<16xf32>
          %mul3A_595 = arith.mulf %mul3A_592, %bitcast_convert_type3A_591 : vector<16xf32>
          %add3A_596 = arith.addf %add3A_578, %mul3A_595 : vector<16xf32>
          %xor3A_597 = arith.xori %min3A_467, %xor3A_491 : vector<16xi32>
          %and3A_598 = arith.constant 65535 : i32
          %and3A_599 = vector.broadcast %and3A_598 : i32 to vector<16xi32>
          %and3A_600 = arith.andi %xor3A_597, %and3A_599 : vector<16xi32>
          %gather3A_601 = tpu.vector_load_idx %arg5[%and3A_600] : memref<65536xi32, #tpu.memory_space<vmem>>[vector<16xi32>], vector<16xi32>,
          %shift_left3A_602 = arith.constant 16 : i32
          %shift_left3A_603 = vector.broadcast %shift_left3A_602 : i32 to vector<16xi32>
          %shift_left3A_604 = arith.shli %gather3A_601, %shift_left3A_603 : vector<16xi32>
          %bitcast_convert_type3A_605 = tpu.bitcast %shift_left3A_604 : vector<16xi32> -> vector<16xf32>
          %and3A_606 = arith.constant -65536 : i32
          %and3A_607 = vector.broadcast %and3A_606 : i32 to vector<16xi32>
          %and3A_608 = arith.andi %gather3A_601, %and3A_607 : vector<16xi32>
          %bitcast_convert_type3A_609 = tpu.bitcast %and3A_608 : vector<16xi32> -> vector<16xf32>
          %mul3A_610 = arith.mulf %mul3A_500, %sub3A_462 : vector<16xf32>
          %mul3A_611 = arith.mulf %mul3A_610, %bitcast_convert_type3A_605 : vector<16xf32>
          %add3A_612 = arith.addf %add3A_594, %mul3A_611 : vector<16xf32>
          %mul3A_613 = arith.mulf %mul3A_610, %bitcast_convert_type3A_609 : vector<16xf32>
          %add3A_614 = arith.addf %add3A_596, %mul3A_613 : vector<16xf32>
          %xor3A_615 = arith.xori %convert_element_type3A_454, %xor3A_492 : vector<16xi32>
          %and3A_616 = arith.constant 65535 : i32
          %and3A_617 = vector.broadcast %and3A_616 : i32 to vector<16xi32>
          %and3A_618 = arith.andi %xor3A_615, %and3A_617 : vector<16xi32>
          %gather3A_619 = tpu.vector_load_idx %arg5[%and3A_618] : memref<65536xi32, #tpu.memory_space<vmem>>[vector<16xi32>], vector<16xi32>,
          %shift_left3A_620 = arith.constant 16 : i32
          %shift_left3A_621 = vector.broadcast %shift_left3A_620 : i32 to vector<16xi32>
          %shift_left3A_622 = arith.shli %gather3A_619, %shift_left3A_621 : vector<16xi32>
          %bitcast_convert_type3A_623 = tpu.bitcast %shift_left3A_622 : vector<16xi32> -> vector<16xf32>
          %and3A_624 = arith.constant -65536 : i32
          %and3A_625 = vector.broadcast %and3A_624 : i32 to vector<16xi32>
          %and3A_626 = arith.andi %gather3A_619, %and3A_625 : vector<16xi32>
          %bitcast_convert_type3A_627 = tpu.bitcast %and3A_626 : vector<16xi32> -> vector<16xf32>
          %mul3A_628 = arith.mulf %mul3A_501, %sub3A_462 : vector<16xf32>
          %mul3A_629 = arith.mulf %mul3A_628, %bitcast_convert_type3A_623 : vector<16xf32>
          %add3A_630 = arith.addf %add3A_612, %mul3A_629 : vector<16xf32>
          %mul3A_631 = arith.mulf %mul3A_628, %bitcast_convert_type3A_627 : vector<16xf32>
          %add3A_632 = arith.addf %add3A_614, %mul3A_631 : vector<16xf32>
          %xor3A_633 = arith.xori %min3A_467, %xor3A_492 : vector<16xi32>
          %and3A_634 = arith.constant 65535 : i32
          %and3A_635 = vector.broadcast %and3A_634 : i32 to vector<16xi32>
          %and3A_636 = arith.andi %xor3A_633, %and3A_635 : vector<16xi32>
          %gather3A_637 = tpu.vector_load_idx %arg5[%and3A_636] : memref<65536xi32, #tpu.memory_space<vmem>>[vector<16xi32>], vector<16xi32>,
          %shift_left3A_638 = arith.constant 16 : i32
          %shift_left3A_639 = vector.broadcast %shift_left3A_638 : i32 to vector<16xi32>
          %shift_left3A_640 = arith.shli %gather3A_637, %shift_left3A_639 : vector<16xi32>
          %bitcast_convert_type3A_641 = tpu.bitcast %shift_left3A_640 : vector<16xi32> -> vector<16xf32>
          %and3A_642 = arith.constant -65536 : i32
          %and3A_643 = vector.broadcast %and3A_642 : i32 to vector<16xi32>
          %and3A_644 = arith.andi %gather3A_637, %and3A_643 : vector<16xi32>
          %bitcast_convert_type3A_645 = tpu.bitcast %and3A_644 : vector<16xi32> -> vector<16xf32>
          %mul3A_646 = arith.mulf %mul3A_502, %sub3A_462 : vector<16xf32>
          %mul3A_647 = arith.mulf %mul3A_646, %bitcast_convert_type3A_641 : vector<16xf32>
          %add3A_648 = arith.addf %add3A_630, %mul3A_647 : vector<16xf32>
          %mul3A_649 = arith.mulf %mul3A_646, %bitcast_convert_type3A_645 : vector<16xf32>
          %add3A_650 = arith.addf %add3A_632, %mul3A_649 : vector<16xf32>
          %mul3A_651 = arith.constant 16 : i32
          %mul3A_652 = arith.muli %scan3A_430, %mul3A_651 : i32
          %add3A_653 = arith.constant 4096 : i32
          %add3A_654 = arith.addi %add3A_653, %mul3A_652 : i32
          %swap3A = arith.index_cast %add3A_654 : i32 to index
          %swap3A_655 = tpu.vector_load %arg7[%swap3A] {strides = array<i32>} : memref<8192xf32, #tpu.memory_space<vmem>>, vector<16xf32>,
          tpu.vector_store %arg7[%swap3A], %add3A_648 {strides = array<i32>} : memref<8192xf32, #tpu.memory_space<vmem>>, vector<16xf32>,
          %swap3A_656 = arith.index_cast %add3A_654 : i32 to index
          %swap3A_657 = tpu.vector_load %arg8[%swap3A_656] {strides = array<i32>} : memref<8192xf32, #tpu.memory_space<vmem>>, vector<16xf32>,
          tpu.vector_store %arg8[%swap3A_656], %add3A_650 {strides = array<i32>} : memref<8192xf32, #tpu.memory_space<vmem>>, vector<16xf32>,
        }
        %scan3A_309 = arith.constant 256 : i32
        %add3A_310 = arith.constant 2 : i32
        %add3A_311 = arith.addi %add3A_175, %add3A_310 : i32
        %mul3A_312 = arith.constant 65536 : i32
        %mul3A_313 = arith.muli %select_n3A_30, %mul3A_312 : i32
        %min3A_314 = arith.constant 15 : i32
        %min3A_315 = arith.minsi %add3A_311, %min3A_314 : i32
        %mul3A_316 = arith.constant 4096 : i32
        %mul3A_317 = arith.muli %min3A_315, %mul3A_316 : i32
        %add3A_318 = arith.addi %mul3A_313, %mul3A_317 : i32
        %add3A_319 = arith.constant 0 : i32
        %add3A_320 = arith.addi %add3A_319, %add3A_318 : i32
        %dma_start3A_321 = arith.constant 12288 : i32
        %dma_start3A_322 = tpu.memref_slice %arg6[%dma_start3A_321] : memref<24576xf32, #tpu.memory_space<vmem>> -> memref<4096xf32, #tpu.memory_space<vmem>>
        %dma_start3A_323 = tpu.memref_slice %arg2[%add3A_320] : memref<786432xf32, #tpu.memory_space<hbm>> -> memref<4096xf32, #tpu.memory_space<hbm>>
        %dma_start3A_324 = arith.constant 12288 : i32
        %dma_start3A_325 = tpu.memref_slice %arg6[%dma_start3A_324] : memref<24576xf32, #tpu.memory_space<vmem>> -> memref<4096xf32, #tpu.memory_space<vmem>>
        %dma_start3A_326 = tpu.memref_slice %arg2[%add3A_320] : memref<786432xf32, #tpu.memory_space<hbm>> -> memref<4096xf32, #tpu.memory_space<hbm>>
        tpu.enqueue_dma source(%dma_start3A_326 : memref<4096xf32, #tpu.memory_space<hbm>>) target(%dma_start3A_325 : memref<4096xf32, #tpu.memory_space<vmem>>) target_semaphore(%arg10 : memref<!tpu.dma_semaphore, #tpu.memory_space<semaphore_mem>>)
        %add3A_327 = arith.constant 262144 : i32
        %add3A_328 = arith.addi %add3A_327, %add3A_318 : i32
        %dma_start3A_329 = arith.constant 16384 : i32
        %dma_start3A_330 = tpu.memref_slice %arg6[%dma_start3A_329] : memref<24576xf32, #tpu.memory_space<vmem>> -> memref<4096xf32, #tpu.memory_space<vmem>>
        %dma_start3A_331 = tpu.memref_slice %arg2[%add3A_328] : memref<786432xf32, #tpu.memory_space<hbm>> -> memref<4096xf32, #tpu.memory_space<hbm>>
        %dma_start3A_332 = arith.constant 16384 : i32
        %dma_start3A_333 = tpu.memref_slice %arg6[%dma_start3A_332] : memref<24576xf32, #tpu.memory_space<vmem>> -> memref<4096xf32, #tpu.memory_space<vmem>>
        %dma_start3A_334 = tpu.memref_slice %arg2[%add3A_328] : memref<786432xf32, #tpu.memory_space<hbm>> -> memref<4096xf32, #tpu.memory_space<hbm>>
        tpu.enqueue_dma source(%dma_start3A_334 : memref<4096xf32, #tpu.memory_space<hbm>>) target(%dma_start3A_333 : memref<4096xf32, #tpu.memory_space<vmem>>) target_semaphore(%arg10 : memref<!tpu.dma_semaphore, #tpu.memory_space<semaphore_mem>>)
        %add3A_335 = arith.constant 524288 : i32
        %add3A_336 = arith.addi %add3A_335, %add3A_318 : i32
        %dma_start3A_337 = arith.constant 20480 : i32
        %dma_start3A_338 = tpu.memref_slice %arg6[%dma_start3A_337] : memref<24576xf32, #tpu.memory_space<vmem>> -> memref<4096xf32, #tpu.memory_space<vmem>>
        %dma_start3A_339 = tpu.memref_slice %arg2[%add3A_336] : memref<786432xf32, #tpu.memory_space<hbm>> -> memref<4096xf32, #tpu.memory_space<hbm>>
        %dma_start3A_340 = arith.constant 20480 : i32
        %dma_start3A_341 = tpu.memref_slice %arg6[%dma_start3A_340] : memref<24576xf32, #tpu.memory_space<vmem>> -> memref<4096xf32, #tpu.memory_space<vmem>>
        %dma_start3A_342 = tpu.memref_slice %arg2[%add3A_336] : memref<786432xf32, #tpu.memory_space<hbm>> -> memref<4096xf32, #tpu.memory_space<hbm>>
        tpu.enqueue_dma source(%dma_start3A_342 : memref<4096xf32, #tpu.memory_space<hbm>>) target(%dma_start3A_341 : memref<4096xf32, #tpu.memory_space<vmem>>) target_semaphore(%arg10 : memref<!tpu.dma_semaphore, #tpu.memory_space<semaphore_mem>>)
        %mul3A_343 = arith.constant 65536 : i32
        %mul3A_344 = arith.muli %select_n3A_30, %mul3A_343 : i32
        %mul3A_345 = arith.constant 4096 : i32
        %mul3A_346 = arith.muli %add3A_175, %mul3A_345 : i32
        %add3A_347 = arith.addi %mul3A_344, %mul3A_346 : i32
        %mul3A_348 = arith.constant 2 : i32
        %mul3A_349 = arith.muli %mul3A_348, %select_n3A_9 : i32
        %mul3A_350 = arith.constant 262144 : i32
        %mul3A_351 = arith.muli %mul3A_349, %mul3A_350 : i32
        %add3A_352 = arith.addi %mul3A_351, %add3A_347 : i32
        %dma_start3A_353 = arith.constant 4096 : i32
        %dma_start3A_354 = tpu.memref_slice %arg7[%dma_start3A_353] : memref<8192xf32, #tpu.memory_space<vmem>> -> memref<4096xf32, #tpu.memory_space<vmem>>
        %dma_start3A_355 = tpu.memref_slice %arg4[%add3A_352] : memref<4194304xf32, #tpu.memory_space<hbm>> -> memref<4096xf32, #tpu.memory_space<hbm>>
        %dma_start3A_356 = tpu.memref_slice %arg4[%add3A_352] : memref<4194304xf32, #tpu.memory_space<hbm>> -> memref<4096xf32, #tpu.memory_space<hbm>>
        %dma_start3A_357 = arith.constant 4096 : i32
        %dma_start3A_358 = tpu.memref_slice %arg7[%dma_start3A_357] : memref<8192xf32, #tpu.memory_space<vmem>> -> memref<4096xf32, #tpu.memory_space<vmem>>
        tpu.enqueue_dma source(%dma_start3A_358 : memref<4096xf32, #tpu.memory_space<vmem>>) target(%dma_start3A_356 : memref<4096xf32, #tpu.memory_space<hbm>>) target_semaphore(%arg12 : memref<!tpu.dma_semaphore, #tpu.memory_space<semaphore_mem>>)
        %mul3A_359 = arith.constant 2 : i32
        %mul3A_360 = arith.muli %mul3A_359, %select_n3A_9 : i32
        %add3A_361 = arith.constant 1 : i32
        %add3A_362 = arith.addi %mul3A_360, %add3A_361 : i32
        %mul3A_363 = arith.constant 262144 : i32
        %mul3A_364 = arith.muli %add3A_362, %mul3A_363 : i32
        %add3A_365 = arith.addi %mul3A_364, %add3A_347 : i32
        %dma_start3A_366 = arith.constant 4096 : i32
        %dma_start3A_367 = tpu.memref_slice %arg8[%dma_start3A_366] : memref<8192xf32, #tpu.memory_space<vmem>> -> memref<4096xf32, #tpu.memory_space<vmem>>
        %dma_start3A_368 = tpu.memref_slice %arg4[%add3A_365] : memref<4194304xf32, #tpu.memory_space<hbm>> -> memref<4096xf32, #tpu.memory_space<hbm>>
        %dma_start3A_369 = tpu.memref_slice %arg4[%add3A_365] : memref<4194304xf32, #tpu.memory_space<hbm>> -> memref<4096xf32, #tpu.memory_space<hbm>>
        %dma_start3A_370 = arith.constant 4096 : i32
        %dma_start3A_371 = tpu.memref_slice %arg8[%dma_start3A_370] : memref<8192xf32, #tpu.memory_space<vmem>> -> memref<4096xf32, #tpu.memory_space<vmem>>
        tpu.enqueue_dma source(%dma_start3A_371 : memref<4096xf32, #tpu.memory_space<vmem>>) target(%dma_start3A_369 : memref<4096xf32, #tpu.memory_space<hbm>>) target_semaphore(%arg12 : memref<!tpu.dma_semaphore, #tpu.memory_space<semaphore_mem>>)
        %mul3A_372 = arith.constant 65536 : i32
        %mul3A_373 = arith.muli %select_n3A_30, %mul3A_372 : i32
        %mul3A_374 = arith.constant 4096 : i32
        %mul3A_375 = arith.muli %mul3A_171, %mul3A_374 : i32
        %add3A_376 = arith.addi %mul3A_373, %mul3A_375 : i32
        %mul3A_377 = arith.constant 2 : i32
        %mul3A_378 = arith.muli %mul3A_377, %select_n3A_9 : i32
        %mul3A_379 = arith.constant 262144 : i32
        %mul3A_380 = arith.muli %mul3A_378, %mul3A_379 : i32
        %add3A_381 = arith.addi %mul3A_380, %add3A_376 : i32
        %dma_wait3A_382 = arith.constant 0 : i32
        %dma_wait3A_383 = tpu.memref_slice %arg7[%dma_wait3A_382] : memref<8192xf32, #tpu.memory_space<vmem>> -> memref<4096xf32, #tpu.memory_space<vmem>>
        %dma_wait3A_384 = tpu.memref_slice %arg4[%add3A_381] : memref<4194304xf32, #tpu.memory_space<hbm>> -> memref<4096xf32, #tpu.memory_space<hbm>>
        %dma_wait3A_385 = tpu.memref_slice %arg4[%add3A_381] : memref<4194304xf32, #tpu.memory_space<hbm>> -> memref<4096xf32, #tpu.memory_space<hbm>>
        %dma_wait3A_386 = arith.constant 0 : i32
        %dma_wait3A_387 = tpu.memref_slice %arg7[%dma_wait3A_386] : memref<8192xf32, #tpu.memory_space<vmem>> -> memref<4096xf32, #tpu.memory_space<vmem>>
        tpu.wait_dma2 semaphore(%arg11 : memref<!tpu.dma_semaphore, #tpu.memory_space<semaphore_mem>>) src(%dma_wait3A_387 : memref<4096xf32, #tpu.memory_space<vmem>>) dst(%dma_wait3A_385 : memref<4096xf32, #tpu.memory_space<hbm>>)
        %mul3A_388 = arith.constant 2 : i32
        %mul3A_389 = arith.muli %mul3A_388, %select_n3A_9 : i32
        %add3A_390 = arith.constant 1 : i32
        %add3A_391 = arith.addi %mul3A_389, %add3A_390 : i32
        %mul3A_392 = arith.constant 262144 : i32
        %mul3A_393 = arith.muli %add3A_391, %mul3A_392 : i32
        %add3A_394 = arith.addi %mul3A_393, %add3A_376 : i32
        %dma_wait3A_395 = arith.constant 0 : i32
        %dma_wait3A_396 = tpu.memref_slice %arg8[%dma_wait3A_395] : memref<8192xf32, #tpu.memory_space<vmem>> -> memref<4096xf32, #tpu.memory_space<vmem>>
        %dma_wait3A_397 = tpu.memref_slice %arg4[%add3A_394] : memref<4194304xf32, #tpu.memory_space<hbm>> -> memref<4096xf32, #tpu.memory_space<hbm>>
        %dma_wait3A_398 = tpu.memref_slice %arg4[%add3A_394] : memref<4194304xf32, #tpu.memory_space<hbm>> -> memref<4096xf32, #tpu.memory_space<hbm>>
        %dma_wait3A_399 = arith.constant 0 : i32
        %dma_wait3A_400 = tpu.memref_slice %arg8[%dma_wait3A_399] : memref<8192xf32, #tpu.memory_space<vmem>> -> memref<4096xf32, #tpu.memory_space<vmem>>
        tpu.wait_dma2 semaphore(%arg11 : memref<!tpu.dma_semaphore, #tpu.memory_space<semaphore_mem>>) src(%dma_wait3A_400 : memref<4096xf32, #tpu.memory_space<vmem>>) dst(%dma_wait3A_398 : memref<4096xf32, #tpu.memory_space<hbm>>)
        %mul3A_401 = arith.constant 65536 : i32
        %mul3A_402 = arith.muli %select_n3A_30, %mul3A_401 : i32
        %mul3A_403 = arith.constant 4096 : i32
        %mul3A_404 = arith.muli %add3A_175, %mul3A_403 : i32
        %add3A_405 = arith.addi %mul3A_402, %mul3A_404 : i32
        %mul3A_406 = arith.constant 2 : i32
        %mul3A_407 = arith.muli %mul3A_406, %select_n3A_9 : i32
        %mul3A_408 = arith.constant 262144 : i32
        %mul3A_409 = arith.muli %mul3A_407, %mul3A_408 : i32
        %add3A_410 = arith.addi %mul3A_409, %add3A_405 : i32
        %dma_wait3A_411 = arith.constant 4096 : i32
        %dma_wait3A_412 = tpu.memref_slice %arg7[%dma_wait3A_411] : memref<8192xf32, #tpu.memory_space<vmem>> -> memref<4096xf32, #tpu.memory_space<vmem>>
        %dma_wait3A_413 = tpu.memref_slice %arg4[%add3A_410] : memref<4194304xf32, #tpu.memory_space<hbm>> -> memref<4096xf32, #tpu.memory_space<hbm>>
        %dma_wait3A_414 = tpu.memref_slice %arg4[%add3A_410] : memref<4194304xf32, #tpu.memory_space<hbm>> -> memref<4096xf32, #tpu.memory_space<hbm>>
        %dma_wait3A_415 = arith.constant 4096 : i32
        %dma_wait3A_416 = tpu.memref_slice %arg7[%dma_wait3A_415] : memref<8192xf32, #tpu.memory_space<vmem>> -> memref<4096xf32, #tpu.memory_space<vmem>>
        tpu.wait_dma2 semaphore(%arg12 : memref<!tpu.dma_semaphore, #tpu.memory_space<semaphore_mem>>) src(%dma_wait3A_416 : memref<4096xf32, #tpu.memory_space<vmem>>) dst(%dma_wait3A_414 : memref<4096xf32, #tpu.memory_space<hbm>>)
        %mul3A_417 = arith.constant 2 : i32
        %mul3A_418 = arith.muli %mul3A_417, %select_n3A_9 : i32
        %add3A_419 = arith.constant 1 : i32
        %add3A_420 = arith.addi %mul3A_418, %add3A_419 : i32
        %mul3A_421 = arith.constant 262144 : i32
        %mul3A_422 = arith.muli %add3A_420, %mul3A_421 : i32
        %add3A_423 = arith.addi %mul3A_422, %add3A_405 : i32
        %dma_wait3A_424 = arith.constant 4096 : i32
        %dma_wait3A_425 = tpu.memref_slice %arg8[%dma_wait3A_424] : memref<8192xf32, #tpu.memory_space<vmem>> -> memref<4096xf32, #tpu.memory_space<vmem>>
        %dma_wait3A_426 = tpu.memref_slice %arg4[%add3A_423] : memref<4194304xf32, #tpu.memory_space<hbm>> -> memref<4096xf32, #tpu.memory_space<hbm>>
        %dma_wait3A_427 = tpu.memref_slice %arg4[%add3A_423] : memref<4194304xf32, #tpu.memory_space<hbm>> -> memref<4096xf32, #tpu.memory_space<hbm>>
        %dma_wait3A_428 = arith.constant 4096 : i32
        %dma_wait3A_429 = tpu.memref_slice %arg8[%dma_wait3A_428] : memref<8192xf32, #tpu.memory_space<vmem>> -> memref<4096xf32, #tpu.memory_space<vmem>>
        tpu.wait_dma2 semaphore(%arg12 : memref<!tpu.dma_semaphore, #tpu.memory_space<semaphore_mem>>) src(%dma_wait3A_429 : memref<4096xf32, #tpu.memory_space<vmem>>) dst(%dma_wait3A_427 : memref<4096xf32, #tpu.memory_space<hbm>>)
      }
      %scan3A_105 = arith.constant 8 : i32
      %mul3A_106 = arith.constant 65536 : i32
      %mul3A_107 = arith.muli %select_n3A_30, %mul3A_106 : i32
      %min3A_108 = arith.constant 0 : i32
      %min3A_109 = arith.constant 15 : i32
      %min3A_110 = arith.minsi %min3A_108, %min3A_109 : i32
      %mul3A_111 = arith.constant 4096 : i32
      %mul3A_112 = arith.muli %min3A_110, %mul3A_111 : i32
      %add3A_113 = arith.addi %mul3A_107, %mul3A_112 : i32
      %add3A_114 = arith.constant 0 : i32
      %add3A_115 = arith.addi %add3A_114, %add3A_113 : i32
      %dma_wait3A = arith.constant 0 : i32
      %dma_wait3A_116 = tpu.memref_slice %arg6[%dma_wait3A] : memref<24576xf32, #tpu.memory_space<vmem>> -> memref<4096xf32, #tpu.memory_space<vmem>>
      %dma_wait3A_117 = tpu.memref_slice %arg2[%add3A_115] : memref<786432xf32, #tpu.memory_space<hbm>> -> memref<4096xf32, #tpu.memory_space<hbm>>
      %dma_wait3A_118 = arith.constant 0 : i32
      %dma_wait3A_119 = tpu.memref_slice %arg6[%dma_wait3A_118] : memref<24576xf32, #tpu.memory_space<vmem>> -> memref<4096xf32, #tpu.memory_space<vmem>>
      %dma_wait3A_120 = tpu.memref_slice %arg2[%add3A_115] : memref<786432xf32, #tpu.memory_space<hbm>> -> memref<4096xf32, #tpu.memory_space<hbm>>
      tpu.wait_dma2 semaphore(%arg9 : memref<!tpu.dma_semaphore, #tpu.memory_space<semaphore_mem>>) src(%dma_wait3A_120 : memref<4096xf32, #tpu.memory_space<hbm>>) dst(%dma_wait3A_119 : memref<4096xf32, #tpu.memory_space<vmem>>)
      %add3A_121 = arith.constant 262144 : i32
      %add3A_122 = arith.addi %add3A_121, %add3A_113 : i32
      %dma_wait3A_123 = arith.constant 4096 : i32
      %dma_wait3A_124 = tpu.memref_slice %arg6[%dma_wait3A_123] : memref<24576xf32, #tpu.memory_space<vmem>> -> memref<4096xf32, #tpu.memory_space<vmem>>
      %dma_wait3A_125 = tpu.memref_slice %arg2[%add3A_122] : memref<786432xf32, #tpu.memory_space<hbm>> -> memref<4096xf32, #tpu.memory_space<hbm>>
      %dma_wait3A_126 = arith.constant 4096 : i32
      %dma_wait3A_127 = tpu.memref_slice %arg6[%dma_wait3A_126] : memref<24576xf32, #tpu.memory_space<vmem>> -> memref<4096xf32, #tpu.memory_space<vmem>>
      %dma_wait3A_128 = tpu.memref_slice %arg2[%add3A_122] : memref<786432xf32, #tpu.memory_space<hbm>> -> memref<4096xf32, #tpu.memory_space<hbm>>
      tpu.wait_dma2 semaphore(%arg9 : memref<!tpu.dma_semaphore, #tpu.memory_space<semaphore_mem>>) src(%dma_wait3A_128 : memref<4096xf32, #tpu.memory_space<hbm>>) dst(%dma_wait3A_127 : memref<4096xf32, #tpu.memory_space<vmem>>)
      %add3A_129 = arith.constant 524288 : i32
      %add3A_130 = arith.addi %add3A_129, %add3A_113 : i32
      %dma_wait3A_131 = arith.constant 8192 : i32
      %dma_wait3A_132 = tpu.memref_slice %arg6[%dma_wait3A_131] : memref<24576xf32, #tpu.memory_space<vmem>> -> memref<4096xf32, #tpu.memory_space<vmem>>
      %dma_wait3A_133 = tpu.memref_slice %arg2[%add3A_130] : memref<786432xf32, #tpu.memory_space<hbm>> -> memref<4096xf32, #tpu.memory_space<hbm>>
      %dma_wait3A_134 = arith.constant 8192 : i32
      %dma_wait3A_135 = tpu.memref_slice %arg6[%dma_wait3A_134] : memref<24576xf32, #tpu.memory_space<vmem>> -> memref<4096xf32, #tpu.memory_space<vmem>>
      %dma_wait3A_136 = tpu.memref_slice %arg2[%add3A_130] : memref<786432xf32, #tpu.memory_space<hbm>> -> memref<4096xf32, #tpu.memory_space<hbm>>
      tpu.wait_dma2 semaphore(%arg9 : memref<!tpu.dma_semaphore, #tpu.memory_space<semaphore_mem>>) src(%dma_wait3A_136 : memref<4096xf32, #tpu.memory_space<hbm>>) dst(%dma_wait3A_135 : memref<4096xf32, #tpu.memory_space<vmem>>)
      %mul3A_137 = arith.constant 65536 : i32
      %mul3A_138 = arith.muli %select_n3A_30, %mul3A_137 : i32
      %min3A_139 = arith.constant 0 : i32
      %min3A_140 = arith.constant 15 : i32
      %min3A_141 = arith.minsi %min3A_139, %min3A_140 : i32
      %mul3A_142 = arith.constant 4096 : i32
      %mul3A_143 = arith.muli %min3A_141, %mul3A_142 : i32
      %add3A_144 = arith.addi %mul3A_138, %mul3A_143 : i32
      %add3A_145 = arith.constant 0 : i32
      %add3A_146 = arith.addi %add3A_145, %add3A_144 : i32
      %dma_wait3A_147 = arith.constant 12288 : i32
      %dma_wait3A_148 = tpu.memref_slice %arg6[%dma_wait3A_147] : memref<24576xf32, #tpu.memory_space<vmem>> -> memref<4096xf32, #tpu.memory_space<vmem>>
      %dma_wait3A_149 = tpu.memref_slice %arg2[%add3A_146] : memref<786432xf32, #tpu.memory_space<hbm>> -> memref<4096xf32, #tpu.memory_space<hbm>>
      %dma_wait3A_150 = arith.constant 12288 : i32
      %dma_wait3A_151 = tpu.memref_slice %arg6[%dma_wait3A_150] : memref<24576xf32, #tpu.memory_space<vmem>> -> memref<4096xf32, #tpu.memory_space<vmem>>
      %dma_wait3A_152 = tpu.memref_slice %arg2[%add3A_146] : memref<786432xf32, #tpu.memory_space<hbm>> -> memref<4096xf32, #tpu.memory_space<hbm>>
      tpu.wait_dma2 semaphore(%arg10 : memref<!tpu.dma_semaphore, #tpu.memory_space<semaphore_mem>>) src(%dma_wait3A_152 : memref<4096xf32, #tpu.memory_space<hbm>>) dst(%dma_wait3A_151 : memref<4096xf32, #tpu.memory_space<vmem>>)
      %add3A_153 = arith.constant 262144 : i32
      %add3A_154 = arith.addi %add3A_153, %add3A_144 : i32
      %dma_wait3A_155 = arith.constant 16384 : i32
      %dma_wait3A_156 = tpu.memref_slice %arg6[%dma_wait3A_155] : memref<24576xf32, #tpu.memory_space<vmem>> -> memref<4096xf32, #tpu.memory_space<vmem>>
      %dma_wait3A_157 = tpu.memref_slice %arg2[%add3A_154] : memref<786432xf32, #tpu.memory_space<hbm>> -> memref<4096xf32, #tpu.memory_space<hbm>>
      %dma_wait3A_158 = arith.constant 16384 : i32
      %dma_wait3A_159 = tpu.memref_slice %arg6[%dma_wait3A_158] : memref<24576xf32, #tpu.memory_space<vmem>> -> memref<4096xf32, #tpu.memory_space<vmem>>
      %dma_wait3A_160 = tpu.memref_slice %arg2[%add3A_154] : memref<786432xf32, #tpu.memory_space<hbm>> -> memref<4096xf32, #tpu.memory_space<hbm>>
      tpu.wait_dma2 semaphore(%arg10 : memref<!tpu.dma_semaphore, #tpu.memory_space<semaphore_mem>>) src(%dma_wait3A_160 : memref<4096xf32, #tpu.memory_space<hbm>>) dst(%dma_wait3A_159 : memref<4096xf32, #tpu.memory_space<vmem>>)
      %add3A_161 = arith.constant 524288 : i32
      %add3A_162 = arith.addi %add3A_161, %add3A_144 : i32
      %dma_wait3A_163 = arith.constant 20480 : i32
      %dma_wait3A_164 = tpu.memref_slice %arg6[%dma_wait3A_163] : memref<24576xf32, #tpu.memory_space<vmem>> -> memref<4096xf32, #tpu.memory_space<vmem>>
      %dma_wait3A_165 = tpu.memref_slice %arg2[%add3A_162] : memref<786432xf32, #tpu.memory_space<hbm>> -> memref<4096xf32, #tpu.memory_space<hbm>>
      %dma_wait3A_166 = arith.constant 20480 : i32
      %dma_wait3A_167 = tpu.memref_slice %arg6[%dma_wait3A_166] : memref<24576xf32, #tpu.memory_space<vmem>> -> memref<4096xf32, #tpu.memory_space<vmem>>
      %dma_wait3A_168 = tpu.memref_slice %arg2[%add3A_162] : memref<786432xf32, #tpu.memory_space<hbm>> -> memref<4096xf32, #tpu.memory_space<hbm>>
      tpu.wait_dma2 semaphore(%arg10 : memref<!tpu.dma_semaphore, #tpu.memory_space<semaphore_mem>>) src(%dma_wait3A_168 : memref<4096xf32, #tpu.memory_space<hbm>>) dst(%dma_wait3A_167 : memref<4096xf32, #tpu.memory_space<vmem>>)
    }
    return
  }
}

module attributes {stable_mosaic.version = 14 : i64} {
  func.func @body(%arg0: i32, %arg1: memref<16x32768xf32, #tpu.memory_space<vmem>>, %arg2: memref<64x16xf32, #tpu.memory_space<vmem>>, %arg3: memref<64x1xf32, #tpu.memory_space<vmem>>, %arg4: memref<1x64xf32, #tpu.memory_space<vmem>>, %arg5: memref<1x1xf32, #tpu.memory_space<vmem>>, %arg6: memref<1x32768xf32, #tpu.memory_space<vmem>>) attributes {dimension_semantics = [#tpu.dimension_semantics<arbitrary>], iteration_bounds = array<i64: 8>, scalar_prefetch = 0 : i64, scratch_operands = 0 : i64, tpu.core_type = #tpu.core_type<tc>, window_params = [{transform_indices = @transform_0, window_bounds = array<i64: 16, 32768>}, {pipeline_mode = #tpu.pipeline_mode<synchronous>, transform_indices = @transform_1, window_bounds = array<i64: 64, 16>}, {pipeline_mode = #tpu.pipeline_mode<synchronous>, transform_indices = @transform_2, window_bounds = array<i64: 64, 1>}, {pipeline_mode = #tpu.pipeline_mode<synchronous>, transform_indices = @transform_3, window_bounds = array<i64: 1, 64>}, {pipeline_mode = #tpu.pipeline_mode<synchronous>, transform_indices = @transform_4, window_bounds = array<i64: 1, 1>}, {transform_indices = @transform_5, window_bounds = array<i64: 1, 32768>}]} {
    %get3A = arith.constant 0 : index
    %get3A_0 = arith.constant 0 : index
    %get3A_1 = vector.load %arg1[%get3A, %get3A_0] : memref<16x32768xf32, #tpu.memory_space<vmem>>, vector<16x32768xf32>
    %get3A_2 = arith.constant 0 : index
    %get3A_3 = arith.constant 0 : index
    %get3A_4 = vector.load %arg2[%get3A_2, %get3A_3] : memref<64x16xf32, #tpu.memory_space<vmem>>, vector<64x16xf32>
    %dot_general3A = arith.constant dense<0.000000e+00> : vector<64x32768xf32>
    %dot_general3A_5 = tpu.matmul %get3A_4, %get3A_1, %dot_general3A {dimension_numbers = #tpu.dot_dimension_numbers<[1], [0], [0], [1], [0, 0, 1, 1], [], []>, transpose_lhs_hint = false} : vector<64x16xf32>, vector<16x32768xf32>, vector<64x32768xf32> -> vector<64x32768xf32>
    %get3A_6 = arith.constant 0 : index
    %get3A_7 = arith.constant 0 : index
    %get3A_8 = vector.load %arg3[%get3A_6, %get3A_7] : memref<64x1xf32, #tpu.memory_space<vmem>>, vector<64x1xf32>
    %add3A = vector.broadcast %get3A_8 : vector<64x1xf32> to vector<64x32768xf32>
    %add3A_9 = arith.addf %dot_general3A_5, %add3A : vector<64x32768xf32>
    %max3A = arith.constant 0.000000e+00 : f32
    %max3A_10 = vector.broadcast %max3A : f32 to vector<64x32768xf32>
    %max3A_11 = arith.maximumf %add3A_9, %max3A_10 : vector<64x32768xf32>
    %get3A_12 = arith.constant 0 : index
    %get3A_13 = arith.constant 0 : index
    %get3A_14 = vector.load %arg4[%get3A_12, %get3A_13] : memref<1x64xf32, #tpu.memory_space<vmem>>, vector<1x64xf32>
    %dot_general3A_15 = arith.constant dense<0.000000e+00> : vector<1x32768xf32>
    %dot_general3A_16 = tpu.matmul %get3A_14, %max3A_11, %dot_general3A_15 {dimension_numbers = #tpu.dot_dimension_numbers<[1], [0], [0], [1], [0, 0, 1, 1], [], []>, transpose_lhs_hint = false} : vector<1x64xf32>, vector<64x32768xf32>, vector<1x32768xf32> -> vector<1x32768xf32>
    %get3A_17 = arith.constant 0 : index
    %get3A_18 = arith.constant 0 : index
    %get3A_19 = vector.load %arg5[%get3A_17, %get3A_18] : memref<1x1xf32, #tpu.memory_space<vmem>>, vector<1x1xf32>
    %add3A_20 = vector.broadcast %get3A_19 : vector<1x1xf32> to vector<1x32768xf32>
    %add3A_21 = arith.addf %dot_general3A_16, %add3A_20 : vector<1x32768xf32>
    %neg3A = arith.constant 0.000000e+00 : f32
    %neg3A_22 = vector.broadcast %neg3A : f32 to vector<1x32768xf32>
    %neg3A_23 = arith.subf %neg3A_22, %add3A_21 : vector<1x32768xf32>
    %exp3A = math.exp %neg3A_23 : vector<1x32768xf32>
    %add3A_24 = arith.constant 1.000000e+00 : f32
    %add3A_25 = vector.broadcast %add3A_24 : f32 to vector<1x32768xf32>
    %add3A_26 = arith.addf %add3A_25, %exp3A : vector<1x32768xf32>
    %div3A = arith.constant 1.000000e+00 : f32
    %div3A_27 = vector.broadcast %div3A : f32 to vector<1x32768xf32>
    %div3A_28 = arith.divf %div3A_27, %add3A_26 : vector<1x32768xf32>
    %swap3A = arith.constant 0 : index
    %swap3A_29 = arith.constant 0 : index
    %swap3A_30 = vector.load %arg6[%swap3A, %swap3A_29] : memref<1x32768xf32, #tpu.memory_space<vmem>>, vector<1x32768xf32>
    tpu.vector_store %arg6[%swap3A, %swap3A_29], %div3A_28 {strides = array<i32>} : memref<1x32768xf32, #tpu.memory_space<vmem>>, vector<1x32768xf32>,
    return
  }
  func.func @transform_0(%arg0: i32) -> (i32, i32) {
    %c0_i32 = arith.constant 0 : i32
    %c0_i32_0 = arith.constant 0 : i32
    return %c0_i32, %arg0 : i32, i32
  }
  func.func @transform_1(%arg0: i32) -> (i32, i32) {
    %c0_i32 = arith.constant 0 : i32
    %c0_i32_0 = arith.constant 0 : i32
    %c0_i32_1 = arith.constant 0 : i32
    return %c0_i32, %c0_i32_0 : i32, i32
  }
  func.func @transform_2(%arg0: i32) -> (i32, i32) {
    %c0_i32 = arith.constant 0 : i32
    %c0_i32_0 = arith.constant 0 : i32
    %c0_i32_1 = arith.constant 0 : i32
    return %c0_i32, %c0_i32_0 : i32, i32
  }
  func.func @transform_3(%arg0: i32) -> (i32, i32) {
    %c0_i32 = arith.constant 0 : i32
    %c0_i32_0 = arith.constant 0 : i32
    %c0_i32_1 = arith.constant 0 : i32
    return %c0_i32, %c0_i32_0 : i32, i32
  }
  func.func @transform_4(%arg0: i32) -> (i32, i32) {
    %c0_i32 = arith.constant 0 : i32
    %c0_i32_0 = arith.constant 0 : i32
    %c0_i32_1 = arith.constant 0 : i32
    return %c0_i32, %c0_i32_0 : i32, i32
  }
  func.func @transform_5(%arg0: i32) -> (i32, i32) {
    %c0_i32 = arith.constant 0 : i32
    %c0_i32_0 = arith.constant 0 : i32
    return %c0_i32, %arg0 : i32, i32
  }
}

</mosaic_0001>

<sc_bundles>
// kernel: kernel.4.cloned.1.call-start
scs
__scs_entry_jumppad:
0x0: {  	(pc) =	sbr.rel $0x88, $3  }
0x1: {  	(tag) =	ssettag $0x0;
	lr =	simm.s32 $0x1  }
0x2: {  	[smem:$0x3F9B] =	sst lr;
	_ =	strace $0xD0000000  }
0x3: {  	_ = 	snop  }
0x4: {  	_ = 	snop  }
0x5: {  	_ = 	snop  }
0x6: {  	_ = 	snop  }
0x7: {  	_ = 	snop  }
__scs_overlays_trampoline_lowered:
0x8: {  	[smem:$0x3FAA] =	sst s0  }
0x9: {  	[smem:$0x3FAB] =	sst s1  }
0xa: {  	[smem:$0x3FAC] =	sst s2  }
0xb: {  	[smem:$0x3FAD] =	sst s3  }
0xc: {  	[smem:$0x3FAE] =	sst s4  }
0xd: {  	[smem:$0x3FAF] =	sst s5  }
0xe: {  	[smem:$0x3FB0] =	sst s6  }
0xf: {  	[smem:$0x3FB1] =	sst s7  }
0x10: {  	[smem:$0x3FB2] =	sst s8  }
0x11: {  	[smem:$0x3FB3] =	sst s9;
	s0 =	simm.s32 @!p0 $0x0  }
0x12: {  	s1 =	sld [smem:$0x3F99];
	s0 =	simm.s32 @p0 $0x1  }
0x13: {  	[smem:$0x3FB4] =	sst s0;
	s0 =	simm.s32 @!p1 $0x0  }
0x14: {  	s2 =	sld [smem:$0x3F98];
	s0 =	simm.s32 @p1 $0x1  }
0x15: {  	[smem:$0x3FB5] =	sst s0;
	s0 =	simm.s32 @!p2 $0x0  }
0x16: {  	s3 =	sld [smem:$0x3FDB];
	s0 =	simm.s32 @p2 $0x1  }
0x17: {  	s4 =	simm.s32 $0x1BF5;
	[smem:$0x3FB7] =	sst s0  }
0x18: {  	s0 =	sld [smem:$0x3F9A];
	_ =	swait.ge [sflag:s4], $0x0  }
0x19: {  	s7 =	sld [smem:$0x3F9B]  }
0x1a: {  	s8 =	sadd.s32 $0xFFFFE003, lr  }
0x1b: {  	s9 =	sadd.s32 $0xFFFFFEF7, lr;
	s5 =	simm.s32 $0xFFFFFFFF;
	p2 =	slt.u32 s8, $0xFFFFF086  }
0x1c: {  	p1 =	slt.u32 s9, $0xF7A;
	s5 =	simm.s32 @!p2 $0x0  }
0x1d: {  	s5 =	simm.s32 @p1 $0x1;
	p0 =	seq.s32 s7, s2  }
0x1e: {  	s7 =	smul.u32 @!p0 $0xF7A, s2;
	p2 =	seq.s32 @!p0 s5, $0x0  }
0x1f: {  	s9 =	smul.u32 $0xF7A, s1;
	s8 =	simm.s32 @!p0 $0x1BF5;
	p2 =	por !p2, p0  }
0x20: {  	[sflag:s8] =	ssyncset.s32 @!p0 $0xFFFFF086;
	s6 =	sadd.s32 @!p0 s3, s7;
	s7 =	simm.s32 @!p0 $0x108  }
0x21: {  	s3 =	sadd.s32 s3, s9;
	s6 =	sadd.s32 @!p0 $0x88, s6;
	s7 =	simm.s32 @p2 $0x1082  }
0x22: {  	[simem:s7], [sflag:s8] =	dma.local @!p0 [hbm:s6], $0xF7A  }
0x23: {  	s9 =	sor.u32 $0xD0000000, s2;
	s6 =	simm.s32 $0x108;
	_ =	swait.ge @!p0 [sflag:s8], $0x0  }
0x24: {  	s3 =	sadd.s32 $0x88, s3;
	s6 =	simm.s32 @!p1 $0x1082;
	[sflag:s4] =	ssyncset.s32 $0xFFFFF086  }
0x25: {  	[simem:s6], [sflag:s4] =	dma.local [hbm:s3], $0xF7A  }
0x26: {  	[smem:$0x3F9B] =	sst s1;
	(tag) =	ssettag s2;
	_ =	strace s9  }
0x27: {  	s1 =	sld [smem:$0x3FAB]  }
0x28: {  	s2 =	sld [smem:$0x3FAC]  }
0x29: {  	s4 =	sld [smem:$0x3FAE]  }
0x2a: {  	p0 =	seq.s32 s5, $0x0;
	s5 =	sld [smem:$0x3FAF]  }
0x2b: {  	s6 =	sld [smem:$0x3FB0]  }
0x2c: {  	s7 =	sld [smem:$0x3FB1]  }
0x2d: {  	s3 =	simm.s32 $0x108;
	s8 =	sld [smem:$0x3FB2]  }
0x2e: {  	s3 =	simm.s32 @!p0 $0x1082;
	s9 =	sld [smem:$0x3FB3]  }
0x2f: {  	lr =	sadd.s32 s0, s3;
	s0 =	sld [smem:$0x3FAA]  }
0x30: {  	s3 =	sld [smem:$0x3FAD]  }
0x31: {  	[smem:$0x3FB6] =	sst s10  }
0x32: {  	s10 =	sld [smem:$0x3FB4];
	_ =	sdelay $0x3  }
0x33: {  	p0 =	seq.s32 s10, $0x1;
	s10 =	sld [smem:$0x3FB6];
	_ =	sdelay $0x3  }
0x34: {  	[smem:$0x3FB6] =	sst s10  }
0x35: {  	s10 =	sld [smem:$0x3FB5];
	_ =	sdelay $0x3  }
0x36: {  	p1 =	seq.s32 s10, $0x1;
	s10 =	sld [smem:$0x3FB6];
	_ =	sdelay $0x3  }
0x37: {  	[smem:$0x3FB6] =	sst s10  }
0x38: {  	s10 =	sld [smem:$0x3FB7]  }
0x39: {  	_ = 	snop;
	(pc) =	sbr.ind lr, $3  }
0x3a: {  	_ = 	snop  }
0x3b: {  	_ = 	snop  }
0x3c: {  	p2 =	seq.s32 s10, $0x1;
	s10 =	sld [smem:$0x3FB6]  }
0x3d: {  	_ =	shalt  }
0x3e: {  	_ =	shalt  }
0x3f: {  	_ =	shalt  }
0x40: {  	_ =	shalt  }
0x41: {  	_ =	shalt  }
0x42: {  	_ =	shalt  }
0x43: {  	_ =	shalt  }
0x44: {  	_ =	shalt  }
0x45: {  	_ =	shalt  }
0x46: {  	_ =	shalt  }
0x47: {  	_ =	shalt  }
0x48: {  	_ =	shalt  }
0x49: {  	_ =	shalt  }
0x4a: {  	_ =	shalt  }
0x4b: {  	_ =	shalt  }
0x4c: {  	_ =	shalt  }
0x4d: {  	_ =	shalt  }
0x4e: {  	_ =	shalt  }
0x4f: {  	_ =	shalt  }
0x50: {  	_ =	shalt  }
0x51: {  	_ =	shalt  }
0x52: {  	_ =	shalt  }
0x53: {  	_ =	shalt  }
0x54: {  	_ =	shalt  }
0x55: {  	_ =	shalt  }
0x56: {  	_ =	shalt  }
0x57: {  	_ =	shalt  }
0x58: {  	_ =	shalt  }
0x59: {  	_ =	shalt  }
0x5a: {  	_ =	shalt  }
0x5b: {  	_ =	shalt  }
0x5c: {  	_ =	shalt  }
0x5d: {  	_ =	shalt  }
0x5e: {  	_ =	shalt  }
0x5f: {  	_ =	shalt  }
0x60: {  	_ =	shalt  }
0x61: {  	_ =	shalt  }
0x62: {  	_ =	shalt  }
0x63: {  	_ =	shalt  }
0x64: {  	_ =	shalt  }
0x65: {  	_ =	shalt  }
0x66: {  	_ =	shalt  }
0x67: {  	_ =	shalt  }
0x68: {  	_ =	shalt  }
0x69: {  	_ =	shalt  }
0x6a: {  	_ =	shalt  }
0x6b: {  	_ =	shalt  }
0x6c: {  	_ =	shalt  }
0x6d: {  	_ =	shalt  }
0x6e: {  	_ =	shalt  }
0x6f: {  	_ =	shalt  }
0x70: {  	_ =	shalt  }
0x71: {  	_ =	shalt  }
0x72: {  	_ =	shalt  }
0x73: {  	_ =	shalt  }
0x74: {  	_ =	shalt  }
0x75: {  	_ =	shalt  }
0x76: {  	_ =	shalt  }
0x77: {  	_ =	shalt  }
0x78: {  	_ =	shalt  }
0x79: {  	_ =	shalt  }
0x7a: {  	_ =	shalt  }
0x7b: {  	_ =	shalt  }
0x7c: {  	_ =	shalt  }
0x7d: {  	_ =	shalt  }
0x7e: {  	_ =	shalt  }
0x7f: {  	_ =	shalt  }
0x80: {  	_ =	shalt  }
0x81: {  	_ =	shalt  }
0x82: {  	_ =	shalt  }
0x83: {  	_ =	shalt  }
0x84: {  	_ =	shalt  }
0x85: {  	_ =	shalt  }
0x86: {  	_ =	shalt  }
0x87: {  	_ =	shalt  }
.Lfunc_end0:
.L_simem_size_0:
called_computation_lowered:
.L_overlay_start_0:
0x88: {  	s2 =	sld [smem:$0x3FD9]  }
0x89: {  	s3 =	sld [smem:$0x3FFE];
	_ =	sdelay $0x1  }
0x8a: {  	s1 =	srdreg.scid  }
0x8b: {  	s0 =	sand.u32 $0x1, s1  }
0x8c: {  	s16 =	sshll.u32 s0, $0xA;
	s2 =	sadd.s32 s3, s2  }
0x8d: {  	s2 =	sadd.s32 s2, s16  }
0x8e: {  	[smem:$0x3FC2] =	sst s2  }
0x8f: {  	_ = 	snop  }
0x90: {  	(tm) =	ssettm $0x1  }
0x91: {  	s17 =	sld [smem:$0x3FFB];
	_ =	sdelay $0x3  }
0x92: {  	_ =	strace s17  }
0x93: {  	s2 =	sld [smem:$0x3FFC];
	_ =	sdelay $0x3  }
0x94: {  	_ =	strace s2  }
0x95: {  	s2 =	sld [smem:$0x3FFD];
	_ =	sdelay $0x3  }
0x96: {  	_ =	strace s2  }
0x97: {  	_ =	strace $0x8FFFFFFF  }
0x98: {  	s18 =	sld [smem:$0x3FDB];
	_ =	sdelay $0x1  }
0x99: {  	s19 =	simm.s32 $_scs_section_size  }
0x9a: {  	s4 =	simm.s32 $_size__tile_overlayer_lowered;
	s5 =	simm.s32 $_tile_overlayer_lowered  }
0x9b: {  	s22 =	simm.s32 $0x1BFF;
	s21 =	sshll.u32 s5, $0x1;
	s2 =	sadd.s32 s19, s18  }
0x9c: {  	s6 =	simm.s32 $0x0;
	s20 =	sshll.u32 s4, $0x1;
	s4 =	sadd.s32 s21, s2  }
0x9d: {  	[timem:s6], [sflag:s22] =	dma.local [hbm:s4], s20  }
0x9e: {  	_ =	swait.ge [sflag:s22], s20  }
0x9f: {  	s3 =	ssub.s32 $0x0, s20;
	[sflag:s22] =	ssyncset.done $0x0  }
0xa0: {  	[sflag:s22] =	ssyncadd.s32 s3;
	_ =	sdelay $0x1  }
0xa1: {  	s23 =	simm.s32 $0x1B8B  }
0xa2: {  	_ =	swait.ge [sflag:s23], $0x1  }
0xa3: {  	[sflag:s23] =	ssyncset.done $0x0  }
0xa4: {  	s25 =	simm.s32 $0x1B8E;
	s24 =	sld [smem:$0x3FFE];
	[sflag:s23] =	ssyncadd.s32 $0xFFFFFFFF  }
0xa5: {  	s26 =	simm.s32 $execute0_lowered;
	[smem:$0x3FD2] =	sst s25  }
0xa6: {  	s4 =	sshll.u32 s26, $0x1;
	_ =	strace $0x80000046;
	[dreg:$0x1] =	wrdreg $0xFFFFFFFF  }
0xa7: {  	s28 =	simm.s32 $_size_execute0_lowered;
	s2 =	sadd.s32 s2, s4;
	[dreg:$0x0] =	wrdreg $0x0  }
0xa8: {  	s4 =	sshll.u32 s28, $0x1;
	[dreg:$0x2] =	wrdreg s2  }
0xa9: {  	[dreg:$0x3] =	wrdreg s4  }
0xaa: {  	[dreg:$0x4] =	wrdreg $0xC0  }
0xab: {  	_ =	task [dreg:s6], $0x5FFFF  }
0xac: {  	[dreg:$0x1] =	wrdreg $0xFFFFFFFF  }
0xad: {  	[dreg:$0x0] =	wrdreg $0x60  }
0xae: {  	[dreg:$0x2] =	wrdreg s24  }
0xaf: {  	[dreg:$0x3] =	wrdreg $0x9  }
0xb0: {  	_ =	task.clear_ibuf [dreg:s6], $0x4FFFF;
	_ =	strace $0x90000046  }
0xb1: {  	s29 =	simm.s32 $0x9;
	_ =	strace $0x80000048  }
0xb2: {  	_ =	swait.ge [sflag:s29], $0x1  }
0xb3: {  	[sflag:s29] =	ssyncadd.s32 $0xFFFFFFFF  }
0xb4: {  	_ =	strace $0x90000048  }
0xb5: {  	_ =	sfence  }
0xb6: {  	s30 =	sld [smem:$0x0];
	_ =	sdelay $0x2  }
0xb7: {  	s31 =	sshll.u32 s1, $0xD;
	s1 =	sshrl.u32 s1, $0x2  }
0xb8: {  	s3 =	sand.u32 $0x4000, s31;
	s1 =	sadd.s32 s1, s30  }
0xb9: {  	s0 =	sor.u32 s3, s0;
	s1 =	sshll.u32 s1, $0x11  }
0xba: {  	s0 =	sor.u32 s1, s0  }
0xbb: {  	s0 =	sadd.s32 $0x8F2B, s0  }
0xbc: {  	[sflag:s0] =	ssyncadd.remote.s32 $0x1  }
0xbd: {  	_ =	sfence.sel $0xFFFF  }
0xbe: {  	[dreg:$0x0] =	wrdreg $0xFFFFFFFF;
	(pc) =	sbr.abs _section_cstart, $3  }
0xbf: {  	[dreg:$0x1] =	wrdreg $0xFFFFFFFF  }
0xc0: {  	_ =	task.clear_ibuf [dreg:s6], $0x2FFFF;
	_ =	strace $0x9FFFFFFF  }
0xc1: {  	(tm) =	ssettm $0x7FFFFFFF  }
tec
execute0_lowered:
.L_overlay_start_1:
0x0: {  	(tag) =	ssettag $0x1  }
0x1: {  	s0 =	rddreg [dreg:$0x0]  }
0x2: {  	s11 =	stileid.u32;
	s1 =	srdreg.scid  }
0x3: {  	s2 =	simm.s32 $0x0;
	s10 =	simm.s32 $0x10;
	s28 =	simm.s32 $0x15000  }
0x4: {  	s29 =	simm.s32 $0x1;
	s31 =	simm.s32 $0x18000;
	s3 =	sshll.u32 s11, $0x1  }
0x5: {  	s1 =	sand.u32 $0x1, s1;
	[smem:$0x7FF] =	sst s2;
	s20 =	sshrl.u32 s11, $0x2  }
0x6: {  	s11 =	simm.s32 $0x0;
	s5 =	sand.u32 $0x6, s3;
	_ =	strace $0x80000047  }
0x7: {  	s3 =	sadd.s32 $0x10C00, s0;
	s8 =	ssub.s32 $0x2, s1;
	s13 =	sshll.u32 s20, $0xD  }
0x8: {  	s16 =	sshll.u32 s1, $0x13;
	s6 =	sor.u32 s1, s5;
	s9 =	sshrl.u32 s8, $0x1  }
0x9: {  	s14 =	sadd.s32 s3, s13;
	s19 =	sor.u32 $0x40000, s16;
	p0 =	sne.s32 s5, $0x0  }
0xa: {  	s1 =	simm.s32 $0x17000;
	s5 =	simm.s32 $0x19000;
	s4 =	sshll.u32 s6, $0xD  }
0xb: {  	s9 =	ssub.s32 s8, s9;
	s10 =	sshll.u32 s10, s6;
	s8 =	sshll.u32 s20, $0x10  }
0xc: {  	s22 =	sadd.s32 $0x8000, s14;
	s24 =	sadd.s32 $0x200, s14;
	[dreg:$0x3] =	wrdreg s14  }
0xd: {  	s25 =	sadd.s32 $0x8200, s14;
	s26 =	sadd.s32 $0x10200, s14;
	[dreg:$0x4] =	wrdreg s22  }
0xe: {  	s15 =	sshll.u32 s6, $0x13;
	s7 =	sadd.s32 s4, s0;
	[dreg:$0x6] =	wrdreg s24  }
0xf: {  	s4 =	sadd.s32 $0x28C00, s0;
	s21 =	scvt.s32.f32 s10;
	[dreg:$0x7] =	wrdreg s25  }
0x10: {  	s12 =	sor.u32 $0x1, s10;
	[dreg:$0x8] =	wrdreg s26;
	s14 =	sor.u32 $0x2000, s8  }
0x11: {  	s17 =	sor.u32 $0x40000, s15;
	s18 =	sor.u32 $0x3000, s8;
	s30 =	smax.u32 s9, $0x1  }
.Ltmp0:
0x12: {  	s22 =	simm.s32 $0x10000;
	s24 =	simm.s32 $0x12000;
	(pc) =	sbr.rel .LBB2_1-.Ltmp0, $4  }
0x13: {  	s25 =	simm.s32 $0x13000;
	s26 =	simm.s32 $0x14000;
	s7 =	sadd.s32 $0xC00, s7  }
0x14: {  	s9 =	simm.s32 $0x3;
	[dreg:$0x2] =	wrdreg s7;
	s7 =	sadd.s32 $0x20C00, s0  }
0x15: {  	v1 =	vmov s10;
	s10 =	simm.s32 $0x4;
	[dreg:$0x9] =	wrdreg s30;
	s23 =	sadd.s32 s13, s7  }
0x16: {  	v2 =	vmov s12;
	s0 =	simm.s32 $0x2;
	v0 =	vmov s21;
	[dreg:$0x5] =	wrdreg s23;
	s23 =	simm.s32 $0x11000  }
.LBB2_12:
0x17: {  	_ =	swait.ge [sflag:s29], $0x1000  }
0x18: {  	[sflag:s29] =	ssyncset.done $0x0  }
0x19: {  	[sflag:s29] =	ssyncadd.s32 $0xFFFFF000  }
0x1a: {  	_ =	swait.ge [sflag:s29], $0x1000  }
0x1b: {  	[sflag:s29] =	ssyncset.done $0x0  }
0x1c: {  	[sflag:s29] =	ssyncadd.s32 $0xFFFFF000  }
0x1d: {  	_ =	swait.ge [sflag:s29], $0x1000  }
0x1e: {  	[sflag:s29] =	ssyncset.done $0x0  }
0x1f: {  	[sflag:s29] =	ssyncadd.s32 $0xFFFFF000  }
0x20: {  	_ =	swait.ge [sflag:s0], $0x1000  }
0x21: {  	[sflag:s0] =	ssyncset.done $0x0  }
0x22: {  	[sflag:s0] =	ssyncadd.s32 $0xFFFFF000  }
0x23: {  	_ =	swait.ge [sflag:s0], $0x1000  }
0x24: {  	[sflag:s0] =	ssyncset.done $0x0  }
0x25: {  	[sflag:s0] =	ssyncadd.s32 $0xFFFFF000  }
0x26: {  	_ =	swait.ge [sflag:s0], $0x1000  }
0x27: {  	s11 =	rddreg [dreg:$0xa]  }
0x28: {  	s6 =	rddreg [dreg:$0x9];
	s11 =	sadd.s32 $0x1, s11  }
0x29: {  	p1 =	sne.s32 s11, s6  }
.Ltmp1:
0x2a: {  	_ = 	snop;
	(pc) =	sbr.rel @!p1 .LBB2_13-.Ltmp1, $3  }
0x2b: {  	_ =	sdelay $0x1  }
0x2c: {  	[sflag:s0] =	ssyncset.done $0x0  }
0x2d: {  	[sflag:s0] =	ssyncadd.s32 $0xFFFFF000  }
.LBB2_1:
0x2e: {  	[dreg:$0xa] =	wrdreg s11  }
0x2f: {  	s6 =	rddreg [dreg:$0x2];
	s30 =	simm.s32 $0x5  }
0x30: {  	[tilespmem:s2], [sflag:$0x5] =	stream.linear.gather [hbm4b:s6+s2], $0x10000, $0x38;
	[tilespmem:$0x1A000] =	vst v63  }
0x31: {  	_ =	swait.ge [sflag:s30], $0x10000  }
0x32: {  	[sflag:s30] =	ssyncset.done $0x0  }
0x33: {  	s11 =	rddreg [dreg:$0x3];
	[sflag:s30] =	ssyncadd.s32 $0xFFFF0000  }
0x34: {  	[tilespmem:s22], [sflag:$0x1] =	stream.linear.gather [hbm4b:s11+s2], $0x1000, $0x38;
	[tilespmem:$0x1A000] =	vst v63  }
0x35: {  	s12 =	rddreg [dreg:$0x4]  }
0x36: {  	[tilespmem:s23], [sflag:$0x1] =	stream.linear.gather [hbm4b:s12+s2], $0x1000, $0x38;
	[tilespmem:$0x1A000] =	vst v63  }
0x37: {  	s13 =	rddreg [dreg:$0x5]  }
0x38: {  	[tilespmem:s24], [sflag:$0x1] =	stream.linear.gather [hbm4b:s13+s2], $0x1000, $0x38;
	[tilespmem:$0x1A000] =	vst v63  }
0x39: {  	s20 =	rddreg [dreg:$0x6]  }
0x3a: {  	[tilespmem:s25], [sflag:$0x2] =	stream.linear.gather [hbm4b:s20+s2], $0x1000, $0x38;
	[tilespmem:$0x1A000] =	vst v63  }
.Ltmp2:
0x3b: {  	_ = 	snop;
	(pc) =	sbr.rel @!p0 .LBB2_2-.Ltmp2, $4  }
0x3c: {  	s21 =	rddreg [dreg:$0x7]  }
0x3d: {  	[tilespmem:s26], [sflag:$0x2] =	stream.linear.gather [hbm4b:s21+s2], $0x1000, $0x38;
	[tilespmem:$0x1A000] =	vst v63  }
0x3e: {  	s30 =	rddreg [dreg:$0x8];
	s12 =	simm.s32 $0x0;
	s13 =	simm.s32 $0x0  }
0x3f: {  	[tilespmem:s28], [sflag:$0x2] =	stream.linear.gather [hbm4b:s30+s2], $0x1000, $0x38;
	[tilespmem:$0x1A000] =	vst v63  }
.LBB2_7:
0x40: {  	_ =	swait.ge [sflag:s29], $0x1000  }
0x41: {  	[sflag:s29] =	ssyncset.done $0x0  }
0x42: {  	[sflag:s29] =	ssyncadd.s32 $0xFFFFF000  }
0x43: {  	_ =	swait.ge [sflag:s29], $0x1000  }
0x44: {  	[sflag:s29] =	ssyncset.done $0x0  }
0x45: {  	[sflag:s29] =	ssyncadd.s32 $0xFFFFF000  }
0x46: {  	_ =	swait.ge [sflag:s29], $0x1000  }
0x47: {  	[sflag:s29] =	ssyncset.done $0x0  }
0x48: {  	s13 =	simm.s32 $0x0;
	[sflag:s29] =	ssyncadd.s32 $0xFFFFF000  }
0x49: {  	v3 =	vld [tilespmem:s13+$0x10000]  }
0x4a: {  	v5 =	vld [tilespmem:s13+$0x11000]  }
0x4b: {  	v4 =	vld [tilespmem:s13+$0x12000];
	_ =	sdelay $0x2  }
0x4c: {  	v3 =	vmul.f32 v3, v0  }
0x4d: {  	v5 =	vmul.f32 v5, v0  }
0x4e: {  	v4 =	vmul.f32 v4, v0;
	v6 =	vtrunc.f32 v3  }
0x4f: {  	v9 =	vtrunc.f32 v5;
	v6 =	vcvt.f32.s32 v6  }
0x50: {  	v7 =	vtrunc.f32 v4;
	v9 =	vcvt.f32.s32 v9  }
0x51: {  	v7 =	vcvt.f32.s32 v7;
	v8 =	vcvt.s32.f32 v6;
	v10 =	vadd.s32 $0x1, v6  }
0x52: {  	v11 =	vadd.s32 $0x1, v9;
	v12 =	vcvt.s32.f32 v9;
	v9 =	vmul.u32 $0x9E3779B1, v9  }
0x53: {  	v13 =	vmul.u32 $0x30025795, v7;
	vm11 =	vlt.s32 v11, v1;
	vm12 =	vlt.s32 v10, v1  }
0x54: {  	v3 =	vsub.f32 v3, v8;
	v8 =	vadd.s32 $0x1, v7;
	v11 =	vsel vm11, v11, v1  }
0x55: {  	v5 =	vsub.f32 v5, v12;
	v14 =	vxor.u32 v9, v13;
	v10 =	vsel vm12, v10, v1  }
0x56: {  	vm0 =	vlt.s32 v8, v1;
	v11 =	vmul.u32 $0x9E3779B1, v11;
	v16 =	vxor.u32 v6, v14  }
0x57: {  	s6 =	simm.s32 $0x10;
	v8 =	vsel vm0, v8, v1;
	v12 =	vsub.f32 $1.000000000e+00, v3;
	v15 =	vsub.f32 $1.000000000e+00, v5  }
0x58: {  	v17 =	vld [tilespmem:s6+$0x10000];
	v7 =	vcvt.s32.f32 v7;
	v16 =	vand.u32 $0xFFFF, v16;
	v8 =	vmul.u32 $0x30025795, v8  }
0x59: {  	v19 =	vld [tilespmem:s6+$0x11000];
	v13 =	vxor.u32 v13, v11;
	v18 =	vmul.f32 v5, v12;
	v12 =	vmul.f32 v15, v12  }
0x5a: {  	v21 =	vld [tilespmem:s6+$0x12000];
	v20 =	vxor.u32 v10, v13;
	v15 =	vmul.f32 v15, v3;
	v13 =	vxor.u32 v6, v13  }
0x5b: {  	v5 =	vmul.f32 v5, v3;
	v9 =	vxor.u32 v9, v8;
	v3 =	vxor.u32 v11, v8  }
0x5c: {  	v8 =	vxor.u32 v10, v14;
	v14 =	vsub.f32 v4, v7;
	v13 =	vand.u32 $0xFFFF, v13  }
0x5d: {  	v11 =	vxor.u32 v6, v9;
	v22 =	vxor.u32 v6, v3;
	v9 =	vxor.u32 v10, v9  }
0x5e: {  	v3 =	vxor.u32 v10, v3;
	v10 =	vmul.f32 v17, v0;
	v7 =	vsub.f32 $1.000000000e+00, v14  }
0x5f: {  	v17 =	vmul.f32 v19, v0;
	v29 =	vand.u32 $0xFFFF, v3;
	v3 =	vmul.f32 v21, v0  }
0x60: {  	v19 =	vand.u32 $0xFFFF, v20;
	v4 =	vtrunc.f32 v10;
	v20 =	vmul.f32 v7, v12  }
0x61: {  	v8 =	vand.u32 $0xFFFF, v8;
	v21 =	vmul.f32 v7, v18;
	v31 =	vcvt.f32.s32 v4  }
0x62: {  	v16 =	vld.idx.msk [tilespmem:v16+s2+$0x0], $0xffff;
	v9 =	vand.u32 $0xFFFF, v9;
	v6 =	vtrunc.f32 v3;
	v4 =	vmul.f32 v14, v18  }
0x63: {  	v24 =	vmul.f32 v7, v5;
	v26 =	vmul.f32 v7, v15  }
0x64: {  	v11 =	vand.u32 $0xFFFF, v11;
	v5 =	vmul.f32 v14, v5;
	v6 =	vcvt.f32.s32 v6;
	v13 =	vld.idx.msk [tilespmem:v13+s2+$0x0], $0xffff  }
0x65: {  	v12 =	vmul.f32 v12, v14;
	v18 =	vcvt.s32.f32 v31;
	v23 =	vadd.s32 $0x1, v31;
	v19 =	vld.idx.msk [tilespmem:v19+s2+$0x0], $0xffff  }
0x66: {  	v27 =	vld.idx.msk [tilespmem:v8+s2+$0x0], $0xffff;
	v8 =	vtrunc.f32 v17;
	vm13 =	vlt.s32 v23, v1;
	v32 =	vmul.u32 $0x30025795, v6  }
0x67: {  	v36 =	vld.idx.msk [tilespmem:v9+s2+$0x0], $0xffff;
	v9 =	vshll.u32 v16, $0x10;
	v28 =	vsub.f32 v10, v18;
	v7 =	vsel vm13, v23, v1  }
0x68: {  	v18 =	vand.u32 $0xFFFF, v22;
	v22 =	vcvt.f32.s32 v8;
	v8 =	vadd.s32 $0x1, v6  }
0x69: {  	v10 =	vmul.f32 v15, v14;
	v9 =	vmul.f32 v9, v20;
	vm14 =	vlt.s32 v8, v1  }
0x6a: {  	v30 =	vsub.f32 $1.000000000e+00, v28;
	v23 =	vmul.u32 $0x9E3779B1, v22;
	v8 =	vsel vm14, v8, v1  }
0x6b: {  	v14 =	vshll.u32 v19, $0x10;
	v19 =	vand.u32 $0xFFFF0000, v19;
	v33 =	vmul.u32 $0x30025795, v8  }
0x6c: {  	v34 =	vxor.u32 v23, v32;
	v15 =	vmul.f32 v14, v24;
	v14 =	vshll.u32 v13, $0x10  }
0x6d: {  	v24 =	vmul.f32 v19, v24;
	v19 =	vld.idx.msk [tilespmem:v11+s2+$0x0], $0xffff;
	v11 =	vand.u32 $0xFFFF0000, v16;
	v13 =	vand.u32 $0xFFFF0000, v13  }
0x6e: {  	v35 =	vld.idx.msk [tilespmem:v18+s2+$0x0], $0xffff;
	v8 =	vxor.u32 v31, v34;
	v18 =	vand.u32 $0xFFFF0000, v27;
	v11 =	vmul.f32 v11, v20  }
0x6f: {  	v37 =	vmul.f32 v14, v21;
	v14 =	vadd.s32 $0x1, v22;
	v13 =	vmul.f32 v13, v21  }
0x70: {  	v16 =	vmul.f32 v18, v26;
	vm15 =	vlt.s32 v14, v1;
	v11 =	vadd.f32 $0.0e+00, v11  }
0x71: {  	v20 =	vcvt.s32.f32 v22;
	v22 =	vxor.u32 v23, v33;
	v14 =	vsel vm15, v14, v1  }
0x72: {  	v23 =	vshll.u32 v36, $0x10;
	v38 =	vmul.u32 $0x9E3779B1, v14;
	v11 =	vadd.f32 v11, v16  }
0x73: {  	v16 =	vsub.f32 v17, v20;
	v17 =	vadd.f32 $0.0e+00, v9;
	v9 =	vshll.u32 v27, $0x10  }
0x74: {  	v25 =	vshll.u32 v19, $0x10;
	v18 =	vshll.u32 v35, $0x10;
	v26 =	vmul.f32 v9, v26  }
0x75: {  	v11 =	vadd.f32 v11, v13;
	v13 =	vxor.u32 v32, v38;
	v21 =	vsub.f32 $1.000000000e+00, v16  }
0x76: {  	v29 =	vld.idx.msk [tilespmem:v29+s2+$0x0], $0xffff;
	v14 =	vmul.f32 v16, v30;
	v20 =	vxor.u32 v7, v13;
	v63 =	vadd.f32 v17, v26  }
0x77: {  	v26 =	vxor.u32 v38, v33;
	v17 =	vxor.u32 v31, v22;
	v27 =	vadd.f32 v11, v24  }
0x78: {  	v9 =	vmul.f32 v21, v30;
	v11 =	vmul.f32 v21, v28;
	v21 =	vxor.u32 v31, v13  }
0x79: {  	v13 =	vmul.f32 v16, v28;
	v28 =	vand.u32 $0xFFFF0000, v35;
	v24 =	vxor.u32 v7, v34  }
0x7a: {  	s20 =	simm.s32 $0x80;
	v30 =	vand.u32 $0xFFFF0000, v36;
	v16 =	vxor.u32 v31, v26;
	v31 =	vadd.f32 v63, v37  }
.LBB2_8:
0x7b: {  	s11 =	sshra.s32 s20, $0x2;
	p1 =	sne.s32 s20, $0x3FC0;
	s20 =	sadd.s32 $0x40, s20;
	v22 =	vxor.u32 v7, v22;
	v19 =	vand.u32 $0xFFFF0000, v19;
	v32 =	vshll.u32 v29, $0x10  }
0x7c: {  	v6 =	vcvt.s32.f32 v6;
	v25 =	vmul.f32 v25, v12;
	v33 =	vld [tilespmem:s11+$0x10000];
	v15 =	vadd.f32 v31, v15  }
0x7d: {  	v7 =	vxor.u32 v7, v26;
	v12 =	vmul.f32 v19, v12;
	v19 =	vand.u32 $0xFFFF0000, v29;
	v31 =	vld [tilespmem:s11+$0x11000]  }
0x7e: {  	v29 =	vand.u32 $0xFFFF, v7;
	v26 =	vld [tilespmem:s11+$0x12000];
	v7 =	vadd.f32 v15, v25;
	v15 =	vmul.f32 v23, v10  }
0x7f: {  	v23 =	vsub.f32 v3, v6;
	v3 =	vadd.f32 v27, v12;
	v6 =	vmul.f32 v30, v10  }
0x80: {  	v10 =	vmul.f32 v32, v5;
	v5 =	vmul.f32 v19, v5;
	v7 =	vadd.f32 v7, v15  }
0x81: {  	v3 =	vadd.f32 v3, v6;
	v6 =	vmul.f32 v18, v4;
	v4 =	vmul.f32 v28, v4  }
0x82: {  	v12 =	vsub.f32 $1.000000000e+00, v23;
	v15 =	vand.u32 $0xFFFF, v20;
	v27 =	vmul.f32 v31, v0  }
0x83: {  	v18 =	vmul.f32 v33, v0;
	v6 =	vadd.f32 v7, v6;
	v4 =	vadd.f32 v3, v4  }
0x84: {  	v20 =	vmul.f32 v12, v9;
	v7 =	vand.u32 $0xFFFF, v24;
	v3 =	vmul.f32 v26, v0  }
0x85: {  	v24 =	vmul.f32 v12, v14;
	v19 =	vtrunc.f32 v18;
	v5 =	vadd.f32 v4, v5  }
0x86: {  	v31 =	vcvt.f32.s32 v19;
	v19 =	vand.u32 $0xFFFF, v21;
	v6 =	vadd.f32 v6, v10  }
0x87: {  	v8 =	vand.u32 $0xFFFF, v8;
	v4 =	vmul.f32 v23, v14;
	v10 =	vtrunc.f32 v3;
	[tilespmem:s13+$0x18000] =	vst v5  }
0x88: {  	v21 =	vmul.f32 v12, v13;
	v14 =	vadd.s32 $0x1, v31;
	v5 =	vcvt.s32.f32 v31;
	[tilespmem:s13+$0x16000] =	vst v6;
	s13 =	smov.u32 s6;
	s6 =	smov.u32 s11  }
0x89: {  	v26 =	vmul.f32 v12, v11;
	vm0 =	vlt.s32 v14, v1;
	v6 =	vcvt.f32.s32 v10;
	v15 =	vld.idx.msk [tilespmem:v15+s2+$0x0], $0xffff  }
0x8a: {  	v17 =	vand.u32 $0xFFFF, v17;
	v28 =	vsub.f32 v18, v5;
	v5 =	vmul.f32 v23, v13;
	v30 =	vld.idx.msk [tilespmem:v7+s2+$0x0], $0xffff  }
0x8b: {  	v10 =	vtrunc.f32 v27;
	v7 =	vsel vm0, v14, v1;
	v14 =	vand.u32 $0xFFFF, v16;
	v13 =	vld.idx.msk [tilespmem:v19+s2+$0x0], $0xffff  }
0x8c: {  	v16 =	vcvt.f32.s32 v10;
	v18 =	vadd.s32 $0x1, v6;
	v32 =	vsub.f32 $1.000000000e+00, v28;
	v25 =	vld.idx.msk [tilespmem:v8+s2+$0x0], $0xffff  }
0x8d: {  	v22 =	vand.u32 $0xFFFF, v22;
	v10 =	vmul.f32 v11, v23;
	vm0 =	vlt.s32 v18, v1  }
0x8e: {  	v12 =	vmul.f32 v9, v23;
	v33 =	vmul.u32 $0x30025795, v6;
	v11 =	vmul.u32 $0x9E3779B1, v16  }
0x8f: {  	v8 =	vsel vm0, v18, v1;
	v9 =	vshll.u32 v15, $0x10;
	v18 =	vand.u32 $0xFFFF0000, v15  }
0x90: {  	v34 =	vmul.u32 $0x30025795, v8;
	v35 =	vxor.u32 v11, v33;
	v15 =	vmul.f32 v9, v21;
	v36 =	vld.idx.msk [tilespmem:v14+s2+$0x0], $0xffff  }
0x91: {  	v8 =	vxor.u32 v31, v35;
	v21 =	vmul.f32 v18, v21;
	v9 =	vshll.u32 v13, $0x10;
	v19 =	vld.idx.msk [tilespmem:v17+s2+$0x0], $0xffff  }
0x92: {  	v13 =	vand.u32 $0xFFFF0000, v13;
	v14 =	vand.u32 $0xFFFF0000, v25;
	v17 =	vand.u32 $0xFFFF0000, v30;
	v37 =	vld.idx.msk [tilespmem:v22+s2+$0x0], $0xffff  }
0x93: {  	v18 =	vshll.u32 v25, $0x10;
	v38 =	vmul.f32 v9, v24;
	v14 =	vmul.f32 v14, v20  }
0x94: {  	v9 =	vadd.s32 $0x1, v16;
	v13 =	vmul.f32 v13, v24;
	v17 =	vmul.f32 v17, v26  }
0x95: {  	vm0 =	vlt.s32 v9, v1;
	v20 =	vmul.f32 v18, v20;
	v14 =	vadd.f32 $0.0e+00, v14  }
0x96: {  	v16 =	vcvt.s32.f32 v16;
	v9 =	vsel vm0, v9, v1;
	v18 =	vshll.u32 v36, $0x10  }
0x97: {  	v24 =	vmul.u32 $0x9E3779B1, v9;
	v9 =	vadd.f32 v14, v17;
	v25 =	vshll.u32 v19, $0x10  }
0x98: {  	v22 =	vxor.u32 v11, v34;
	v16 =	vsub.f32 v27, v16;
	v23 =	vshll.u32 v37, $0x10  }
0x99: {  	v11 =	vshll.u32 v30, $0x10;
	v17 =	vadd.f32 $0.0e+00, v20;
	v9 =	vadd.f32 v9, v13  }
0x9a: {  	v30 =	vsub.f32 $1.000000000e+00, v16;
	v14 =	vmul.f32 v16, v32;
	v13 =	vxor.u32 v33, v24;
	v29 =	vld.idx.msk [tilespmem:v29+s2+$0x0], $0xffff  }
.Ltmp3:
0x9b: {  	v26 =	vmul.f32 v11, v26;
	v20 =	vxor.u32 v7, v13;
	v27 =	vadd.f32 v9, v21;
	(pc) =	sbr.rel @p1 .LBB2_8-.Ltmp3, $4  }
0x9c: {  	v11 =	vmul.f32 v30, v28;
	v9 =	vmul.f32 v30, v32;
	v21 =	vxor.u32 v31, v13  }
0x9d: {  	v13 =	vmul.f32 v16, v28;
	v32 =	vadd.f32 v17, v26;
	v28 =	vand.u32 $0xFFFF0000, v36  }
0x9e: {  	v26 =	vxor.u32 v24, v34;
	v24 =	vxor.u32 v7, v35;
	v30 =	vand.u32 $0xFFFF0000, v37  }
0x9f: {  	v17 =	vxor.u32 v31, v22;
	v16 =	vxor.u32 v31, v26;
	v31 =	vadd.f32 v32, v38  }
0xa0: {  	v19 =	vand.u32 $0xFFFF0000, v19  }
0xa1: {  	v19 =	vmul.f32 v19, v12  }
0xa2: {  	v15 =	vadd.f32 v31, v15;
	v12 =	vmul.f32 v25, v12  }
0xa3: {  	v25 =	vmul.f32 v30, v10;
	v19 =	vadd.f32 v27, v19  }
0xa4: {  	v10 =	vmul.f32 v23, v10;
	v12 =	vadd.f32 v15, v12  }
0xa5: {  	v15 =	vadd.f32 v19, v25;
	v19 =	vmul.f32 v28, v4  }
0xa6: {  	v23 =	vand.u32 $0xFFFF0000, v29;
	v10 =	vadd.f32 v12, v10;
	v4 =	vmul.f32 v18, v4  }
0xa7: {  	v12 =	vshll.u32 v29, $0x10;
	v18 =	vmul.f32 v23, v5;
	v15 =	vadd.f32 v15, v19  }
0xa8: {  	v8 =	vand.u32 $0xFFFF, v8;
	v5 =	vmul.f32 v12, v5;
	v4 =	vadd.f32 v10, v4  }
0xa9: {  	v6 =	vcvt.s32.f32 v6;
	v10 =	vadd.f32 v15, v18  }
0xaa: {  	v12 =	vand.u32 $0xFFFF, v24;
	v4 =	vadd.f32 v4, v5  }
0xab: {  	v3 =	vsub.f32 v3, v6;
	[tilespmem:s13+$0x18000] =	vst v10  }
0xac: {  	v5 =	vand.u32 $0xFFFF, v21;
	[tilespmem:s13+$0x16000] =	vst v4  }
0xad: {  	v4 =	vsub.f32 $1.000000000e+00, v3;
	v6 =	vld.idx.msk [tilespmem:v8+s2+$0x0], $0xffff  }
0xae: {  	v17 =	vand.u32 $0xFFFF, v17;
	v10 =	vand.u32 $0xFFFF, v20  }
0xaf: {  	v16 =	vand.u32 $0xFFFF, v16;
	v8 =	vxor.u32 v7, v22;
	v12 =	vld.idx.msk [tilespmem:v12+s2+$0x0], $0xffff;
	v15 =	vmul.f32 v4, v9  }
0xb0: {  	v7 =	vxor.u32 v7, v26;
	v18 =	vmul.f32 v4, v14;
	v14 =	vmul.f32 v3, v14  }
0xb1: {  	v19 =	vmul.f32 v4, v13;
	v7 =	vand.u32 $0xFFFF, v7;
	v4 =	vmul.f32 v4, v11;
	v5 =	vld.idx.msk [tilespmem:v5+s2+$0x0], $0xffff  }
0xb2: {  	v13 =	vmul.f32 v3, v13;
	v8 =	vand.u32 $0xFFFF, v8;
	v20 =	vand.u32 $0xFFFF0000, v6  }
0xb3: {  	v11 =	vmul.f32 v11, v3;
	v10 =	vld.idx.msk [tilespmem:v10+s2+$0x0], $0xffff;
	v6 =	vshll.u32 v6, $0x10;
	v20 =	vmul.f32 v20, v15  }
0xb4: {  	v3 =	vmul.f32 v9, v3;
	v9 =	vand.u32 $0xFFFF0000, v12;
	v6 =	vmul.f32 v6, v15  }
0xb5: {  	v12 =	vshll.u32 v12, $0x10;
	v15 =	vld.idx.msk [tilespmem:v17+s2+$0x0], $0xffff;
	v9 =	vmul.f32 v9, v4;
	v17 =	vadd.f32 $0.0e+00, v20  }
0xb6: {  	v4 =	vmul.f32 v12, v4;
	v20 =	vand.u32 $0xFFFF0000, v5;
	v6 =	vadd.f32 $0.0e+00, v6  }
0xb7: {  	v8 =	vld.idx.msk [tilespmem:v8+s2+$0x0], $0xffff;
	v5 =	vshll.u32 v5, $0x10;
	v12 =	vmul.f32 v20, v18;
	v9 =	vadd.f32 v17, v9  }
0xb8: {  	v5 =	vmul.f32 v5, v18;
	v17 =	vand.u32 $0xFFFF0000, v10;
	v4 =	vadd.f32 v6, v4  }
0xb9: {  	v6 =	vshll.u32 v10, $0x10;
	v10 =	vld.idx.msk [tilespmem:v16+s2+$0x0], $0xffff;
	v16 =	vmul.f32 v17, v19;
	v9 =	vadd.f32 v9, v12  }
0xba: {  	v6 =	vmul.f32 v6, v19;
	v4 =	vadd.f32 v4, v5;
	v5 =	vand.u32 $0xFFFF0000, v15  }
0xbb: {  	v7 =	vld.idx.msk [tilespmem:v7+s2+$0x0], $0xffff;
	v12 =	vshll.u32 v15, $0x10;
	v5 =	vmul.f32 v5, v3;
	v9 =	vadd.f32 v9, v16  }
0xbc: {  	v15 =	vand.u32 $0xFFFF0000, v8;
	v3 =	vmul.f32 v12, v3;
	v4 =	vadd.f32 v4, v6  }
0xbd: {  	v6 =	vshll.u32 v8, $0x10;
	v8 =	vmul.f32 v15, v11;
	v5 =	vadd.f32 v9, v5  }
0xbe: {  	v9 =	vand.u32 $0xFFFF0000, v10;
	v3 =	vadd.f32 v4, v3;
	v4 =	vmul.f32 v6, v11  }
0xbf: {  	v6 =	vshll.u32 v10, $0x10;
	v5 =	vadd.f32 v5, v8;
	v8 =	vmul.f32 v9, v14  }
0xc0: {  	v9 =	vand.u32 $0xFFFF0000, v7;
	v3 =	vadd.f32 v3, v4;
	v4 =	vmul.f32 v6, v14  }
0xc1: {  	s13 =	sshll.u32 s12, $0x1;
	v6 =	vshll.u32 v7, $0x10;
	v7 =	vmul.f32 v9, v13;
	v5 =	vadd.f32 v5, v8  }
0xc2: {  	s11 =	smin.u32 s13, $0xD;
	v6 =	vmul.f32 v6, v13;
	v3 =	vadd.f32 v3, v4  }
0xc3: {  	s11 =	sshll.u32 s11, $0xC;
	v4 =	vadd.f32 v5, v7  }
0xc4: {  	s11 =	sadd.s32 s11, s14;
	v3 =	vadd.f32 v3, v6  }
0xc5: {  	s11 =	sshrl.u32 s11, $0x3;
	[tilespmem:s6+$0x18000] =	vst v4  }
0xc6: {  	s21 =	simm.s32 $0x0;
	s20 =	sshll.u32 s12, $0xD;
	s30 =	sadd.s32 s3, s11;
	[tilespmem:s6+$0x16000] =	vst v3  }
0xc7: {  	[tilespmem:s22], [sflag:$0x1] =	stream.linear.gather [hbm4b:s30+s21], $0x1000, $0x38;
	[tilespmem:$0x1A000] =	vst v63  }
0xc8: {  	s20 =	sor.u32 s8, s20;
	s6 =	sadd.s32 $0x8000, s30  }
0xc9: {  	[tilespmem:s23], [sflag:$0x1] =	stream.linear.gather [hbm4b:s6+s21], $0x1000, $0x38;
	[tilespmem:$0x1A000] =	vst v63  }
0xca: {  	s6 =	sor.u32 s15, s20  }
0xcb: {  	s11 =	sadd.s32 s11, s7;
	s6 =	sshrl.u32 s6, $0x3  }
0xcc: {  	[tilespmem:s24], [sflag:$0x1] =	stream.linear.gather [hbm4b:s11+s21], $0x1000, $0x38;
	[tilespmem:$0x1A000] =	vst v63  }
0xcd: {  	s30 =	simm.s32 $0x16000;
	s6 =	sadd.s32 s4, s6  }
0xce: {  	[hbm4b:s6+s21] =	stream.linear.scatter [tilespmem:s30], [sflag:$0x3], $0x1000, $0x38;
	[tilespmem:$0x1A000] =	vst v63  }
0xcf: {  	s30 =	sor.u32 s17, s20  }
0xd0: {  	s6 =	sshrl.u32 s30, $0x3  }
0xd1: {  	s6 =	sadd.s32 s4, s6  }
0xd2: {  	[hbm4b:s6+s21] =	stream.linear.scatter [tilespmem:s31], [sflag:$0x3], $0x1000, $0x38;
	[tilespmem:$0x1A000] =	vst v63  }
0xd3: {  	_ =	swait.ge [sflag:s0], $0x1000  }
0xd4: {  	[sflag:s0] =	ssyncset.done $0x0  }
0xd5: {  	[sflag:s0] =	ssyncadd.s32 $0xFFFFF000  }
0xd6: {  	_ =	swait.ge [sflag:s0], $0x1000  }
0xd7: {  	[sflag:s0] =	ssyncset.done $0x0  }
0xd8: {  	[sflag:s0] =	ssyncadd.s32 $0xFFFFF000  }
0xd9: {  	_ =	swait.ge [sflag:s0], $0x1000  }
0xda: {  	[sflag:s0] =	ssyncset.done $0x0  }
0xdb: {  	s21 =	simm.s32 $0x0;
	[sflag:s0] =	ssyncadd.s32 $0xFFFFF000  }
0xdc: {  	v3 =	vld [tilespmem:s21+$0x13000]  }
0xdd: {  	v5 =	vld [tilespmem:s21+$0x14000]  }
0xde: {  	v4 =	vld [tilespmem:s21+$0x15000];
	_ =	sdelay $0x2  }
0xdf: {  	v3 =	vmul.f32 v3, v0  }
0xe0: {  	v5 =	vmul.f32 v5, v0  }
0xe1: {  	v4 =	vmul.f32 v4, v0;
	v6 =	vtrunc.f32 v3  }
0xe2: {  	v9 =	vtrunc.f32 v5;
	v6 =	vcvt.f32.s32 v6  }
0xe3: {  	v7 =	vtrunc.f32 v4;
	v9 =	vcvt.f32.s32 v9  }
0xe4: {  	v7 =	vcvt.f32.s32 v7;
	v8 =	vcvt.s32.f32 v6;
	v10 =	vadd.s32 $0x1, v6  }
0xe5: {  	v11 =	vadd.s32 $0x1, v9;
	v12 =	vcvt.s32.f32 v9;
	v9 =	vmul.u32 $0x9E3779B1, v9  }
0xe6: {  	v13 =	vmul.u32 $0x30025795, v7;
	vm11 =	vlt.s32 v11, v1;
	vm12 =	vlt.s32 v10, v1  }
0xe7: {  	v3 =	vsub.f32 v3, v8;
	v8 =	vadd.s32 $0x1, v7;
	v11 =	vsel vm11, v11, v1  }
0xe8: {  	v5 =	vsub.f32 v5, v12;
	v14 =	vxor.u32 v9, v13;
	v10 =	vsel vm12, v10, v1  }
0xe9: {  	vm0 =	vlt.s32 v8, v1;
	v11 =	vmul.u32 $0x9E3779B1, v11;
	v16 =	vxor.u32 v6, v14  }
0xea: {  	s6 =	simm.s32 $0x10;
	v8 =	vsel vm0, v8, v1;
	v12 =	vsub.f32 $1.000000000e+00, v3;
	v15 =	vsub.f32 $1.000000000e+00, v5  }
0xeb: {  	v17 =	vld [tilespmem:s6+$0x13000];
	v7 =	vcvt.s32.f32 v7;
	v16 =	vand.u32 $0xFFFF, v16;
	v8 =	vmul.u32 $0x30025795, v8  }
0xec: {  	v19 =	vld [tilespmem:s6+$0x14000];
	v13 =	vxor.u32 v13, v11;
	v18 =	vmul.f32 v5, v12;
	v12 =	vmul.f32 v15, v12  }
0xed: {  	v21 =	vld [tilespmem:s6+$0x15000];
	v20 =	vxor.u32 v10, v13;
	v15 =	vmul.f32 v15, v3;
	v13 =	vxor.u32 v6, v13  }
0xee: {  	v5 =	vmul.f32 v5, v3;
	v9 =	vxor.u32 v9, v8;
	v3 =	vxor.u32 v11, v8  }
0xef: {  	v8 =	vxor.u32 v10, v14;
	v14 =	vsub.f32 v4, v7;
	v13 =	vand.u32 $0xFFFF, v13  }
0xf0: {  	v11 =	vxor.u32 v6, v9;
	v22 =	vxor.u32 v6, v3;
	v9 =	vxor.u32 v10, v9  }
0xf1: {  	v3 =	vxor.u32 v10, v3;
	v10 =	vmul.f32 v17, v0;
	v7 =	vsub.f32 $1.000000000e+00, v14  }
0xf2: {  	v17 =	vmul.f32 v19, v0;
	v29 =	vand.u32 $0xFFFF, v3;
	v3 =	vmul.f32 v21, v0  }
0xf3: {  	v19 =	vand.u32 $0xFFFF, v20;
	v4 =	vtrunc.f32 v10;
	v20 =	vmul.f32 v7, v12  }
0xf4: {  	v8 =	vand.u32 $0xFFFF, v8;
	v21 =	vmul.f32 v7, v18;
	v31 =	vcvt.f32.s32 v4  }
0xf5: {  	v16 =	vld.idx.msk [tilespmem:v16+s2+$0x0], $0xffff;
	v9 =	vand.u32 $0xFFFF, v9;
	v6 =	vtrunc.f32 v3;
	v4 =	vmul.f32 v14, v18  }
0xf6: {  	v24 =	vmul.f32 v7, v5;
	v26 =	vmul.f32 v7, v15  }
0xf7: {  	v11 =	vand.u32 $0xFFFF, v11;
	v5 =	vmul.f32 v14, v5;
	v6 =	vcvt.f32.s32 v6;
	v13 =	vld.idx.msk [tilespmem:v13+s2+$0x0], $0xffff  }
0xf8: {  	v12 =	vmul.f32 v12, v14;
	v18 =	vcvt.s32.f32 v31;
	v23 =	vadd.s32 $0x1, v31;
	v19 =	vld.idx.msk [tilespmem:v19+s2+$0x0], $0xffff  }
0xf9: {  	v27 =	vld.idx.msk [tilespmem:v8+s2+$0x0], $0xffff;
	v8 =	vtrunc.f32 v17;
	vm13 =	vlt.s32 v23, v1;
	v32 =	vmul.u32 $0x30025795, v6  }
0xfa: {  	v36 =	vld.idx.msk [tilespmem:v9+s2+$0x0], $0xffff;
	v9 =	vshll.u32 v16, $0x10;
	v28 =	vsub.f32 v10, v18;
	v7 =	vsel vm13, v23, v1  }
0xfb: {  	v18 =	vand.u32 $0xFFFF, v22;
	v22 =	vcvt.f32.s32 v8;
	v8 =	vadd.s32 $0x1, v6  }
0xfc: {  	v10 =	vmul.f32 v15, v14;
	v9 =	vmul.f32 v9, v20;
	vm14 =	vlt.s32 v8, v1  }
0xfd: {  	v30 =	vsub.f32 $1.000000000e+00, v28;
	v23 =	vmul.u32 $0x9E3779B1, v22;
	v8 =	vsel vm14, v8, v1  }
0xfe: {  	v14 =	vshll.u32 v19, $0x10;
	v19 =	vand.u32 $0xFFFF0000, v19;
	v33 =	vmul.u32 $0x30025795, v8  }
0xff: {  	v34 =	vxor.u32 v23, v32;
	v15 =	vmul.f32 v14, v24;
	v14 =	vshll.u32 v13, $0x10  }
0x100: {  	v24 =	vmul.f32 v19, v24;
	v19 =	vld.idx.msk [tilespmem:v11+s2+$0x0], $0xffff;
	v11 =	vand.u32 $0xFFFF0000, v16;
	v13 =	vand.u32 $0xFFFF0000, v13  }
0x101: {  	v35 =	vld.idx.msk [tilespmem:v18+s2+$0x0], $0xffff;
	v8 =	vxor.u32 v31, v34;
	v18 =	vand.u32 $0xFFFF0000, v27;
	v11 =	vmul.f32 v11, v20  }
0x102: {  	v37 =	vmul.f32 v14, v21;
	v14 =	vadd.s32 $0x1, v22;
	v13 =	vmul.f32 v13, v21  }
0x103: {  	v16 =	vmul.f32 v18, v26;
	vm15 =	vlt.s32 v14, v1;
	v11 =	vadd.f32 $0.0e+00, v11  }
0x104: {  	v20 =	vcvt.s32.f32 v22;
	v22 =	vxor.u32 v23, v33;
	v14 =	vsel vm15, v14, v1  }
0x105: {  	v23 =	vshll.u32 v36, $0x10;
	v38 =	vmul.u32 $0x9E3779B1, v14;
	v11 =	vadd.f32 v11, v16  }
0x106: {  	v16 =	vsub.f32 v17, v20;
	v17 =	vadd.f32 $0.0e+00, v9;
	v9 =	vshll.u32 v27, $0x10  }
0x107: {  	v25 =	vshll.u32 v19, $0x10;
	v18 =	vshll.u32 v35, $0x10;
	v26 =	vmul.f32 v9, v26  }
0x108: {  	v11 =	vadd.f32 v11, v13;
	v13 =	vxor.u32 v32, v38;
	v21 =	vsub.f32 $1.000000000e+00, v16  }
0x109: {  	v29 =	vld.idx.msk [tilespmem:v29+s2+$0x0], $0xffff;
	v14 =	vmul.f32 v16, v30;
	v20 =	vxor.u32 v7, v13;
	v63 =	vadd.f32 v17, v26  }
0x10a: {  	v26 =	vxor.u32 v38, v33;
	v17 =	vxor.u32 v31, v22;
	v27 =	vadd.f32 v11, v24  }
0x10b: {  	v9 =	vmul.f32 v21, v30;
	v11 =	vmul.f32 v21, v28;
	v21 =	vxor.u32 v31, v13  }
0x10c: {  	v13 =	vmul.f32 v16, v28;
	v28 =	vand.u32 $0xFFFF0000, v35;
	v24 =	vxor.u32 v7, v34  }
0x10d: {  	s11 =	simm.s32 $0x80;
	v30 =	vand.u32 $0xFFFF0000, v36;
	v16 =	vxor.u32 v31, v26;
	v31 =	vadd.f32 v63, v37  }
.LBB2_10:
0x10e: {  	s30 =	sshra.s32 s11, $0x2;
	p1 =	sne.s32 s11, $0x3FC0;
	s11 =	sadd.s32 $0x40, s11;
	v22 =	vxor.u32 v7, v22;
	v19 =	vand.u32 $0xFFFF0000, v19;
	v32 =	vshll.u32 v29, $0x10  }
0x10f: {  	v6 =	vcvt.s32.f32 v6;
	v25 =	vmul.f32 v25, v12;
	v33 =	vld [tilespmem:s30+$0x13000];
	v15 =	vadd.f32 v31, v15  }
0x110: {  	v7 =	vxor.u32 v7, v26;
	v12 =	vmul.f32 v19, v12;
	v19 =	vand.u32 $0xFFFF0000, v29;
	v31 =	vld [tilespmem:s30+$0x14000]  }
0x111: {  	v29 =	vand.u32 $0xFFFF, v7;
	v26 =	vld [tilespmem:s30+$0x15000];
	v7 =	vadd.f32 v15, v25;
	v15 =	vmul.f32 v23, v10  }
0x112: {  	v23 =	vsub.f32 v3, v6;
	v3 =	vadd.f32 v27, v12;
	v6 =	vmul.f32 v30, v10  }
0x113: {  	v10 =	vmul.f32 v32, v5;
	v5 =	vmul.f32 v19, v5;
	v7 =	vadd.f32 v7, v15  }
0x114: {  	v3 =	vadd.f32 v3, v6;
	v6 =	vmul.f32 v18, v4;
	v4 =	vmul.f32 v28, v4  }
0x115: {  	v12 =	vsub.f32 $1.000000000e+00, v23;
	v15 =	vand.u32 $0xFFFF, v20;
	v27 =	vmul.f32 v31, v0  }
0x116: {  	v18 =	vmul.f32 v33, v0;
	v6 =	vadd.f32 v7, v6;
	v4 =	vadd.f32 v3, v4  }
0x117: {  	v20 =	vmul.f32 v12, v9;
	v7 =	vand.u32 $0xFFFF, v24;
	v3 =	vmul.f32 v26, v0  }
0x118: {  	v24 =	vmul.f32 v12, v14;
	v19 =	vtrunc.f32 v18;
	v5 =	vadd.f32 v4, v5  }
0x119: {  	v31 =	vcvt.f32.s32 v19;
	v19 =	vand.u32 $0xFFFF, v21;
	v6 =	vadd.f32 v6, v10  }
0x11a: {  	v8 =	vand.u32 $0xFFFF, v8;
	v4 =	vmul.f32 v23, v14;
	v10 =	vtrunc.f32 v3;
	[tilespmem:s21+$0x19000] =	vst v5  }
0x11b: {  	v21 =	vmul.f32 v12, v13;
	v14 =	vadd.s32 $0x1, v31;
	v5 =	vcvt.s32.f32 v31;
	[tilespmem:s21+$0x17000] =	vst v6;
	s21 =	smov.u32 s6;
	s6 =	smov.u32 s30  }
0x11c: {  	v26 =	vmul.f32 v12, v11;
	vm0 =	vlt.s32 v14, v1;
	v6 =	vcvt.f32.s32 v10;
	v15 =	vld.idx.msk [tilespmem:v15+s2+$0x0], $0xffff  }
0x11d: {  	v17 =	vand.u32 $0xFFFF, v17;
	v28 =	vsub.f32 v18, v5;
	v5 =	vmul.f32 v23, v13;
	v30 =	vld.idx.msk [tilespmem:v7+s2+$0x0], $0xffff  }
0x11e: {  	v10 =	vtrunc.f32 v27;
	v7 =	vsel vm0, v14, v1;
	v14 =	vand.u32 $0xFFFF, v16;
	v13 =	vld.idx.msk [tilespmem:v19+s2+$0x0], $0xffff  }
0x11f: {  	v16 =	vcvt.f32.s32 v10;
	v18 =	vadd.s32 $0x1, v6;
	v32 =	vsub.f32 $1.000000000e+00, v28;
	v25 =	vld.idx.msk [tilespmem:v8+s2+$0x0], $0xffff  }
0x120: {  	v22 =	vand.u32 $0xFFFF, v22;
	v10 =	vmul.f32 v11, v23;
	vm0 =	vlt.s32 v18, v1  }
0x121: {  	v12 =	vmul.f32 v9, v23;
	v33 =	vmul.u32 $0x30025795, v6;
	v11 =	vmul.u32 $0x9E3779B1, v16  }
0x122: {  	v8 =	vsel vm0, v18, v1;
	v9 =	vshll.u32 v15, $0x10;
	v18 =	vand.u32 $0xFFFF0000, v15  }
0x123: {  	v34 =	vmul.u32 $0x30025795, v8;
	v35 =	vxor.u32 v11, v33;
	v15 =	vmul.f32 v9, v21;
	v36 =	vld.idx.msk [tilespmem:v14+s2+$0x0], $0xffff  }
0x124: {  	v8 =	vxor.u32 v31, v35;
	v21 =	vmul.f32 v18, v21;
	v9 =	vshll.u32 v13, $0x10;
	v19 =	vld.idx.msk [tilespmem:v17+s2+$0x0], $0xffff  }
0x125: {  	v13 =	vand.u32 $0xFFFF0000, v13;
	v14 =	vand.u32 $0xFFFF0000, v25;
	v17 =	vand.u32 $0xFFFF0000, v30;
	v37 =	vld.idx.msk [tilespmem:v22+s2+$0x0], $0xffff  }
0x126: {  	v18 =	vshll.u32 v25, $0x10;
	v38 =	vmul.f32 v9, v24;
	v14 =	vmul.f32 v14, v20  }
0x127: {  	v9 =	vadd.s32 $0x1, v16;
	v13 =	vmul.f32 v13, v24;
	v17 =	vmul.f32 v17, v26  }
0x128: {  	vm0 =	vlt.s32 v9, v1;
	v20 =	vmul.f32 v18, v20;
	v14 =	vadd.f32 $0.0e+00, v14  }
0x129: {  	v16 =	vcvt.s32.f32 v16;
	v9 =	vsel vm0, v9, v1;
	v18 =	vshll.u32 v36, $0x10  }
0x12a: {  	v24 =	vmul.u32 $0x9E3779B1, v9;
	v9 =	vadd.f32 v14, v17;
	v25 =	vshll.u32 v19, $0x10  }
0x12b: {  	v22 =	vxor.u32 v11, v34;
	v16 =	vsub.f32 v27, v16;
	v23 =	vshll.u32 v37, $0x10  }
0x12c: {  	v11 =	vshll.u32 v30, $0x10;
	v17 =	vadd.f32 $0.0e+00, v20;
	v9 =	vadd.f32 v9, v13  }
0x12d: {  	v30 =	vsub.f32 $1.000000000e+00, v16;
	v14 =	vmul.f32 v16, v32;
	v13 =	vxor.u32 v33, v24;
	v29 =	vld.idx.msk [tilespmem:v29+s2+$0x0], $0xffff  }
.Ltmp4:
0x12e: {  	v26 =	vmul.f32 v11, v26;
	v20 =	vxor.u32 v7, v13;
	v27 =	vadd.f32 v9, v21;
	(pc) =	sbr.rel @p1 .LBB2_10-.Ltmp4, $4  }
0x12f: {  	v11 =	vmul.f32 v30, v28;
	v9 =	vmul.f32 v30, v32;
	v21 =	vxor.u32 v31, v13  }
0x130: {  	v13 =	vmul.f32 v16, v28;
	v32 =	vadd.f32 v17, v26;
	v28 =	vand.u32 $0xFFFF0000, v36  }
0x131: {  	v26 =	vxor.u32 v24, v34;
	v24 =	vxor.u32 v7, v35;
	v30 =	vand.u32 $0xFFFF0000, v37  }
0x132: {  	v17 =	vxor.u32 v31, v22;
	v16 =	vxor.u32 v31, v26;
	v31 =	vadd.f32 v32, v38  }
0x133: {  	v19 =	vand.u32 $0xFFFF0000, v19  }
0x134: {  	v19 =	vmul.f32 v19, v12  }
0x135: {  	v55 =	vmul.f32 v25, v12;
	v15 =	vadd.f32 v31, v15  }
0x136: {  	v56 =	vmul.f32 v30, v10;
	v19 =	vadd.f32 v27, v19  }
0x137: {  	v57 =	vmul.f32 v23, v10;
	v12 =	vadd.f32 v15, v55  }
0x138: {  	v59 =	vmul.f32 v28, v4;
	v58 =	vadd.f32 v19, v56  }
0x139: {  	v60 =	vand.u32 $0xFFFF0000, v29;
	v61 =	vmul.f32 v18, v4;
	v10 =	vadd.f32 v12, v57  }
0x13a: {  	v62 =	vshll.u32 v29, $0x10;
	v63 =	vmul.f32 v60, v5;
	v15 =	vadd.f32 v58, v59  }
0x13b: {  	v8 =	vand.u32 $0xFFFF, v8;
	v23 =	vmul.f32 v62, v5;
	v4 =	vadd.f32 v10, v61  }
0x13c: {  	v25 =	vadd.f32 v15, v63  }
0x13d: {  	v27 =	vand.u32 $0xFFFF, v24;
	v4 =	vadd.f32 v4, v23  }
0x13e: {  	v6 =	vcvt.s32.f32 v6;
	[tilespmem:s21+$0x19000] =	vst v25  }
0x13f: {  	v28 =	vand.u32 $0xFFFF, v21;
	[tilespmem:s21+$0x17000] =	vst v4  }
0x140: {  	v3 =	vsub.f32 v3, v6;
	v30 =	vld.idx.msk [tilespmem:v8+s2+$0x0], $0xffff  }
0x141: {  	v32 =	vand.u32 $0xFFFF, v20;
	v33 =	vxor.u32 v7, v26;
	v17 =	vand.u32 $0xFFFF, v17  }
0x142: {  	v16 =	vand.u32 $0xFFFF, v16;
	v29 =	vsub.f32 $1.000000000e+00, v3;
	v36 =	vmul.f32 v3, v14;
	v12 =	vld.idx.msk [tilespmem:v27+s2+$0x0], $0xffff  }
0x143: {  	v31 =	vxor.u32 v7, v22;
	v38 =	vmul.f32 v3, v13;
	v40 =	vmul.f32 v11, v3  }
0x144: {  	v7 =	vand.u32 $0xFFFF, v33;
	v3 =	vmul.f32 v9, v3;
	v34 =	vmul.f32 v29, v9;
	v5 =	vld.idx.msk [tilespmem:v28+s2+$0x0], $0xffff  }
0x145: {  	v35 =	vmul.f32 v29, v14;
	v8 =	vand.u32 $0xFFFF, v31;
	v39 =	vand.u32 $0xFFFF0000, v30  }
0x146: {  	v4 =	vmul.f32 v29, v11;
	v10 =	vld.idx.msk [tilespmem:v32+s2+$0x0], $0xffff;
	v6 =	vshll.u32 v30, $0x10;
	v20 =	vmul.f32 v39, v34  }
0x147: {  	v37 =	vmul.f32 v29, v13;
	v41 =	vand.u32 $0xFFFF0000, v12;
	v6 =	vmul.f32 v6, v34  }
0x148: {  	v42 =	vld.idx.msk [tilespmem:v17+s2+$0x0], $0xffff;
	v12 =	vshll.u32 v12, $0x10;
	v9 =	vmul.f32 v41, v4;
	v43 =	vadd.f32 $0.0e+00, v20  }
0x149: {  	v44 =	vand.u32 $0xFFFF0000, v5;
	v4 =	vmul.f32 v12, v4;
	v6 =	vadd.f32 $0.0e+00, v6  }
0x14a: {  	v5 =	vshll.u32 v5, $0x10;
	v8 =	vld.idx.msk [tilespmem:v8+s2+$0x0], $0xffff;
	v45 =	vmul.f32 v44, v35;
	v9 =	vadd.f32 v43, v9  }
0x14b: {  	v46 =	vand.u32 $0xFFFF0000, v10;
	v5 =	vmul.f32 v5, v35;
	v4 =	vadd.f32 v6, v4  }
0x14c: {  	v48 =	vld.idx.msk [tilespmem:v16+s2+$0x0], $0xffff;
	v47 =	vshll.u32 v10, $0x10;
	v49 =	vmul.f32 v46, v37;
	v9 =	vadd.f32 v9, v45  }
0x14d: {  	v50 =	vand.u32 $0xFFFF0000, v42;
	v6 =	vmul.f32 v47, v37;
	v4 =	vadd.f32 v4, v5  }
0x14e: {  	v7 =	vld.idx.msk [tilespmem:v7+s2+$0x0], $0xffff;
	v51 =	vshll.u32 v42, $0x10;
	v5 =	vmul.f32 v50, v3;
	v9 =	vadd.f32 v9, v49  }
0x14f: {  	v52 =	vand.u32 $0xFFFF0000, v8;
	v3 =	vmul.f32 v51, v3;
	v4 =	vadd.f32 v4, v6  }
0x150: {  	v53 =	vshll.u32 v8, $0x10;
	v54 =	vmul.f32 v52, v40;
	v5 =	vadd.f32 v9, v5  }
0x151: {  	v55 =	vand.u32 $0xFFFF0000, v48;
	v56 =	vmul.f32 v53, v40;
	v3 =	vadd.f32 v4, v3  }
0x152: {  	v57 =	vshll.u32 v48, $0x10;
	v58 =	vmul.f32 v55, v36;
	v5 =	vadd.f32 v5, v54  }
0x153: {  	v59 =	vand.u32 $0xFFFF0000, v7;
	v60 =	vmul.f32 v57, v36;
	v3 =	vadd.f32 v3, v56  }
0x154: {  	v61 =	vshll.u32 v7, $0x10;
	v62 =	vmul.f32 v59, v38;
	v5 =	vadd.f32 v5, v58  }
0x155: {  	s11 =	smin.u32 s13, $0xC;
	v6 =	vmul.f32 v61, v38;
	v3 =	vadd.f32 v3, v60  }
0x156: {  	s11 =	sshll.u32 s11, $0xC;
	v63 =	vadd.f32 v5, v62  }
0x157: {  	s11 =	sadd.s32 s11, s18;
	v3 =	vadd.f32 v3, v6  }
0x158: {  	s11 =	sshrl.u32 s11, $0x3;
	[tilespmem:s6+$0x19000] =	vst v63  }
0x159: {  	s30 =	sadd.s32 s3, s11;
	s21 =	sor.u32 $0x1000, s20;
	[tilespmem:s6+$0x17000] =	vst v3  }
0x15a: {  	[tilespmem:s25], [sflag:$0x2] =	stream.linear.gather [hbm4b:s30+s2], $0x1000, $0x38;
	[tilespmem:$0x1A000] =	vst v63  }
0x15b: {  	s6 =	sadd.s32 $0x8000, s30;
	s30 =	sor.u32 s15, s21  }
0x15c: {  	[tilespmem:s26], [sflag:$0x2] =	stream.linear.gather [hbm4b:s6+s2], $0x1000, $0x38;
	[tilespmem:$0x1A000] =	vst v63  }
0x15d: {  	s13 =	sadd.s32 s11, s7;
	s11 =	sshrl.u32 s30, $0x3;
	s6 =	sor.u32 s17, s21  }
0x15e: {  	[tilespmem:s28], [sflag:$0x2] =	stream.linear.gather [hbm4b:s13+s2], $0x1000, $0x38;
	[tilespmem:$0x1A000] =	vst v63  }
0x15f: {  	s11 =	sadd.s32 s4, s11;
	s6 =	sshrl.u32 s6, $0x3  }
0x160: {  	[hbm4b:s11+s2] =	stream.linear.scatter [tilespmem:s1], [sflag:$0x4], $0x1000, $0x38;
	[tilespmem:$0x1A000] =	vst v63  }
0x161: {  	s6 =	sadd.s32 s4, s6  }
0x162: {  	[hbm4b:s6+s2] =	stream.linear.scatter [tilespmem:s5], [sflag:$0x4], $0x1000, $0x38;
	[tilespmem:$0x1A000] =	vst v63  }
0x163: {  	_ =	swait.ge [sflag:s9], $0x1000  }
0x164: {  	[sflag:s9] =	ssyncset.done $0x0  }
0x165: {  	[sflag:s9] =	ssyncadd.s32 $0xFFFFF000  }
0x166: {  	_ =	swait.ge [sflag:s9], $0x1000  }
0x167: {  	[sflag:s9] =	ssyncset.done $0x0  }
0x168: {  	s12 =	sadd.s32 $0x1, s12;
	[sflag:s9] =	ssyncadd.s32 $0xFFFFF000  }
0x169: {  	p1 =	sne.s32 s12, $0x8;
	_ =	swait.ge [sflag:s10], $0x1000  }
.Ltmp5:
0x16a: {  	[sflag:s10] =	ssyncset.done $0x0;
	(pc) =	sbr.rel @p1 .LBB2_7-.Ltmp5, $4  }
.Ltmp6:
0x16b: {  	[sflag:s10] =	ssyncadd.s32 $0xFFFFF000;
	(pc) =	sbr.rel @!p1 .LBB2_12-.Ltmp6, $4  }
0x16c: {  	_ =	swait.ge [sflag:s10], $0x1000  }
0x16d: {  	[sflag:s10] =	ssyncset.done $0x0  }
0x16e: {  	[sflag:s10] =	ssyncadd.s32 $0xFFFFF000  }
0x16f: {  	_ = 	snop  }
.LBB2_2:
0x170: {  	_ =	swait.ge [sflag:s29], $0x1000  }
0x171: {  	[sflag:s29] =	ssyncset.done $0x0  }
0x172: {  	[sflag:s29] =	ssyncadd.s32 $0xFFFFF000  }
0x173: {  	_ =	swait.ge [sflag:s29], $0x1000  }
0x174: {  	[sflag:s29] =	ssyncset.done $0x0  }
0x175: {  	[sflag:s29] =	ssyncadd.s32 $0xFFFFF000  }
0x176: {  	_ =	swait.ge [sflag:s29], $0x1000  }
0x177: {  	[sflag:s29] =	ssyncset.done $0x0  }
0x178: {  	s6 =	simm.s32 $0x0;
	[sflag:s29] =	ssyncadd.s32 $0xFFFFF000  }
0x179: {  	v3 =	vld [tilespmem:s6+$0x11000]  }
0x17a: {  	v4 =	vld [tilespmem:s6+$0x12000]  }
0x17b: {  	v5 =	vld [tilespmem:s6+$0x10000];
	_ =	sdelay $0x1  }
0x17c: {  	s20 =	simm.s32 $0x10  }
0x17d: {  	v6 =	vld [tilespmem:s20+$0x11000]  }
0x17e: {  	v7 =	vmul.f32 v3, v0;
	v11 =	vmul.f32 v4, v0  }
0x17f: {  	v12 =	vmul.f32 v5, v0  }
0x180: {  	v3 =	vtrunc.f32 v7;
	v4 =	vtrunc.f32 v11  }
0x181: {  	v10 =	vcvt.f32.s32 v3;
	v13 =	vcvt.f32.s32 v4  }
0x182: {  	v6 =	vmul.f32 v6, v0;
	v3 =	vtrunc.f32 v12  }
0x183: {  	v16 =	vld [tilespmem:s20+$0x12000];
	v14 =	vcvt.f32.s32 v3;
	v3 =	vadd.s32 $0x1, v10;
	v4 =	vadd.s32 $0x1, v13  }
0x184: {  	v5 =	vld [tilespmem:s20+$0x10000];
	v8 =	vmul.u32 v13, v2;
	v13 =	vcvt.s32.f32 v13;
	vm0 =	vlt.s32 v4, v1  }
0x185: {  	vm1 =	vlt.s32 v3, v1;
	v9 =	vadd.s32 $0x1, v14;
	v4 =	vsel vm0, v4, v1  }
0x186: {  	v3 =	vsel vm1, v3, v1;
	vm13 =	vlt.s32 v9, v1;
	v4 =	vmul.u32 v2, v4  }
0x187: {  	v15 =	vadd.s32 v8, v3;
	v17 =	vsel vm13, v9, v1;
	v8 =	vadd.s32 v10, v8  }
0x188: {  	v15 =	vmul.u32 v2, v15;
	v20 =	vmul.u32 v2, v8;
	v9 =	vadd.s32 v10, v4  }
0x189: {  	v3 =	vadd.s32 v3, v4;
	v4 =	vmul.f32 v5, v0;
	v5 =	vmul.f32 v16, v0  }
0x18a: {  	v9 =	vmul.u32 v2, v9;
	v19 =	vadd.s32 v14, v15;
	v21 =	vadd.s32 v17, v15  }
0x18b: {  	v15 =	vmul.u32 v2, v3;
	v3 =	vtrunc.f32 v4;
	v18 =	vtrunc.f32 v5  }
0x18c: {  	v22 =	vadd.s32 v14, v9;
	v16 =	vadd.s32 v17, v9;
	v9 =	vtrunc.f32 v6  }
0x18d: {  	v23 =	vadd.s32 v14, v15;
	v3 =	vcvt.f32.s32 v3;
	v8 =	vcvt.f32.s32 v18  }
0x18e: {  	v24 =	vadd.s32 v17, v15;
	v15 =	vcvt.s32.f32 v14;
	v18 =	vcvt.s32.f32 v10  }
0x18f: {  	v14 =	vadd.s32 v14, v20;
	v17 =	vadd.s32 v17, v20;
	v9 =	vcvt.f32.s32 v9  }
0x190: {  	v25 =	vadd.s32 $0x1, v3;
	v27 =	vadd.s32 $0x1, v8;
	v20 =	vsub.f32 v12, v15  }
0x191: {  	v15 =	vsub.f32 v7, v18;
	v26 =	vadd.s32 $0x1, v9;
	vm14 =	vlt.s32 v27, v1  }
0x192: {  	vm15 =	vlt.s32 v25, v1;
	vm2 =	vlt.s32 v26, v1;
	v12 =	vsel vm14, v27, v1  }
0x193: {  	v27 =	vsub.f32 v11, v13;
	v13 =	vsub.f32 $1.000000000e+00, v20;
	v18 =	vmul.f32 v15, v20  }
0x194: {  	v7 =	vsel vm15, v25, v1;
	v25 =	vsub.f32 $1.000000000e+00, v15;
	v14 =	vld.idx.msk [tilespmem:v14+s2+$0x0], $0xffff;
	v11 =	vsel vm2, v26, v1  }
0x195: {  	v17 =	vld.idx.msk [tilespmem:v17+s2+$0x0], $0xffff;
	v26 =	vmul.f32 v15, v13;
	v28 =	vsub.f32 $1.000000000e+00, v27;
	v15 =	vmul.f32 v27, v18  }
0x196: {  	v10 =	vmul.u32 v8, v2;
	v30 =	vmul.f32 v25, v13;
	v25 =	vmul.f32 v25, v20  }
0x197: {  	v19 =	vld.idx.msk [tilespmem:v19+s2+$0x0], $0xffff;
	v12 =	vmul.u32 v2, v12;
	v59 =	vmul.f32 v28, v18;
	v18 =	vmul.f32 v27, v26  }
0x198: {  	v29 =	vadd.s32 v10, v11;
	v32 =	vmul.f32 v28, v30;
	v20 =	vmul.f32 v25, v27  }
0x199: {  	v31 =	vadd.s32 v9, v12;
	v25 =	vmul.f32 v28, v25;
	v26 =	vmul.f32 v28, v26  }
0x19a: {  	v33 =	vshll.u32 v14, $0x10;
	v34 =	vand.u32 $0xFFFF0000, v14;
	v61 =	vshll.u32 v17, $0x10  }
0x19b: {  	v35 =	vld.idx.msk [tilespmem:v21+s2+$0x0], $0xffff;
	v17 =	vand.u32 $0xFFFF0000, v17;
	v21 =	vmul.f32 v33, v32;
	v60 =	vmul.f32 v34, v32  }
0x19c: {  	v63 =	vand.u32 $0xFFFF0000, v19;
	v14 =	vmul.u32 v2, v31;
	v17 =	vmul.f32 v17, v25  }
0x19d: {  	v62 =	vld.idx.msk [tilespmem:v22+s2+$0x0], $0xffff;
	v25 =	vmul.f32 v61, v25;
	v22 =	vadd.f32 $0.0e+00, v21;
	v31 =	vadd.f32 $0.0e+00, v60  }
0x19e: {  	v19 =	vshll.u32 v19, $0x10;
	v21 =	vmul.f32 v30, v27;
	v27 =	vmul.f32 v63, v26  }
0x19f: {  	v17 =	vadd.f32 v31, v17;
	v22 =	vadd.f32 v22, v25;
	v25 =	vmul.f32 v19, v26;
	v19 =	vld.idx.msk [tilespmem:v16+s2+$0x0], $0xffff  }
0x1a0: {  	v13 =	vmul.u32 v2, v29;
	v26 =	vand.u32 $0xFFFF0000, v35  }
0x1a1: {  	v16 =	vshll.u32 v35, $0x10;
	v26 =	vmul.f32 v26, v59;
	v27 =	vadd.f32 v17, v27;
	v17 =	vld.idx.msk [tilespmem:v23+s2+$0x0], $0xffff  }
0x1a2: {  	v22 =	vadd.f32 v22, v25;
	v23 =	vmul.f32 v16, v59;
	v25 =	vand.u32 $0xFFFF0000, v62  }
0x1a3: {  	s11 =	simm.s32 $0x80;
	v16 =	vld.idx.msk [tilespmem:v24+s2+$0x0], $0xffff;
	v25 =	vmul.f32 v25, v21;
	v24 =	vadd.f32 v27, v26;
	v26 =	vshll.u32 v62, $0x10  }
.LBB2_3:
0x1a4: {  	p1 =	sne.s32 s11, $0x3FC0;
	v22 =	vadd.f32 v22, v23;
	v21 =	vmul.f32 v26, v21;
	v23 =	vand.u32 $0xFFFF0000, v19  }
0x1a5: {  	v19 =	vshll.u32 v19, $0x10;
	v24 =	vadd.f32 v24, v25;
	v23 =	vmul.f32 v23, v20  }
0x1a6: {  	s12 =	sshra.s32 s11, $0x2;
	v19 =	vmul.f32 v19, v20;
	v20 =	vand.u32 $0xFFFF0000, v17;
	v21 =	vadd.f32 v22, v21  }
0x1a7: {  	v17 =	vshll.u32 v17, $0x10;
	v20 =	vmul.f32 v20, v18;
	v22 =	vld [tilespmem:s12+$0x10000];
	v23 =	vadd.f32 v24, v23  }
0x1a8: {  	v17 =	vmul.f32 v17, v18;
	v18 =	vand.u32 $0xFFFF0000, v16;
	v24 =	vld [tilespmem:s12+$0x11000];
	v19 =	vadd.f32 v21, v19  }
0x1a9: {  	v16 =	vshll.u32 v16, $0x10;
	v18 =	vmul.f32 v18, v15;
	v21 =	vld [tilespmem:s12+$0x12000];
	v20 =	vadd.f32 v23, v20  }
0x1aa: {  	v15 =	vmul.f32 v16, v15;
	v23 =	vadd.s32 v3, v13;
	v17 =	vadd.f32 v19, v17  }
0x1ab: {  	v11 =	vadd.s32 v11, v12;
	v12 =	vadd.s32 v7, v13;
	v13 =	vadd.f32 v20, v18  }
0x1ac: {  	v11 =	vmul.u32 v2, v11;
	v16 =	vadd.s32 v3, v14;
	v15 =	vadd.f32 v17, v15  }
0x1ad: {  	v14 =	vadd.s32 v7, v14;
	v18 =	vmul.f32 v22, v0;
	[tilespmem:s6+$0x18000] =	vst v13  }
0x1ae: {  	v17 =	vadd.s32 v3, v11;
	v13 =	vmul.f32 v24, v0;
	v20 =	vmul.f32 v21, v0;
	[tilespmem:s6+$0x16000] =	vst v15;
	s6 =	smov.u32 s20;
	s20 =	smov.u32 s12  }
0x1af: {  	v11 =	vadd.s32 v7, v11;
	v15 =	vtrunc.f32 v18;
	v22 =	vld.idx.msk [tilespmem:v23+s2+$0x0], $0xffff  }
0x1b0: {  	v10 =	vadd.s32 v9, v10;
	v19 =	vtrunc.f32 v13;
	v21 =	vtrunc.f32 v20;
	v23 =	vld.idx.msk [tilespmem:v12+s2+$0x0], $0xffff  }
0x1b1: {  	v24 =	vmul.u32 v2, v10;
	v12 =	vcvt.f32.s32 v15;
	v15 =	vcvt.f32.s32 v19;
	v25 =	vld.idx.msk [tilespmem:v16+s2+$0x0], $0xffff  }
0x1b2: {  	v26 =	vcvt.s32.f32 v8;
	v8 =	vcvt.f32.s32 v21;
	v19 =	vld.idx.msk [tilespmem:v14+s2+$0x0], $0xffff  }
0x1b3: {  	v27 =	vadd.s32 v3, v24;
	v21 =	vcvt.s32.f32 v9;
	v14 =	vcvt.s32.f32 v3;
	v3 =	vmovc v12;
	v9 =	vmovc v15;
	v17 =	vld.idx.msk [tilespmem:v17+s2+$0x0], $0xffff  }
0x1b4: {  	v12 =	vadd.s32 $0x1, v3;
	v15 =	vadd.s32 $0x1, v9;
	v28 =	vadd.s32 $0x1, v8;
	v16 =	vld.idx.msk [tilespmem:v11+s2+$0x0], $0xffff  }
0x1b5: {  	v24 =	vadd.s32 v7, v24;
	v10 =	vmul.u32 v8, v2;
	vm0 =	vlt.s32 v28, v1  }
0x1b6: {  	v21 =	vsub.f32 v6, v21;
	vm1 =	vlt.s32 v12, v1;
	v14 =	vsub.f32 v4, v14;
	v4 =	vmovc v18  }
0x1b7: {  	v26 =	vsub.f32 v5, v26;
	v6 =	vmovc v13;
	vm2 =	vlt.s32 v15, v1;
	v18 =	vsel vm0, v28, v1  }
0x1b8: {  	v5 =	vmovc v20;
	v7 =	vsel vm1, v12, v1;
	v13 =	vsub.f32 $1.000000000e+00, v14;
	v28 =	vmul.f32 v21, v14;
	v27 =	vld.idx.msk [tilespmem:v27+s2+$0x0], $0xffff  }
0x1b9: {  	v11 =	vsel vm2, v15, v1;
	v12 =	vmul.u32 v2, v18;
	v18 =	vsub.f32 $1.000000000e+00, v21  }
0x1ba: {  	v29 =	vsub.f32 $1.000000000e+00, v26;
	v21 =	vmul.f32 v21, v13;
	v15 =	vmul.f32 v26, v28;
	v24 =	vld.idx.msk [tilespmem:v24+s2+$0x0], $0xffff  }
0x1bb: {  	v20 =	vadd.s32 v10, v11;
	v30 =	vmul.f32 v18, v13;
	v14 =	vmul.f32 v18, v14  }
0x1bc: {  	v13 =	vmul.u32 v2, v20;
	v28 =	vmul.f32 v29, v28;
	v18 =	vmul.f32 v26, v21  }
0x1bd: {  	v31 =	vadd.s32 v9, v12;
	v32 =	vmul.f32 v29, v30;
	v20 =	vmul.f32 v14, v26  }
0x1be: {  	v34 =	vmul.f32 v29, v14;
	v33 =	vshll.u32 v27, $0x10;
	v27 =	vand.u32 $0xFFFF0000, v27  }
0x1bf: {  	v14 =	vmul.u32 v2, v31;
	v31 =	vmul.f32 v33, v32;
	v27 =	vmul.f32 v27, v32  }
0x1c0: {  	v29 =	vmul.f32 v29, v21;
	v32 =	vshll.u32 v24, $0x10;
	v24 =	vand.u32 $0xFFFF0000, v24  }
0x1c1: {  	v31 =	vadd.f32 $0.0e+00, v31;
	v27 =	vadd.f32 $0.0e+00, v27;
	v24 =	vmul.f32 v24, v34  }
0x1c2: {  	v21 =	vmul.f32 v30, v26;
	v33 =	vand.u32 $0xFFFF0000, v22;
	v32 =	vmul.f32 v32, v34  }
.Ltmp7:
0x1c3: {  	v22 =	vshll.u32 v22, $0x10;
	v26 =	vmul.f32 v33, v29;
	v24 =	vadd.f32 v27, v24;
	(pc) =	sbr.rel @p1 .LBB2_3-.Ltmp7, $4  }
0x1c4: {  	v22 =	vmul.f32 v22, v29;
	v29 =	vand.u32 $0xFFFF0000, v23;
	v27 =	vadd.f32 v31, v32  }
0x1c5: {  	v23 =	vshll.u32 v23, $0x10;
	v24 =	vadd.f32 v24, v26;
	v26 =	vmul.f32 v29, v28  }
0x1c6: {  	v23 =	vmul.f32 v23, v28;
	v22 =	vadd.f32 v27, v22;
	v27 =	vand.u32 $0xFFFF0000, v25  }
0x1c7: {  	s11 =	sadd.s32 $0x40, s11;
	v24 =	vadd.f32 v24, v26;
	v26 =	vshll.u32 v25, $0x10;
	v25 =	vmul.f32 v27, v21  }
0x1c8: {  	v22 =	vadd.f32 v22, v23  }
0x1c9: {  	v21 =	vmul.f32 v26, v21;
	v23 =	vand.u32 $0xFFFF0000, v19;
	v19 =	vshll.u32 v19, $0x10  }
0x1ca: {  	v10 =	vadd.s32 v9, v10;
	v9 =	vcvt.s32.f32 v9;
	v24 =	vadd.f32 v24, v25  }
0x1cb: {  	v23 =	vmul.f32 v23, v20;
	v19 =	vmul.f32 v19, v20;
	v20 =	vand.u32 $0xFFFF0000, v17  }
0x1cc: {  	v17 =	vshll.u32 v17, $0x10;
	v10 =	vmul.u32 v2, v10;
	v21 =	vadd.f32 v22, v21  }
0x1cd: {  	v20 =	vmul.f32 v20, v18;
	v17 =	vmul.f32 v17, v18;
	v22 =	vadd.f32 v24, v23  }
0x1ce: {  	v18 =	vand.u32 $0xFFFF0000, v16;
	v16 =	vshll.u32 v16, $0x10;
	v19 =	vadd.f32 v21, v19  }
0x1cf: {  	v18 =	vmul.f32 v18, v15;
	v15 =	vmul.f32 v16, v15;
	v20 =	vadd.f32 v22, v20  }
0x1d0: {  	v16 =	vcvt.s32.f32 v3;
	v17 =	vadd.f32 v19, v17;
	v19 =	vadd.s32 v3, v10  }
0x1d1: {  	v8 =	vcvt.s32.f32 v8;
	v6 =	vsub.f32 v6, v9;
	v18 =	vadd.f32 v20, v18  }
0x1d2: {  	v4 =	vsub.f32 v4, v16;
	v10 =	vadd.s32 v7, v10;
	v15 =	vadd.f32 v17, v15  }
0x1d3: {  	v11 =	vadd.s32 v11, v12;
	v9 =	vadd.s32 v3, v13;
	v16 =	vsub.f32 $1.000000000e+00, v6;
	[tilespmem:s6+$0x18000] =	vst v18  }
0x1d4: {  	v5 =	vsub.f32 v5, v8;
	v8 =	vsub.f32 $1.000000000e+00, v4;
	v12 =	vmul.f32 v6, v4;
	[tilespmem:s6+$0x16000] =	vst v15  }
0x1d5: {  	v13 =	vadd.s32 v7, v13;
	v4 =	vmul.f32 v16, v4;
	v15 =	vld.idx.msk [tilespmem:v19+s2+$0x0], $0xffff  }
0x1d6: {  	v17 =	vsub.f32 $1.000000000e+00, v5;
	v6 =	vmul.f32 v6, v8;
	v18 =	vmul.f32 v5, v12  }
0x1d7: {  	v11 =	vmul.u32 v2, v11;
	v8 =	vmul.f32 v16, v8;
	v21 =	vmul.f32 v4, v5;
	v10 =	vld.idx.msk [tilespmem:v10+s2+$0x0], $0xffff  }
0x1d8: {  	v12 =	vmul.f32 v17, v12;
	v4 =	vmul.f32 v17, v4;
	v19 =	vadd.s32 v3, v14  }
0x1d9: {  	v14 =	vadd.s32 v7, v14;
	v16 =	vmul.f32 v5, v6;
	v9 =	vld.idx.msk [tilespmem:v9+s2+$0x0], $0xffff;
	v20 =	vmul.f32 v17, v8  }
0x1da: {  	v3 =	vadd.s32 v3, v11;
	v22 =	vshll.u32 v15, $0x10;
	v15 =	vand.u32 $0xFFFF0000, v15  }
0x1db: {  	v7 =	vadd.s32 v7, v11;
	v11 =	vld.idx.msk [tilespmem:v13+s2+$0x0], $0xffff;
	v6 =	vmul.f32 v17, v6;
	v15 =	vmul.f32 v15, v20  }
0x1dc: {  	v13 =	vmul.f32 v22, v20;
	v20 =	vshll.u32 v10, $0x10;
	v10 =	vand.u32 $0xFFFF0000, v10  }
0x1dd: {  	v5 =	vmul.f32 v8, v5;
	v17 =	vld.idx.msk [tilespmem:v19+s2+$0x0], $0xffff;
	v10 =	vmul.f32 v10, v4;
	v15 =	vadd.f32 $0.0e+00, v15  }
0x1de: {  	v19 =	vand.u32 $0xFFFF0000, v9;
	v4 =	vmul.f32 v20, v4;
	v13 =	vadd.f32 $0.0e+00, v13  }
0x1df: {  	v8 =	vld.idx.msk [tilespmem:v14+s2+$0x0], $0xffff;
	v9 =	vshll.u32 v9, $0x10;
	v14 =	vmul.f32 v19, v6;
	v10 =	vadd.f32 v15, v10  }
0x1e0: {  	v6 =	vmul.f32 v9, v6;
	v9 =	vand.u32 $0xFFFF0000, v11;
	v4 =	vadd.f32 v13, v4  }
0x1e1: {  	v3 =	vld.idx.msk [tilespmem:v3+s2+$0x0], $0xffff;
	v11 =	vshll.u32 v11, $0x10;
	v9 =	vmul.f32 v9, v12;
	v10 =	vadd.f32 v10, v14  }
0x1e2: {  	v4 =	vadd.f32 v4, v6;
	v6 =	vmul.f32 v11, v12;
	v11 =	vand.u32 $0xFFFF0000, v17  }
0x1e3: {  	v7 =	vld.idx.msk [tilespmem:v7+s2+$0x0], $0xffff;
	v11 =	vmul.f32 v11, v5;
	v9 =	vadd.f32 v10, v9;
	v10 =	vshll.u32 v17, $0x10  }
0x1e4: {  	v4 =	vadd.f32 v4, v6;
	v6 =	vand.u32 $0xFFFF0000, v8;
	v5 =	vmul.f32 v10, v5  }
0x1e5: {  	v8 =	vshll.u32 v8, $0x10;
	v6 =	vmul.f32 v6, v21;
	v9 =	vadd.f32 v9, v11  }
0x1e6: {  	v4 =	vadd.f32 v4, v5;
	v5 =	vmul.f32 v8, v21;
	v8 =	vand.u32 $0xFFFF0000, v3  }
0x1e7: {  	v3 =	vshll.u32 v3, $0x10;
	v6 =	vadd.f32 v9, v6;
	v8 =	vmul.f32 v8, v16  }
0x1e8: {  	v3 =	vmul.f32 v3, v16;
	v4 =	vadd.f32 v4, v5;
	v5 =	vand.u32 $0xFFFF0000, v7  }
0x1e9: {  	s12 =	sshll.u32 s13, $0x1;
	v7 =	vshll.u32 v7, $0x10;
	v6 =	vadd.f32 v6, v8;
	v5 =	vmul.f32 v5, v18  }
0x1ea: {  	s11 =	smin.u32 s12, $0xD;
	v3 =	vadd.f32 v4, v3;
	v4 =	vmul.f32 v7, v18  }
0x1eb: {  	s6 =	sshll.u32 s11, $0xC;
	v5 =	vadd.f32 v6, v5  }
0x1ec: {  	s6 =	sadd.s32 s6, s14;
	v3 =	vadd.f32 v3, v4  }
0x1ed: {  	s6 =	sshrl.u32 s6, $0x3;
	[tilespmem:s20+$0x18000] =	vst v5  }
0x1ee: {  	s21 =	simm.s32 $0x0;
	s11 =	sadd.s32 s3, s6;
	[tilespmem:s20+$0x16000] =	vst v3  }
0x1ef: {  	[tilespmem:s22], [sflag:$0x1] =	stream.linear.gather [hbm4b:s11+s21], $0x1000, $0x38;
	[tilespmem:$0x1A000] =	vst v63  }
0x1f0: {  	s20 =	sshll.u32 s13, $0xD;
	s11 =	sadd.s32 $0x8000, s11  }
0x1f1: {  	[tilespmem:s23], [sflag:$0x1] =	stream.linear.gather [hbm4b:s11+s21], $0x1000, $0x38;
	[tilespmem:$0x1A000] =	vst v63  }
0x1f2: {  	s6 =	sadd.s32 s6, s7;
	s20 =	sor.u32 s8, s20  }
0x1f3: {  	[tilespmem:s24], [sflag:$0x1] =	stream.linear.gather [hbm4b:s6+s21], $0x1000, $0x38;
	[tilespmem:$0x1A000] =	vst v63  }
0x1f4: {  	s6 =	sor.u32 s16, s20  }
0x1f5: {  	s6 =	sshrl.u32 s6, $0x3  }
0x1f6: {  	s30 =	simm.s32 $0x16000;
	s6 =	sadd.s32 s4, s6  }
0x1f7: {  	[hbm4b:s6+s21] =	stream.linear.scatter [tilespmem:s30], [sflag:$0x3], $0x1000, $0x38;
	[tilespmem:$0x1A000] =	vst v63  }
0x1f8: {  	s30 =	sor.u32 s19, s20  }
0x1f9: {  	s6 =	sshrl.u32 s30, $0x3  }
0x1fa: {  	s6 =	sadd.s32 s4, s6  }
0x1fb: {  	[hbm4b:s6+s21] =	stream.linear.scatter [tilespmem:s31], [sflag:$0x3], $0x1000, $0x38;
	[tilespmem:$0x1A000] =	vst v63  }
0x1fc: {  	_ =	swait.ge [sflag:s0], $0x1000  }
0x1fd: {  	[sflag:s0] =	ssyncset.done $0x0  }
0x1fe: {  	[sflag:s0] =	ssyncadd.s32 $0xFFFFF000  }
0x1ff: {  	_ =	swait.ge [sflag:s0], $0x1000  }
0x200: {  	[sflag:s0] =	ssyncset.done $0x0  }
0x201: {  	[sflag:s0] =	ssyncadd.s32 $0xFFFFF000  }
0x202: {  	_ =	swait.ge [sflag:s0], $0x1000  }
0x203: {  	[sflag:s0] =	ssyncset.done $0x0  }
0x204: {  	s21 =	simm.s32 $0x0;
	[sflag:s0] =	ssyncadd.s32 $0xFFFFF000  }
0x205: {  	v3 =	vld [tilespmem:s21+$0x14000]  }
0x206: {  	v4 =	vld [tilespmem:s21+$0x15000]  }
0x207: {  	v5 =	vld [tilespmem:s21+$0x13000];
	_ =	sdelay $0x1  }
0x208: {  	s6 =	simm.s32 $0x10  }
0x209: {  	v6 =	vld [tilespmem:s6+$0x14000]  }
0x20a: {  	v7 =	vmul.f32 v3, v0;
	v11 =	vmul.f32 v4, v0  }
0x20b: {  	v12 =	vmul.f32 v5, v0  }
0x20c: {  	v3 =	vtrunc.f32 v7;
	v4 =	vtrunc.f32 v11  }
0x20d: {  	v10 =	vcvt.f32.s32 v3;
	v13 =	vcvt.f32.s32 v4  }
0x20e: {  	v6 =	vmul.f32 v6, v0;
	v3 =	vtrunc.f32 v12  }
0x20f: {  	v16 =	vld [tilespmem:s6+$0x15000];
	v14 =	vcvt.f32.s32 v3;
	v3 =	vadd.s32 $0x1, v10;
	v4 =	vadd.s32 $0x1, v13  }
0x210: {  	v5 =	vld [tilespmem:s6+$0x13000];
	v8 =	vmul.u32 v13, v2;
	v13 =	vcvt.s32.f32 v13;
	vm0 =	vlt.s32 v4, v1  }
0x211: {  	vm1 =	vlt.s32 v3, v1;
	v9 =	vadd.s32 $0x1, v14;
	v4 =	vsel vm0, v4, v1  }
0x212: {  	v3 =	vsel vm1, v3, v1;
	vm13 =	vlt.s32 v9, v1;
	v4 =	vmul.u32 v2, v4  }
0x213: {  	v15 =	vadd.s32 v8, v3;
	v17 =	vsel vm13, v9, v1;
	v8 =	vadd.s32 v10, v8  }
0x214: {  	v15 =	vmul.u32 v2, v15;
	v20 =	vmul.u32 v2, v8;
	v9 =	vadd.s32 v10, v4  }
0x215: {  	v3 =	vadd.s32 v3, v4;
	v4 =	vmul.f32 v5, v0;
	v5 =	vmul.f32 v16, v0  }
0x216: {  	v9 =	vmul.u32 v2, v9;
	v19 =	vadd.s32 v14, v15;
	v21 =	vadd.s32 v17, v15  }
0x217: {  	v15 =	vmul.u32 v2, v3;
	v3 =	vtrunc.f32 v4;
	v18 =	vtrunc.f32 v5  }
0x218: {  	v22 =	vadd.s32 v14, v9;
	v16 =	vadd.s32 v17, v9;
	v9 =	vtrunc.f32 v6  }
0x219: {  	v23 =	vadd.s32 v14, v15;
	v3 =	vcvt.f32.s32 v3;
	v8 =	vcvt.f32.s32 v18  }
0x21a: {  	v24 =	vadd.s32 v17, v15;
	v15 =	vcvt.s32.f32 v14;
	v18 =	vcvt.s32.f32 v10  }
0x21b: {  	v14 =	vadd.s32 v14, v20;
	v17 =	vadd.s32 v17, v20;
	v9 =	vcvt.f32.s32 v9  }
0x21c: {  	v25 =	vadd.s32 $0x1, v3;
	v27 =	vadd.s32 $0x1, v8;
	v20 =	vsub.f32 v12, v15  }
0x21d: {  	v15 =	vsub.f32 v7, v18;
	v26 =	vadd.s32 $0x1, v9;
	vm14 =	vlt.s32 v27, v1  }
0x21e: {  	vm15 =	vlt.s32 v25, v1;
	vm2 =	vlt.s32 v26, v1;
	v12 =	vsel vm14, v27, v1  }
0x21f: {  	v27 =	vsub.f32 v11, v13;
	v13 =	vsub.f32 $1.000000000e+00, v20;
	v18 =	vmul.f32 v15, v20  }
0x220: {  	v7 =	vsel vm15, v25, v1;
	v25 =	vsub.f32 $1.000000000e+00, v15;
	v14 =	vld.idx.msk [tilespmem:v14+s2+$0x0], $0xffff;
	v11 =	vsel vm2, v26, v1  }
0x221: {  	v17 =	vld.idx.msk [tilespmem:v17+s2+$0x0], $0xffff;
	v26 =	vmul.f32 v15, v13;
	v28 =	vsub.f32 $1.000000000e+00, v27;
	v15 =	vmul.f32 v27, v18  }
0x222: {  	v10 =	vmul.u32 v8, v2;
	v30 =	vmul.f32 v25, v13;
	v25 =	vmul.f32 v25, v20  }
0x223: {  	v19 =	vld.idx.msk [tilespmem:v19+s2+$0x0], $0xffff;
	v12 =	vmul.u32 v2, v12;
	v59 =	vmul.f32 v28, v18;
	v18 =	vmul.f32 v27, v26  }
0x224: {  	v29 =	vadd.s32 v10, v11;
	v32 =	vmul.f32 v28, v30;
	v20 =	vmul.f32 v25, v27  }
0x225: {  	v31 =	vadd.s32 v9, v12;
	v25 =	vmul.f32 v28, v25;
	v26 =	vmul.f32 v28, v26  }
0x226: {  	v33 =	vshll.u32 v14, $0x10;
	v34 =	vand.u32 $0xFFFF0000, v14;
	v61 =	vshll.u32 v17, $0x10  }
0x227: {  	v35 =	vld.idx.msk [tilespmem:v21+s2+$0x0], $0xffff;
	v17 =	vand.u32 $0xFFFF0000, v17;
	v21 =	vmul.f32 v33, v32;
	v60 =	vmul.f32 v34, v32  }
0x228: {  	v63 =	vand.u32 $0xFFFF0000, v19;
	v14 =	vmul.u32 v2, v31;
	v17 =	vmul.f32 v17, v25  }
0x229: {  	v62 =	vld.idx.msk [tilespmem:v22+s2+$0x0], $0xffff;
	v25 =	vmul.f32 v61, v25;
	v22 =	vadd.f32 $0.0e+00, v21;
	v31 =	vadd.f32 $0.0e+00, v60  }
0x22a: {  	v19 =	vshll.u32 v19, $0x10;
	v21 =	vmul.f32 v30, v27;
	v27 =	vmul.f32 v63, v26  }
0x22b: {  	v17 =	vadd.f32 v31, v17;
	v22 =	vadd.f32 v22, v25;
	v25 =	vmul.f32 v19, v26;
	v19 =	vld.idx.msk [tilespmem:v16+s2+$0x0], $0xffff  }
0x22c: {  	v13 =	vmul.u32 v2, v29;
	v26 =	vand.u32 $0xFFFF0000, v35  }
0x22d: {  	v16 =	vshll.u32 v35, $0x10;
	v26 =	vmul.f32 v26, v59;
	v27 =	vadd.f32 v17, v27;
	v17 =	vld.idx.msk [tilespmem:v23+s2+$0x0], $0xffff  }
0x22e: {  	v22 =	vadd.f32 v22, v25;
	v23 =	vmul.f32 v16, v59;
	v25 =	vand.u32 $0xFFFF0000, v62  }
0x22f: {  	s11 =	simm.s32 $0x80;
	v16 =	vld.idx.msk [tilespmem:v24+s2+$0x0], $0xffff;
	v25 =	vmul.f32 v25, v21;
	v24 =	vadd.f32 v27, v26;
	v26 =	vshll.u32 v62, $0x10  }
.LBB2_5:
0x230: {  	p1 =	sne.s32 s11, $0x3FC0;
	v22 =	vadd.f32 v22, v23;
	v21 =	vmul.f32 v26, v21;
	v23 =	vand.u32 $0xFFFF0000, v19  }
0x231: {  	v19 =	vshll.u32 v19, $0x10;
	v24 =	vadd.f32 v24, v25;
	v23 =	vmul.f32 v23, v20  }
0x232: {  	s30 =	sshra.s32 s11, $0x2;
	v19 =	vmul.f32 v19, v20;
	v20 =	vand.u32 $0xFFFF0000, v17;
	v21 =	vadd.f32 v22, v21  }
0x233: {  	v17 =	vshll.u32 v17, $0x10;
	v20 =	vmul.f32 v20, v18;
	v22 =	vld [tilespmem:s30+$0x13000];
	v23 =	vadd.f32 v24, v23  }
0x234: {  	v17 =	vmul.f32 v17, v18;
	v18 =	vand.u32 $0xFFFF0000, v16;
	v24 =	vld [tilespmem:s30+$0x14000];
	v19 =	vadd.f32 v21, v19  }
0x235: {  	v16 =	vshll.u32 v16, $0x10;
	v18 =	vmul.f32 v18, v15;
	v21 =	vld [tilespmem:s30+$0x15000];
	v20 =	vadd.f32 v23, v20  }
0x236: {  	v15 =	vmul.f32 v16, v15;
	v23 =	vadd.s32 v3, v13;
	v17 =	vadd.f32 v19, v17  }
0x237: {  	v11 =	vadd.s32 v11, v12;
	v12 =	vadd.s32 v7, v13;
	v13 =	vadd.f32 v20, v18  }
0x238: {  	v11 =	vmul.u32 v2, v11;
	v16 =	vadd.s32 v3, v14;
	v15 =	vadd.f32 v17, v15  }
0x239: {  	v14 =	vadd.s32 v7, v14;
	v18 =	vmul.f32 v22, v0;
	[tilespmem:s21+$0x19000] =	vst v13  }
0x23a: {  	v17 =	vadd.s32 v3, v11;
	v13 =	vmul.f32 v24, v0;
	v20 =	vmul.f32 v21, v0;
	[tilespmem:s21+$0x17000] =	vst v15;
	s21 =	smov.u32 s6;
	s6 =	smov.u32 s30  }
0x23b: {  	v11 =	vadd.s32 v7, v11;
	v15 =	vtrunc.f32 v18;
	v22 =	vld.idx.msk [tilespmem:v23+s2+$0x0], $0xffff  }
0x23c: {  	v10 =	vadd.s32 v9, v10;
	v19 =	vtrunc.f32 v13;
	v21 =	vtrunc.f32 v20;
	v23 =	vld.idx.msk [tilespmem:v12+s2+$0x0], $0xffff  }
0x23d: {  	v24 =	vmul.u32 v2, v10;
	v12 =	vcvt.f32.s32 v15;
	v15 =	vcvt.f32.s32 v19;
	v25 =	vld.idx.msk [tilespmem:v16+s2+$0x0], $0xffff  }
0x23e: {  	v26 =	vcvt.s32.f32 v8;
	v8 =	vcvt.f32.s32 v21;
	v19 =	vld.idx.msk [tilespmem:v14+s2+$0x0], $0xffff  }
0x23f: {  	v27 =	vadd.s32 v3, v24;
	v21 =	vcvt.s32.f32 v9;
	v14 =	vcvt.s32.f32 v3;
	v3 =	vmovc v12;
	v9 =	vmovc v15;
	v17 =	vld.idx.msk [tilespmem:v17+s2+$0x0], $0xffff  }
0x240: {  	v12 =	vadd.s32 $0x1, v3;
	v15 =	vadd.s32 $0x1, v9;
	v28 =	vadd.s32 $0x1, v8;
	v16 =	vld.idx.msk [tilespmem:v11+s2+$0x0], $0xffff  }
0x241: {  	v24 =	vadd.s32 v7, v24;
	v10 =	vmul.u32 v8, v2;
	vm0 =	vlt.s32 v28, v1  }
0x242: {  	v21 =	vsub.f32 v6, v21;
	vm1 =	vlt.s32 v12, v1;
	v14 =	vsub.f32 v4, v14;
	v4 =	vmovc v18  }
0x243: {  	v26 =	vsub.f32 v5, v26;
	v6 =	vmovc v13;
	vm2 =	vlt.s32 v15, v1;
	v18 =	vsel vm0, v28, v1  }
0x244: {  	v5 =	vmovc v20;
	v7 =	vsel vm1, v12, v1;
	v13 =	vsub.f32 $1.000000000e+00, v14;
	v28 =	vmul.f32 v21, v14;
	v27 =	vld.idx.msk [tilespmem:v27+s2+$0x0], $0xffff  }
0x245: {  	v11 =	vsel vm2, v15, v1;
	v12 =	vmul.u32 v2, v18;
	v18 =	vsub.f32 $1.000000000e+00, v21  }
0x246: {  	v29 =	vsub.f32 $1.000000000e+00, v26;
	v21 =	vmul.f32 v21, v13;
	v15 =	vmul.f32 v26, v28;
	v24 =	vld.idx.msk [tilespmem:v24+s2+$0x0], $0xffff  }
0x247: {  	v20 =	vadd.s32 v10, v11;
	v30 =	vmul.f32 v18, v13;
	v14 =	vmul.f32 v18, v14  }
0x248: {  	v13 =	vmul.u32 v2, v20;
	v28 =	vmul.f32 v29, v28;
	v18 =	vmul.f32 v26, v21  }
0x249: {  	v31 =	vadd.s32 v9, v12;
	v32 =	vmul.f32 v29, v30;
	v20 =	vmul.f32 v14, v26  }
0x24a: {  	v34 =	vmul.f32 v29, v14;
	v33 =	vshll.u32 v27, $0x10;
	v27 =	vand.u32 $0xFFFF0000, v27  }
0x24b: {  	v14 =	vmul.u32 v2, v31;
	v31 =	vmul.f32 v33, v32;
	v27 =	vmul.f32 v27, v32  }
0x24c: {  	v29 =	vmul.f32 v29, v21;
	v32 =	vshll.u32 v24, $0x10;
	v24 =	vand.u32 $0xFFFF0000, v24  }
0x24d: {  	v31 =	vadd.f32 $0.0e+00, v31;
	v27 =	vadd.f32 $0.0e+00, v27;
	v24 =	vmul.f32 v24, v34  }
0x24e: {  	v21 =	vmul.f32 v30, v26;
	v33 =	vand.u32 $0xFFFF0000, v22;
	v32 =	vmul.f32 v32, v34  }
.Ltmp8:
0x24f: {  	v22 =	vshll.u32 v22, $0x10;
	v26 =	vmul.f32 v33, v29;
	v24 =	vadd.f32 v27, v24;
	(pc) =	sbr.rel @p1 .LBB2_5-.Ltmp8, $4  }
0x250: {  	v22 =	vmul.f32 v22, v29;
	v29 =	vand.u32 $0xFFFF0000, v23;
	v27 =	vadd.f32 v31, v32  }
0x251: {  	v23 =	vshll.u32 v23, $0x10;
	v24 =	vadd.f32 v24, v26;
	v26 =	vmul.f32 v29, v28  }
0x252: {  	v23 =	vmul.f32 v23, v28;
	v22 =	vadd.f32 v27, v22;
	v27 =	vand.u32 $0xFFFF0000, v25  }
0x253: {  	s11 =	sadd.s32 $0x40, s11;
	v24 =	vadd.f32 v24, v26;
	v26 =	vshll.u32 v25, $0x10;
	v25 =	vmul.f32 v27, v21  }
0x254: {  	v22 =	vadd.f32 v22, v23  }
0x255: {  	v21 =	vmul.f32 v26, v21;
	v62 =	vand.u32 $0xFFFF0000, v19;
	v63 =	vshll.u32 v19, $0x10  }
0x256: {  	v27 =	vshll.u32 v17, $0x10;
	v28 =	vand.u32 $0xFFFF0000, v16;
	v10 =	vadd.s32 v9, v10  }
0x257: {  	v29 =	vshll.u32 v16, $0x10;
	v24 =	vadd.f32 v24, v25;
	v23 =	vmul.f32 v62, v20  }
0x258: {  	v19 =	vmul.f32 v63, v20;
	v25 =	vand.u32 $0xFFFF0000, v17;
	v21 =	vadd.f32 v22, v21  }
0x259: {  	v31 =	vcvt.s32.f32 v3;
	v20 =	vmul.f32 v25, v18;
	v26 =	vadd.f32 v24, v23  }
0x25a: {  	v17 =	vmul.f32 v27, v18;
	v10 =	vmul.u32 v2, v10;
	v19 =	vadd.f32 v21, v19  }
0x25b: {  	v32 =	vcvt.s32.f32 v9;
	v18 =	vmul.f32 v28, v15;
	v20 =	vadd.f32 v26, v20  }
0x25c: {  	v30 =	vmul.f32 v29, v15;
	v33 =	vadd.s32 v3, v10;
	v17 =	vadd.f32 v19, v17  }
0x25d: {  	v8 =	vcvt.s32.f32 v8;
	v4 =	vsub.f32 v4, v31;
	v18 =	vadd.f32 v20, v18  }
0x25e: {  	v6 =	vsub.f32 v6, v32;
	v10 =	vadd.s32 v7, v10;
	v15 =	vadd.f32 v17, v30  }
0x25f: {  	v34 =	vadd.s32 v3, v13;
	v11 =	vadd.s32 v11, v12;
	[tilespmem:s21+$0x19000] =	vst v18  }
0x260: {  	v5 =	vsub.f32 v5, v8;
	v35 =	vsub.f32 $1.000000000e+00, v4;
	v36 =	vmul.f32 v6, v4;
	[tilespmem:s21+$0x17000] =	vst v15  }
0x261: {  	v37 =	vadd.s32 v7, v13;
	v41 =	vadd.s32 v3, v14;
	v38 =	vsub.f32 $1.000000000e+00, v6;
	v15 =	vld.idx.msk [tilespmem:v33+s2+$0x0], $0xffff  }
0x262: {  	v39 =	vsub.f32 $1.000000000e+00, v5;
	v6 =	vmul.f32 v6, v35;
	v40 =	vmul.f32 v5, v36  }
0x263: {  	v11 =	vmul.u32 v2, v11;
	v8 =	vmul.f32 v38, v35;
	v4 =	vmul.f32 v38, v4;
	v10 =	vld.idx.msk [tilespmem:v10+s2+$0x0], $0xffff  }
0x264: {  	v42 =	vadd.s32 v7, v14;
	v12 =	vmul.f32 v39, v36;
	v43 =	vmul.f32 v5, v6  }
0x265: {  	v3 =	vadd.s32 v3, v11;
	v44 =	vmul.f32 v39, v8;
	v45 =	vmul.f32 v4, v5;
	v9 =	vld.idx.msk [tilespmem:v34+s2+$0x0], $0xffff  }
0x266: {  	v4 =	vmul.f32 v39, v4;
	v46 =	vshll.u32 v15, $0x10;
	v15 =	vand.u32 $0xFFFF0000, v15  }
0x267: {  	v47 =	vadd.s32 v7, v11;
	v6 =	vmul.f32 v39, v6;
	v48 =	vld.idx.msk [tilespmem:v37+s2+$0x0], $0xffff;
	v15 =	vmul.f32 v15, v44  }
0x268: {  	v50 =	vshll.u32 v10, $0x10;
	v10 =	vand.u32 $0xFFFF0000, v10;
	v49 =	vmul.f32 v46, v44  }
0x269: {  	v5 =	vmul.f32 v8, v5;
	v51 =	vld.idx.msk [tilespmem:v41+s2+$0x0], $0xffff;
	v10 =	vmul.f32 v10, v4;
	v15 =	vadd.f32 $0.0e+00, v15  }
0x26a: {  	v52 =	vand.u32 $0xFFFF0000, v9;
	v4 =	vmul.f32 v50, v4;
	v13 =	vadd.f32 $0.0e+00, v49  }
0x26b: {  	v53 =	vld.idx.msk [tilespmem:v42+s2+$0x0], $0xffff;
	v9 =	vshll.u32 v9, $0x10;
	v54 =	vmul.f32 v52, v6;
	v10 =	vadd.f32 v15, v10  }
0x26c: {  	v55 =	vand.u32 $0xFFFF0000, v48;
	v6 =	vmul.f32 v9, v6;
	v4 =	vadd.f32 v13, v4  }
0x26d: {  	v3 =	vld.idx.msk [tilespmem:v3+s2+$0x0], $0xffff;
	v11 =	vshll.u32 v48, $0x10;
	v9 =	vmul.f32 v55, v12;
	v10 =	vadd.f32 v10, v54  }
0x26e: {  	v57 =	vand.u32 $0xFFFF0000, v51;
	v56 =	vmul.f32 v11, v12;
	v4 =	vadd.f32 v4, v6  }
0x26f: {  	v7 =	vld.idx.msk [tilespmem:v47+s2+$0x0], $0xffff;
	v58 =	vshll.u32 v51, $0x10;
	v11 =	vmul.f32 v57, v5;
	v9 =	vadd.f32 v10, v9  }
0x270: {  	v59 =	vand.u32 $0xFFFF0000, v53;
	v5 =	vmul.f32 v58, v5;
	v4 =	vadd.f32 v4, v56  }
0x271: {  	v8 =	vshll.u32 v53, $0x10;
	v6 =	vmul.f32 v59, v45;
	v9 =	vadd.f32 v9, v11  }
0x272: {  	v61 =	vand.u32 $0xFFFF0000, v3;
	v60 =	vmul.f32 v8, v45;
	v4 =	vadd.f32 v4, v5  }
0x273: {  	v3 =	vshll.u32 v3, $0x10;
	v8 =	vmul.f32 v61, v43;
	v6 =	vadd.f32 v9, v6  }
0x274: {  	v62 =	vand.u32 $0xFFFF0000, v7;
	v3 =	vmul.f32 v3, v43;
	v4 =	vadd.f32 v4, v60  }
0x275: {  	v7 =	vshll.u32 v7, $0x10;
	v5 =	vmul.f32 v62, v40;
	v6 =	vadd.f32 v6, v8  }
0x276: {  	s11 =	smin.u32 s12, $0xC;
	v63 =	vmul.f32 v7, v40;
	v3 =	vadd.f32 v4, v3  }
0x277: {  	s11 =	sshll.u32 s11, $0xC;
	v5 =	vadd.f32 v6, v5  }
0x278: {  	s11 =	sadd.s32 s11, s18;
	v3 =	vadd.f32 v3, v63  }
0x279: {  	s11 =	sshrl.u32 s11, $0x3;
	[tilespmem:s6+$0x19000] =	vst v5  }
0x27a: {  	s30 =	sadd.s32 s3, s11;
	s21 =	sor.u32 $0x1000, s20;
	[tilespmem:s6+$0x17000] =	vst v3  }
0x27b: {  	[tilespmem:s25], [sflag:$0x2] =	stream.linear.gather [hbm4b:s30+s2], $0x1000, $0x38;
	[tilespmem:$0x1A000] =	vst v63  }
0x27c: {  	s6 =	sadd.s32 $0x8000, s30;
	s30 =	sor.u32 s16, s21  }
0x27d: {  	[tilespmem:s26], [sflag:$0x2] =	stream.linear.gather [hbm4b:s6+s2], $0x1000, $0x38;
	[tilespmem:$0x1A000] =	vst v63  }
0x27e: {  	s12 =	sadd.s32 s11, s7;
	s11 =	sshrl.u32 s30, $0x3;
	s6 =	sor.u32 s19, s21  }
0x27f: {  	[tilespmem:s28], [sflag:$0x2] =	stream.linear.gather [hbm4b:s12+s2], $0x1000, $0x38;
	[tilespmem:$0x1A000] =	vst v63  }
0x280: {  	s11 =	sadd.s32 s4, s11;
	s6 =	sshrl.u32 s6, $0x3  }
0x281: {  	[hbm4b:s11+s2] =	stream.linear.scatter [tilespmem:s1], [sflag:$0x4], $0x1000, $0x38;
	[tilespmem:$0x1A000] =	vst v63  }
0x282: {  	s6 =	sadd.s32 s4, s6  }
0x283: {  	[hbm4b:s6+s2] =	stream.linear.scatter [tilespmem:s5], [sflag:$0x4], $0x1000, $0x38;
	[tilespmem:$0x1A000] =	vst v63  }
0x284: {  	_ =	swait.ge [sflag:s9], $0x1000  }
0x285: {  	[sflag:s9] =	ssyncset.done $0x0  }
0x286: {  	[sflag:s9] =	ssyncadd.s32 $0xFFFFF000  }
0x287: {  	_ =	swait.ge [sflag:s9], $0x1000  }
0x288: {  	[sflag:s9] =	ssyncset.done $0x0  }
0x289: {  	s13 =	sadd.s32 $0x1, s13;
	[sflag:s9] =	ssyncadd.s32 $0xFFFFF000  }
0x28a: {  	p1 =	seq.s32 s13, $0x8;
	_ =	swait.ge [sflag:s10], $0x1000  }
.Ltmp9:
0x28b: {  	[sflag:s10] =	ssyncset.done $0x0;
	(pc) =	sbr.rel @!p1 .LBB2_2-.Ltmp9, $4  }
.Ltmp10:
0x28c: {  	[sflag:s10] =	ssyncadd.s32 $0xFFFFF000;
	(pc) =	sbr.rel @p1 .LBB2_12-.Ltmp10, $4  }
0x28d: {  	_ =	swait.ge [sflag:s10], $0x1000  }
0x28e: {  	[sflag:s10] =	ssyncset.done $0x0  }
0x28f: {  	[sflag:s10] =	ssyncadd.s32 $0xFFFFF000  }
0x290: {  	_ = 	snop  }
.LBB2_13:
0x291: {  	_ =	sfence.sel $0x180000  }
0x292: {  	[bflag:$0x0] =	sbarrier.arrive $0xFFFF  }
0x293: {  	_ =	strace $0x90000047  }
0x294: {  	s0 =	stileid.u32;
	[bflag:$0x2] =	sbarrier.arrive $0xFFFF  }
0x295: {  	p0 =	sne.s32 s0, $0x0;
	s0 =	rddreg [dreg:$0x1]  }
0x296: {  	s0 =	sadd.s32 @!p0 $0x100000, s0  }
0x297: {  	[sflag:s0] =	ssyncadd.tile.s32 @!p0 $0x1;
	_ =	shalt  }
.Lfunc_end2:
_tile_overlayer_lowered:
.L_overlay_start_2:
0x298: {  	(tag) =	ssettag $0x2  }
0x299: {  	s0 =	rddreg [dreg:$0x0];
	s2 =	stileid.u32  }
0x29a: {  	s1 =	rddreg [dreg:$0x1];
	p0 =	sne.s32 s2, $0x0  }
0x29b: {  	s3 =	rddreg [dreg:$0x2];
	[bflag:$0x3] =	sbarrier.arrive $0xFFFF;
	s2 =	simm.s32 @!p0 $0x1C05  }
0x29c: {  	[timem:s3], [sflag:s2] =	dma.local @!p0 [hbm:s0], s1  }
0x29d: {  	s0 =	simm.s32 @!p0 $0x5  }
0x29e: {  	_ =	swait.ge @!p0 [sflag:s0], s1  }
0x29f: {  	s1 =	ssub.s32 @!p0 $0x0, s1;
	[sflag:s0] =	ssyncset.done @!p0 $0x0  }
0x2a0: {  	[sflag:s0] =	ssyncadd.s32 @!p0 s1  }
0x2a1: {  	[bflag:$0x3] =	sbarrier.arrive $0xFFFF  }
0x2a2: {  	_ =	shalt  }

</sc_bundles>
